<compile_context>
chip_gen: v7x
topology: tpu7x:2x2x1
jax: 0.10.2.dev20260603
libtpu: 0.0.44.dev20260713+nightly
codegen_flags: <defaults>
</compile_context>

<pallas_src>
import jax
import jax.numpy as jnp
from jax import lax
from jax.experimental import pallas as pl
from jax.experimental.pallas import tpu as pltpu
from jax.experimental.pallas import tpu_sc as plsc

N_OUT = 768
C_IN = 768
HW = 9
M = 4
TOTAL = N_OUT * C_IN * HW
NWORKERS = 32
PER_TILE = TOTAL // NWORKERS
GBLK = M * HW
UNIT = 16 * GBLK
CHUNK_UNITS = 36
CHUNK = CHUNK_UNITS * UNIT
NCHUNK = PER_TILE // CHUNK
NPAIR = NCHUNK // 2


def _body(w_hbm, out_hbm, bin0, bin1, bout0, bout1, si0, si1, so0, so1):
    cid = lax.axis_index("c")
    sid = lax.axis_index("s")
    wid = sid * 2 + cid
    tbase = wid * PER_TILE
    bins = (bin0, bin1)
    bouts = (bout0, bout1)
    sis = (si0, si1)
    sos = (so0, so1)

    lane4 = lax.iota(jnp.int32, 16) * M
    ionev = jnp.ones((16,), jnp.int32)
    izerov = jnp.zeros((16,), jnp.int32)

    pltpu.async_copy(w_hbm.at[pl.ds(tbase, CHUNK)], bin0, si0)
    pltpu.async_copy(w_hbm.at[pl.ds(tbase + CHUNK, CHUNK)], bin1, si1)

    def compute_chunk(bin_ref, bout_ref):
        @plsc.parallel_loop(0, CHUNK_UNITS)
        def unit_body(u):
            for j in range(HW):
                src = bin_ref.at[pl.ds(u * UNIT + 64 * j, 64)]
                dst = bout_ref.at[pl.ds(u * UNIT + 64 * j, 64)]
                idx = [lane4 + k for k in range(M)]
                a = [plsc.load_gather(src, [idx[k]]) for k in range(M)]
                n = [jnp.abs(a[k]) + jnp.float32(1e-7) for k in range(M)]
                c01 = n[0] >= n[1]
                c02 = n[0] >= n[2]
                c03 = n[0] >= n[3]
                c12 = n[1] >= n[2]
                c13 = n[1] >= n[3]
                c23 = n[2] >= n[3]
                x01 = jnp.where(c01, ionev, izerov)
                x02 = jnp.where(c02, ionev, izerov)
                x03 = jnp.where(c03, ionev, izerov)
                x12 = jnp.where(c12, ionev, izerov)
                x13 = jnp.where(c13, ionev, izerov)
                x23 = jnp.where(c23, ionev, izerov)
                k0 = (x01 + x02 + x03) >= 2
                k1 = (x12 + x13 - x01) >= 1
                k2 = x23 >= (x02 + x12)
                k3 = k0 ^ k1 ^ k2
                keep = (k0, k1, k2, k3)
                zero = jnp.zeros((16,), jnp.float32)
                for k in range(M):
                    plsc.store_scatter(dst, [idx[k]],
                                       jnp.where(keep[k], a[k], zero))

    def pair_body(g2, carry):
        for b in range(2):
            off = tbase + (g2 * 2 + b) * CHUNK
            pltpu.make_async_copy(
                w_hbm.at[pl.ds(tbase, CHUNK)], bins[b], sis[b]).wait()

            @pl.when(g2 > 0)
            def _():
                pltpu.make_async_copy(
                    bouts[b], out_hbm.at[pl.ds(tbase, CHUNK)], sos[b]).wait()

            compute_chunk(bins[b], bouts[b])

            pltpu.async_copy(bouts[b], out_hbm.at[pl.ds(off, CHUNK)], sos[b])

            @pl.when(g2 < NPAIR - 1)
            def _():
                pltpu.async_copy(
                    w_hbm.at[pl.ds(off + 2 * CHUNK, CHUNK)], bins[b], sis[b])
        return carry

    lax.fori_loop(0, NPAIR, pair_body, 0)

    for b in range(2):
        pltpu.make_async_copy(
            bouts[b], out_hbm.at[pl.ds(tbase, CHUNK)], sos[b]).wait()


def kernel(weight):
    wf = (weight.transpose(2, 3, 0, 1)
          .reshape(3, 3, 96, 8, 6, 128)
          .transpose(0, 1, 2, 4, 3, 5)
          .reshape(TOTAL))
    mesh = plsc.VectorSubcoreMesh(core_axis_name="c", subcore_axis_name="s")
    f = pl.kernel(
        _body,
        out_type=jax.ShapeDtypeStruct((TOTAL,), jnp.float32),
        mesh=mesh,
        compiler_params=pltpu.CompilerParams(
            needs_layout_passes=False, skip_device_barrier=True),
        scratch_types=[
            pltpu.VMEM((CHUNK,), jnp.float32),
            pltpu.VMEM((CHUNK,), jnp.float32),
            pltpu.VMEM((CHUNK,), jnp.float32),
            pltpu.VMEM((CHUNK,), jnp.float32),
            pltpu.SemaphoreType.DMA,
            pltpu.SemaphoreType.DMA,
            pltpu.SemaphoreType.DMA,
            pltpu.SemaphoreType.DMA,
        ],
    )
    of = f(wf)
    return (of.reshape(3, 3, 96, 6, 8, 128)
            .transpose(0, 1, 2, 4, 3, 5)
            .reshape(3, 3, 768, 768)
            .transpose(2, 3, 0, 1))

# --- scband reference (transcript-rebuilt; emitter-appended) ---
"""Pipeline reference for scband-per-chl-mpln-sparsifier-74234214744732 (READ-ONLY COPY).

The authoritative reference and input builder live on the scoring server;
editing this copy changes nothing except your own understanding.
"""

import jax, jax.numpy as jnp
import numpy as np

PATTERNS = "4:2"
NORM = "l1"


def setup_inputs(seed: int = 0) -> dict:
    key = jax.random.key(seed)
    weight = jax.random.normal(key, (768, 768, 3, 3), dtype=jnp.float32)
    return {"weight": weight}


def _compute_weight_norm(weight):
    if NORM == "l1":
        wn = jnp.abs(weight)
    elif NORM == "l2":
        wn = weight ** 2
    else:
        raise NotImplementedError
    return wn + 1e-07


def _compute_mask(weight):
    wn = _compute_weight_norm(weight)
    mask = jnp.zeros_like(wn)
    N, C, H, W = weight.shape
    for pattern in PATTERNS.split(','):
        m_s, n_s = pattern.split(':')
        m, n = int(m_s), int(n_s)
        masked_weight = ((1.0 - mask) * wn).reshape(N, C // m, m, H, W)
        # top-k along the group axis (axis=2): move it to last for lax.top_k
        mw_t = jnp.moveaxis(masked_weight, 2, -1)  # [N, C//m, H, W, m]
        _, idx = jax.lax.top_k(mw_t, n)  # [N, C//m, H, W, n]
        # scatter_(2, idx, 1): build 0/1 indicator at selected positions
        sel = jnp.clip(jax.nn.one_hot(idx, m, dtype=weight.dtype).sum(axis=-2), 0.0, 1.0)  # [N, C//m, H, W, m]
        mask_t = jnp.moveaxis(mask.reshape(N, C // m, m, H, W), 2, -1)
        mask_t = jnp.maximum(mask_t, sel)
        mask = jnp.moveaxis(mask_t, -1, 2).reshape(N, C, H, W)
    return mask


def reference(weight):
    # forward with base_weight=None, freeze=False: compute mask, detach, multiply
    mask = jax.lax.stop_gradient(_compute_mask(weight))
    return weight * mask

if __name__ == "__main__":
    import jax
    _d = setup_inputs()
    print(jax.jit(kernel)(*tuple(_d.values())))

</pallas_src>

<mosaic_0001>
#map = affine_map<(d0, d1) -> (0)>
module attributes {stable_mosaic.version = 14 : i64} {
  func.func @_body(%arg0: i32, %arg1: i32, %arg2: memref<5308416xf32, #tpu.memory_space<hbm>>, %arg3: memref<5308416xf32, #tpu.memory_space<hbm>>, %arg4: memref<20736xf32, #tpu.memory_space<vmem>>, %arg5: memref<20736xf32, #tpu.memory_space<vmem>>, %arg6: memref<20736xf32, #tpu.memory_space<vmem>>, %arg7: memref<20736xf32, #tpu.memory_space<vmem>>, %arg8: memref<!tpu.dma_semaphore, #tpu.memory_space<semaphore_mem>>, %arg9: memref<!tpu.dma_semaphore, #tpu.memory_space<semaphore_mem>>, %arg10: memref<!tpu.dma_semaphore, #tpu.memory_space<semaphore_mem>>, %arg11: memref<!tpu.dma_semaphore, #tpu.memory_space<semaphore_mem>>) attributes {dimension_semantics = [#tpu.dimension_semantics<core_parallel>, #tpu.dimension_semantics<subcore_parallel>], iteration_bounds = array<i64: 2, 16>, scalar_prefetch = 0 : i64, scratch_operands = 8 : i64, tpu.core_type = #tpu.core_type<sc_vector_subcore>, window_params = [{transform_indices = #map}, {transform_indices = #map}]} {
    %mul3A = arith.constant 2 : i32
    %mul3A_0 = arith.muli %arg1, %mul3A : i32
    %add3A = arith.addi %mul3A_0, %arg0 : i32
    %mul3A_1 = arith.constant 165888 : i32
    %mul3A_2 = arith.muli %add3A, %mul3A_1 : i32
    %iota3A = tpu.iota {dimensions = array<i32: 0>} : vector<16xi32>
    %mul3A_3 = arith.constant 4 : i32
    %mul3A_4 = vector.broadcast %mul3A_3 : i32 to vector<16xi32>
    %mul3A_5 = arith.muli %iota3A, %mul3A_4 : vector<16xi32>
    %broadcast_in_dim3A = arith.constant 1 : i32
    %broadcast_in_dim3A_6 = vector.broadcast %broadcast_in_dim3A : i32 to vector<16xi32>
    %broadcast_in_dim3A_7 = arith.constant 0 : i32
    %broadcast_in_dim3A_8 = vector.broadcast %broadcast_in_dim3A_7 : i32 to vector<16xi32>
    %dma_start3A = tpu.memref_slice %arg2[%mul3A_2] : memref<5308416xf32, #tpu.memory_space<hbm>> -> memref<20736xf32, #tpu.memory_space<hbm>>
    %dma_start3A_9 = tpu.memref_slice %arg2[%mul3A_2] : memref<5308416xf32, #tpu.memory_space<hbm>> -> memref<20736xf32, #tpu.memory_space<hbm>>
    tpu.enqueue_dma source(%dma_start3A_9 : memref<20736xf32, #tpu.memory_space<hbm>>) target(%arg4 : memref<20736xf32, #tpu.memory_space<vmem>>) target_semaphore(%arg8 : memref<!tpu.dma_semaphore, #tpu.memory_space<semaphore_mem>>)
    %add3A_10 = arith.constant 20736 : i32
    %add3A_11 = arith.addi %mul3A_2, %add3A_10 : i32
    %dma_start3A_12 = tpu.memref_slice %arg2[%add3A_11] : memref<5308416xf32, #tpu.memory_space<hbm>> -> memref<20736xf32, #tpu.memory_space<hbm>>
    %dma_start3A_13 = tpu.memref_slice %arg2[%add3A_11] : memref<5308416xf32, #tpu.memory_space<hbm>> -> memref<20736xf32, #tpu.memory_space<hbm>>
    tpu.enqueue_dma source(%dma_start3A_13 : memref<20736xf32, #tpu.memory_space<hbm>>) target(%arg5 : memref<20736xf32, #tpu.memory_space<vmem>>) target_semaphore(%arg9 : memref<!tpu.dma_semaphore, #tpu.memory_space<semaphore_mem>>)
    %scan3A = arith.constant 0 : i32
    %scan3A_14 = arith.constant 0 : i32
    %scan3A_15 = arith.constant 4 : i32
    %scan3A_16 = arith.addi %scan3A_14, %scan3A_15 : i32
    %scan3A_17 = arith.constant 1 : i32
    scf.for %scan3A_22 = %scan3A_14 to %scan3A_16 step %scan3A_17  : i32 {
      %mul3A_23 = arith.constant 2 : i32
      %mul3A_24 = arith.muli %scan3A_22, %mul3A_23 : i32
      %add3A_25 = arith.constant 0 : i32
      %add3A_26 = arith.addi %mul3A_24, %add3A_25 : i32
      %mul3A_27 = arith.constant 20736 : i32
      %mul3A_28 = arith.muli %add3A_26, %mul3A_27 : i32
      %add3A_29 = arith.addi %mul3A_2, %mul3A_28 : i32
      %dma_wait3A_30 = tpu.memref_slice %arg2[%mul3A_2] : memref<5308416xf32, #tpu.memory_space<hbm>> -> memref<20736xf32, #tpu.memory_space<hbm>>
      %dma_wait3A_31 = tpu.memref_slice %arg2[%mul3A_2] : memref<5308416xf32, #tpu.memory_space<hbm>> -> memref<20736xf32, #tpu.memory_space<hbm>>
      tpu.wait_dma2 semaphore(%arg8 : memref<!tpu.dma_semaphore, #tpu.memory_space<semaphore_mem>>) src(%dma_wait3A_31 : memref<20736xf32, #tpu.memory_space<hbm>>) dst(%arg4 : memref<20736xf32, #tpu.memory_space<vmem>>)
      %gt3A = arith.constant 0 : i32
      %gt3A_32 = arith.cmpi sgt, %scan3A_22, %gt3A : i32
      %convert_element_type3A = arith.extui %gt3A_32 : i1 to i32
      %cond3A = arith.constant 0 : i32
      %cond3A_33 = arith.cmpi ne, %convert_element_type3A, %cond3A : i32
      scf.if %cond3A_33 {
        %dma_wait3A_66 = tpu.memref_slice %arg3[%mul3A_2] : memref<5308416xf32, #tpu.memory_space<hbm>> -> memref<20736xf32, #tpu.memory_space<hbm>>
        %dma_wait3A_67 = tpu.memref_slice %arg3[%mul3A_2] : memref<5308416xf32, #tpu.memory_space<hbm>> -> memref<20736xf32, #tpu.memory_space<hbm>>
        tpu.wait_dma2 semaphore(%arg10 : memref<!tpu.dma_semaphore, #tpu.memory_space<semaphore_mem>>) src(%arg6 : memref<20736xf32, #tpu.memory_space<vmem>>) dst(%dma_wait3A_67 : memref<20736xf32, #tpu.memory_space<hbm>>)
      } else {
      }
      %parallel_loop3A = arith.constant 0 : i32
      %parallel_loop3A_34 = arith.constant 36 : i32
      %parallel_loop3A_35 = arith.constant 1 : i32
      scf.for %parallel_loop3A_66 = %parallel_loop3A to %parallel_loop3A_34 step %parallel_loop3A_35  : i32 {
        %parallel_loop3A_67 = arith.constant 576 : i32
        %parallel_loop3A_68 = arith.muli %parallel_loop3A_66, %parallel_loop3A_67 : i32
        %parallel_loop3A_69 = arith.constant 0 : i32
        %parallel_loop3A_70 = arith.addi %parallel_loop3A_68, %parallel_loop3A_69 : i32
        %parallel_loop3A_71 = arith.constant 576 : i32
        %parallel_loop3A_72 = arith.muli %parallel_loop3A_66, %parallel_loop3A_71 : i32
        %parallel_loop3A_73 = arith.constant 0 : i32
        %parallel_loop3A_74 = arith.addi %parallel_loop3A_72, %parallel_loop3A_73 : i32
        %parallel_loop3A_75 = arith.constant 0 : i32
        %parallel_loop3A_76 = vector.broadcast %parallel_loop3A_75 : i32 to vector<16xi32>
        %parallel_loop3A_77 = arith.addi %mul3A_5, %parallel_loop3A_76 : vector<16xi32>
        %parallel_loop3A_78 = arith.constant 1 : i32
        %parallel_loop3A_79 = vector.broadcast %parallel_loop3A_78 : i32 to vector<16xi32>
        %parallel_loop3A_80 = arith.addi %mul3A_5, %parallel_loop3A_79 : vector<16xi32>
        %parallel_loop3A_81 = arith.constant 2 : i32
        %parallel_loop3A_82 = vector.broadcast %parallel_loop3A_81 : i32 to vector<16xi32>
        %parallel_loop3A_83 = arith.addi %mul3A_5, %parallel_loop3A_82 : vector<16xi32>
        %parallel_loop3A_84 = arith.constant 3 : i32
        %parallel_loop3A_85 = vector.broadcast %parallel_loop3A_84 : i32 to vector<16xi32>
        %parallel_loop3A_86 = arith.addi %mul3A_5, %parallel_loop3A_85 : vector<16xi32>
        %parallel_loop3A_87 = tpu.memref_slice %arg4[%parallel_loop3A_70] : memref<20736xf32, #tpu.memory_space<vmem>> -> memref<64xf32, #tpu.memory_space<vmem>>
        %parallel_loop3A_88 = tpu.vector_load_idx %parallel_loop3A_87[%parallel_loop3A_77] : memref<64xf32, #tpu.memory_space<vmem>>[vector<16xi32>], vector<16xf32>,
        %parallel_loop3A_89 = tpu.memref_slice %arg4[%parallel_loop3A_70] : memref<20736xf32, #tpu.memory_space<vmem>> -> memref<64xf32, #tpu.memory_space<vmem>>
        %parallel_loop3A_90 = tpu.vector_load_idx %parallel_loop3A_89[%parallel_loop3A_80] : memref<64xf32, #tpu.memory_space<vmem>>[vector<16xi32>], vector<16xf32>,
        %parallel_loop3A_91 = tpu.memref_slice %arg4[%parallel_loop3A_70] : memref<20736xf32, #tpu.memory_space<vmem>> -> memref<64xf32, #tpu.memory_space<vmem>>
        %parallel_loop3A_92 = tpu.vector_load_idx %parallel_loop3A_91[%parallel_loop3A_83] : memref<64xf32, #tpu.memory_space<vmem>>[vector<16xi32>], vector<16xf32>,
        %parallel_loop3A_93 = tpu.memref_slice %arg4[%parallel_loop3A_70] : memref<20736xf32, #tpu.memory_space<vmem>> -> memref<64xf32, #tpu.memory_space<vmem>>
        %parallel_loop3A_94 = tpu.vector_load_idx %parallel_loop3A_93[%parallel_loop3A_86] : memref<64xf32, #tpu.memory_space<vmem>>[vector<16xi32>], vector<16xf32>,
        %parallel_loop3A_95 = math.absf %parallel_loop3A_88 : vector<16xf32>
        %parallel_loop3A_96 = arith.constant 1.000000e-07 : f32
        %parallel_loop3A_97 = vector.broadcast %parallel_loop3A_96 : f32 to vector<16xf32>
        %parallel_loop3A_98 = arith.addf %parallel_loop3A_95, %parallel_loop3A_97 : vector<16xf32>
        %parallel_loop3A_99 = math.absf %parallel_loop3A_90 : vector<16xf32>
        %parallel_loop3A_100 = arith.constant 1.000000e-07 : f32
        %parallel_loop3A_101 = vector.broadcast %parallel_loop3A_100 : f32 to vector<16xf32>
        %parallel_loop3A_102 = arith.addf %parallel_loop3A_99, %parallel_loop3A_101 : vector<16xf32>
        %parallel_loop3A_103 = math.absf %parallel_loop3A_92 : vector<16xf32>
        %parallel_loop3A_104 = arith.constant 1.000000e-07 : f32
        %parallel_loop3A_105 = vector.broadcast %parallel_loop3A_104 : f32 to vector<16xf32>
        %parallel_loop3A_106 = arith.addf %parallel_loop3A_103, %parallel_loop3A_105 : vector<16xf32>
        %parallel_loop3A_107 = math.absf %parallel_loop3A_94 : vector<16xf32>
        %parallel_loop3A_108 = arith.constant 1.000000e-07 : f32
        %parallel_loop3A_109 = vector.broadcast %parallel_loop3A_108 : f32 to vector<16xf32>
        %parallel_loop3A_110 = arith.addf %parallel_loop3A_107, %parallel_loop3A_109 : vector<16xf32>
        %parallel_loop3A_111 = arith.cmpf oge, %parallel_loop3A_98, %parallel_loop3A_102 : vector<16xf32>
        %parallel_loop3A_112 = arith.cmpf oge, %parallel_loop3A_98, %parallel_loop3A_106 : vector<16xf32>
        %parallel_loop3A_113 = arith.cmpf oge, %parallel_loop3A_98, %parallel_loop3A_110 : vector<16xf32>
        %parallel_loop3A_114 = arith.cmpf oge, %parallel_loop3A_102, %parallel_loop3A_106 : vector<16xf32>
        %parallel_loop3A_115 = arith.cmpf oge, %parallel_loop3A_102, %parallel_loop3A_110 : vector<16xf32>
        %parallel_loop3A_116 = arith.cmpf oge, %parallel_loop3A_106, %parallel_loop3A_110 : vector<16xf32>
        %parallel_loop3A_117 = arith.select %parallel_loop3A_111, %broadcast_in_dim3A_6, %broadcast_in_dim3A_8 : vector<16xi1>, vector<16xi32>
        %parallel_loop3A_118 = arith.select %parallel_loop3A_112, %broadcast_in_dim3A_6, %broadcast_in_dim3A_8 : vector<16xi1>, vector<16xi32>
        %parallel_loop3A_119 = arith.select %parallel_loop3A_113, %broadcast_in_dim3A_6, %broadcast_in_dim3A_8 : vector<16xi1>, vector<16xi32>
        %parallel_loop3A_120 = arith.select %parallel_loop3A_114, %broadcast_in_dim3A_6, %broadcast_in_dim3A_8 : vector<16xi1>, vector<16xi32>
        %parallel_loop3A_121 = arith.select %parallel_loop3A_115, %broadcast_in_dim3A_6, %broadcast_in_dim3A_8 : vector<16xi1>, vector<16xi32>
        %parallel_loop3A_122 = arith.select %parallel_loop3A_116, %broadcast_in_dim3A_6, %broadcast_in_dim3A_8 : vector<16xi1>, vector<16xi32>
        %parallel_loop3A_123 = arith.addi %parallel_loop3A_117, %parallel_loop3A_118 : vector<16xi32>
        %parallel_loop3A_124 = arith.addi %parallel_loop3A_123, %parallel_loop3A_119 : vector<16xi32>
        %parallel_loop3A_125 = arith.constant 2 : i32
        %parallel_loop3A_126 = vector.broadcast %parallel_loop3A_125 : i32 to vector<16xi32>
        %parallel_loop3A_127 = arith.cmpi sge, %parallel_loop3A_124, %parallel_loop3A_126 : vector<16xi32>
        %parallel_loop3A_128 = arith.addi %parallel_loop3A_120, %parallel_loop3A_121 : vector<16xi32>
        %parallel_loop3A_129 = arith.subi %parallel_loop3A_128, %parallel_loop3A_117 : vector<16xi32>
        %parallel_loop3A_130 = arith.constant 1 : i32
        %parallel_loop3A_131 = vector.broadcast %parallel_loop3A_130 : i32 to vector<16xi32>
        %parallel_loop3A_132 = arith.cmpi sge, %parallel_loop3A_129, %parallel_loop3A_131 : vector<16xi32>
        %parallel_loop3A_133 = arith.addi %parallel_loop3A_118, %parallel_loop3A_120 : vector<16xi32>
        %parallel_loop3A_134 = arith.cmpi sge, %parallel_loop3A_122, %parallel_loop3A_133 : vector<16xi32>
        %parallel_loop3A_135 = arith.xori %parallel_loop3A_127, %parallel_loop3A_132 : vector<16xi1>
        %parallel_loop3A_136 = arith.xori %parallel_loop3A_135, %parallel_loop3A_134 : vector<16xi1>
        %parallel_loop3A_137 = arith.constant 0.000000e+00 : f32
        %parallel_loop3A_138 = vector.broadcast %parallel_loop3A_137 : f32 to vector<16xf32>
        %parallel_loop3A_139 = arith.select %parallel_loop3A_127, %parallel_loop3A_88, %parallel_loop3A_138 : vector<16xi1>, vector<16xf32>
        %parallel_loop3A_140 = tpu.memref_slice %arg6[%parallel_loop3A_74] : memref<20736xf32, #tpu.memory_space<vmem>> -> memref<64xf32, #tpu.memory_space<vmem>>
        tpu.vector_store_idx %parallel_loop3A_140[%parallel_loop3A_77], %parallel_loop3A_139 : memref<64xf32, #tpu.memory_space<vmem>>[vector<16xi32>], vector<16xf32>,
        %parallel_loop3A_141 = arith.select %parallel_loop3A_132, %parallel_loop3A_90, %parallel_loop3A_138 : vector<16xi1>, vector<16xf32>
        %parallel_loop3A_142 = tpu.memref_slice %arg6[%parallel_loop3A_74] : memref<20736xf32, #tpu.memory_space<vmem>> -> memref<64xf32, #tpu.memory_space<vmem>>
        tpu.vector_store_idx %parallel_loop3A_142[%parallel_loop3A_80], %parallel_loop3A_141 : memref<64xf32, #tpu.memory_space<vmem>>[vector<16xi32>], vector<16xf32>,
        %parallel_loop3A_143 = arith.select %parallel_loop3A_134, %parallel_loop3A_92, %parallel_loop3A_138 : vector<16xi1>, vector<16xf32>
        %parallel_loop3A_144 = tpu.memref_slice %arg6[%parallel_loop3A_74] : memref<20736xf32, #tpu.memory_space<vmem>> -> memref<64xf32, #tpu.memory_space<vmem>>
        tpu.vector_store_idx %parallel_loop3A_144[%parallel_loop3A_83], %parallel_loop3A_143 : memref<64xf32, #tpu.memory_space<vmem>>[vector<16xi32>], vector<16xf32>,
        %parallel_loop3A_145 = arith.select %parallel_loop3A_136, %parallel_loop3A_94, %parallel_loop3A_138 : vector<16xi1>, vector<16xf32>
        %parallel_loop3A_146 = tpu.memref_slice %arg6[%parallel_loop3A_74] : memref<20736xf32, #tpu.memory_space<vmem>> -> memref<64xf32, #tpu.memory_space<vmem>>
        tpu.vector_store_idx %parallel_loop3A_146[%parallel_loop3A_86], %parallel_loop3A_145 : memref<64xf32, #tpu.memory_space<vmem>>[vector<16xi32>], vector<16xf32>,
        %parallel_loop3A_147 = arith.constant 576 : i32
        %parallel_loop3A_148 = arith.muli %parallel_loop3A_66, %parallel_loop3A_147 : i32
        %parallel_loop3A_149 = arith.constant 64 : i32
        %parallel_loop3A_150 = arith.addi %parallel_loop3A_148, %parallel_loop3A_149 : i32
        %parallel_loop3A_151 = arith.constant 576 : i32
        %parallel_loop3A_152 = arith.muli %parallel_loop3A_66, %parallel_loop3A_151 : i32
        %parallel_loop3A_153 = arith.constant 64 : i32
        %parallel_loop3A_154 = arith.addi %parallel_loop3A_152, %parallel_loop3A_153 : i32
        %parallel_loop3A_155 = arith.constant 0 : i32
        %parallel_loop3A_156 = vector.broadcast %parallel_loop3A_155 : i32 to vector<16xi32>
        %parallel_loop3A_157 = arith.addi %mul3A_5, %parallel_loop3A_156 : vector<16xi32>
        %parallel_loop3A_158 = arith.constant 1 : i32
        %parallel_loop3A_159 = vector.broadcast %parallel_loop3A_158 : i32 to vector<16xi32>
        %parallel_loop3A_160 = arith.addi %mul3A_5, %parallel_loop3A_159 : vector<16xi32>
        %parallel_loop3A_161 = arith.constant 2 : i32
        %parallel_loop3A_162 = vector.broadcast %parallel_loop3A_161 : i32 to vector<16xi32>
        %parallel_loop3A_163 = arith.addi %mul3A_5, %parallel_loop3A_162 : vector<16xi32>
        %parallel_loop3A_164 = arith.constant 3 : i32
        %parallel_loop3A_165 = vector.broadcast %parallel_loop3A_164 : i32 to vector<16xi32>
        %parallel_loop3A_166 = arith.addi %mul3A_5, %parallel_loop3A_165 : vector<16xi32>
        %parallel_loop3A_167 = tpu.memref_slice %arg4[%parallel_loop3A_150] : memref<20736xf32, #tpu.memory_space<vmem>> -> memref<64xf32, #tpu.memory_space<vmem>>
        %parallel_loop3A_168 = tpu.vector_load_idx %parallel_loop3A_167[%parallel_loop3A_157] : memref<64xf32, #tpu.memory_space<vmem>>[vector<16xi32>], vector<16xf32>,
        %parallel_loop3A_169 = tpu.memref_slice %arg4[%parallel_loop3A_150] : memref<20736xf32, #tpu.memory_space<vmem>> -> memref<64xf32, #tpu.memory_space<vmem>>
        %parallel_loop3A_170 = tpu.vector_load_idx %parallel_loop3A_169[%parallel_loop3A_160] : memref<64xf32, #tpu.memory_space<vmem>>[vector<16xi32>], vector<16xf32>,
        %parallel_loop3A_171 = tpu.memref_slice %arg4[%parallel_loop3A_150] : memref<20736xf32, #tpu.memory_space<vmem>> -> memref<64xf32, #tpu.memory_space<vmem>>
        %parallel_loop3A_172 = tpu.vector_load_idx %parallel_loop3A_171[%parallel_loop3A_163] : memref<64xf32, #tpu.memory_space<vmem>>[vector<16xi32>], vector<16xf32>,
        %parallel_loop3A_173 = tpu.memref_slice %arg4[%parallel_loop3A_150] : memref<20736xf32, #tpu.memory_space<vmem>> -> memref<64xf32, #tpu.memory_space<vmem>>
        %parallel_loop3A_174 = tpu.vector_load_idx %parallel_loop3A_173[%parallel_loop3A_166] : memref<64xf32, #tpu.memory_space<vmem>>[vector<16xi32>], vector<16xf32>,
        %parallel_loop3A_175 = math.absf %parallel_loop3A_168 : vector<16xf32>
        %parallel_loop3A_176 = arith.constant 1.000000e-07 : f32
        %parallel_loop3A_177 = vector.broadcast %parallel_loop3A_176 : f32 to vector<16xf32>
        %parallel_loop3A_178 = arith.addf %parallel_loop3A_175, %parallel_loop3A_177 : vector<16xf32>
        %parallel_loop3A_179 = math.absf %parallel_loop3A_170 : vector<16xf32>
        %parallel_loop3A_180 = arith.constant 1.000000e-07 : f32
        %parallel_loop3A_181 = vector.broadcast %parallel_loop3A_180 : f32 to vector<16xf32>
        %parallel_loop3A_182 = arith.addf %parallel_loop3A_179, %parallel_loop3A_181 : vector<16xf32>
        %parallel_loop3A_183 = math.absf %parallel_loop3A_172 : vector<16xf32>
        %parallel_loop3A_184 = arith.constant 1.000000e-07 : f32
        %parallel_loop3A_185 = vector.broadcast %parallel_loop3A_184 : f32 to vector<16xf32>
        %parallel_loop3A_186 = arith.addf %parallel_loop3A_183, %parallel_loop3A_185 : vector<16xf32>
        %parallel_loop3A_187 = math.absf %parallel_loop3A_174 : vector<16xf32>
        %parallel_loop3A_188 = arith.constant 1.000000e-07 : f32
        %parallel_loop3A_189 = vector.broadcast %parallel_loop3A_188 : f32 to vector<16xf32>
        %parallel_loop3A_190 = arith.addf %parallel_loop3A_187, %parallel_loop3A_189 : vector<16xf32>
        %parallel_loop3A_191 = arith.cmpf oge, %parallel_loop3A_178, %parallel_loop3A_182 : vector<16xf32>
        %parallel_loop3A_192 = arith.cmpf oge, %parallel_loop3A_178, %parallel_loop3A_186 : vector<16xf32>
        %parallel_loop3A_193 = arith.cmpf oge, %parallel_loop3A_178, %parallel_loop3A_190 : vector<16xf32>
        %parallel_loop3A_194 = arith.cmpf oge, %parallel_loop3A_182, %parallel_loop3A_186 : vector<16xf32>
        %parallel_loop3A_195 = arith.cmpf oge, %parallel_loop3A_182, %parallel_loop3A_190 : vector<16xf32>
        %parallel_loop3A_196 = arith.cmpf oge, %parallel_loop3A_186, %parallel_loop3A_190 : vector<16xf32>
        %parallel_loop3A_197 = arith.select %parallel_loop3A_191, %broadcast_in_dim3A_6, %broadcast_in_dim3A_8 : vector<16xi1>, vector<16xi32>
        %parallel_loop3A_198 = arith.select %parallel_loop3A_192, %broadcast_in_dim3A_6, %broadcast_in_dim3A_8 : vector<16xi1>, vector<16xi32>
        %parallel_loop3A_199 = arith.select %parallel_loop3A_193, %broadcast_in_dim3A_6, %broadcast_in_dim3A_8 : vector<16xi1>, vector<16xi32>
        %parallel_loop3A_200 = arith.select %parallel_loop3A_194, %broadcast_in_dim3A_6, %broadcast_in_dim3A_8 : vector<16xi1>, vector<16xi32>
        %parallel_loop3A_201 = arith.select %parallel_loop3A_195, %broadcast_in_dim3A_6, %broadcast_in_dim3A_8 : vector<16xi1>, vector<16xi32>
        %parallel_loop3A_202 = arith.select %parallel_loop3A_196, %broadcast_in_dim3A_6, %broadcast_in_dim3A_8 : vector<16xi1>, vector<16xi32>
        %parallel_loop3A_203 = arith.addi %parallel_loop3A_197, %parallel_loop3A_198 : vector<16xi32>
        %parallel_loop3A_204 = arith.addi %parallel_loop3A_203, %parallel_loop3A_199 : vector<16xi32>
        %parallel_loop3A_205 = arith.constant 2 : i32
        %parallel_loop3A_206 = vector.broadcast %parallel_loop3A_205 : i32 to vector<16xi32>
        %parallel_loop3A_207 = arith.cmpi sge, %parallel_loop3A_204, %parallel_loop3A_206 : vector<16xi32>
        %parallel_loop3A_208 = arith.addi %parallel_loop3A_200, %parallel_loop3A_201 : vector<16xi32>
        %parallel_loop3A_209 = arith.subi %parallel_loop3A_208, %parallel_loop3A_197 : vector<16xi32>
        %parallel_loop3A_210 = arith.constant 1 : i32
        %parallel_loop3A_211 = vector.broadcast %parallel_loop3A_210 : i32 to vector<16xi32>
        %parallel_loop3A_212 = arith.cmpi sge, %parallel_loop3A_209, %parallel_loop3A_211 : vector<16xi32>
        %parallel_loop3A_213 = arith.addi %parallel_loop3A_198, %parallel_loop3A_200 : vector<16xi32>
        %parallel_loop3A_214 = arith.cmpi sge, %parallel_loop3A_202, %parallel_loop3A_213 : vector<16xi32>
        %parallel_loop3A_215 = arith.xori %parallel_loop3A_207, %parallel_loop3A_212 : vector<16xi1>
        %parallel_loop3A_216 = arith.xori %parallel_loop3A_215, %parallel_loop3A_214 : vector<16xi1>
        %parallel_loop3A_217 = arith.constant 0.000000e+00 : f32
        %parallel_loop3A_218 = vector.broadcast %parallel_loop3A_217 : f32 to vector<16xf32>
        %parallel_loop3A_219 = arith.select %parallel_loop3A_207, %parallel_loop3A_168, %parallel_loop3A_218 : vector<16xi1>, vector<16xf32>
        %parallel_loop3A_220 = tpu.memref_slice %arg6[%parallel_loop3A_154] : memref<20736xf32, #tpu.memory_space<vmem>> -> memref<64xf32, #tpu.memory_space<vmem>>
        tpu.vector_store_idx %parallel_loop3A_220[%parallel_loop3A_157], %parallel_loop3A_219 : memref<64xf32, #tpu.memory_space<vmem>>[vector<16xi32>], vector<16xf32>,
        %parallel_loop3A_221 = arith.select %parallel_loop3A_212, %parallel_loop3A_170, %parallel_loop3A_218 : vector<16xi1>, vector<16xf32>
        %parallel_loop3A_222 = tpu.memref_slice %arg6[%parallel_loop3A_154] : memref<20736xf32, #tpu.memory_space<vmem>> -> memref<64xf32, #tpu.memory_space<vmem>>
        tpu.vector_store_idx %parallel_loop3A_222[%parallel_loop3A_160], %parallel_loop3A_221 : memref<64xf32, #tpu.memory_space<vmem>>[vector<16xi32>], vector<16xf32>,
        %parallel_loop3A_223 = arith.select %parallel_loop3A_214, %parallel_loop3A_172, %parallel_loop3A_218 : vector<16xi1>, vector<16xf32>
        %parallel_loop3A_224 = tpu.memref_slice %arg6[%parallel_loop3A_154] : memref<20736xf32, #tpu.memory_space<vmem>> -> memref<64xf32, #tpu.memory_space<vmem>>
        tpu.vector_store_idx %parallel_loop3A_224[%parallel_loop3A_163], %parallel_loop3A_223 : memref<64xf32, #tpu.memory_space<vmem>>[vector<16xi32>], vector<16xf32>,
        %parallel_loop3A_225 = arith.select %parallel_loop3A_216, %parallel_loop3A_174, %parallel_loop3A_218 : vector<16xi1>, vector<16xf32>
        %parallel_loop3A_226 = tpu.memref_slice %arg6[%parallel_loop3A_154] : memref<20736xf32, #tpu.memory_space<vmem>> -> memref<64xf32, #tpu.memory_space<vmem>>
        tpu.vector_store_idx %parallel_loop3A_226[%parallel_loop3A_166], %parallel_loop3A_225 : memref<64xf32, #tpu.memory_space<vmem>>[vector<16xi32>], vector<16xf32>,
        %parallel_loop3A_227 = arith.constant 576 : i32
        %parallel_loop3A_228 = arith.muli %parallel_loop3A_66, %parallel_loop3A_227 : i32
        %parallel_loop3A_229 = arith.constant 128 : i32
        %parallel_loop3A_230 = arith.addi %parallel_loop3A_228, %parallel_loop3A_229 : i32
        %parallel_loop3A_231 = arith.constant 576 : i32
        %parallel_loop3A_232 = arith.muli %parallel_loop3A_66, %parallel_loop3A_231 : i32
        %parallel_loop3A_233 = arith.constant 128 : i32
        %parallel_loop3A_234 = arith.addi %parallel_loop3A_232, %parallel_loop3A_233 : i32
        %parallel_loop3A_235 = arith.constant 0 : i32
        %parallel_loop3A_236 = vector.broadcast %parallel_loop3A_235 : i32 to vector<16xi32>
        %parallel_loop3A_237 = arith.addi %mul3A_5, %parallel_loop3A_236 : vector<16xi32>
        %parallel_loop3A_238 = arith.constant 1 : i32
        %parallel_loop3A_239 = vector.broadcast %parallel_loop3A_238 : i32 to vector<16xi32>
        %parallel_loop3A_240 = arith.addi %mul3A_5, %parallel_loop3A_239 : vector<16xi32>
        %parallel_loop3A_241 = arith.constant 2 : i32
        %parallel_loop3A_242 = vector.broadcast %parallel_loop3A_241 : i32 to vector<16xi32>
        %parallel_loop3A_243 = arith.addi %mul3A_5, %parallel_loop3A_242 : vector<16xi32>
        %parallel_loop3A_244 = arith.constant 3 : i32
        %parallel_loop3A_245 = vector.broadcast %parallel_loop3A_244 : i32 to vector<16xi32>
        %parallel_loop3A_246 = arith.addi %mul3A_5, %parallel_loop3A_245 : vector<16xi32>
        %parallel_loop3A_247 = tpu.memref_slice %arg4[%parallel_loop3A_230] : memref<20736xf32, #tpu.memory_space<vmem>> -> memref<64xf32, #tpu.memory_space<vmem>>
        %parallel_loop3A_248 = tpu.vector_load_idx %parallel_loop3A_247[%parallel_loop3A_237] : memref<64xf32, #tpu.memory_space<vmem>>[vector<16xi32>], vector<16xf32>,
        %parallel_loop3A_249 = tpu.memref_slice %arg4[%parallel_loop3A_230] : memref<20736xf32, #tpu.memory_space<vmem>> -> memref<64xf32, #tpu.memory_space<vmem>>
        %parallel_loop3A_250 = tpu.vector_load_idx %parallel_loop3A_249[%parallel_loop3A_240] : memref<64xf32, #tpu.memory_space<vmem>>[vector<16xi32>], vector<16xf32>,
        %parallel_loop3A_251 = tpu.memref_slice %arg4[%parallel_loop3A_230] : memref<20736xf32, #tpu.memory_space<vmem>> -> memref<64xf32, #tpu.memory_space<vmem>>
        %parallel_loop3A_252 = tpu.vector_load_idx %parallel_loop3A_251[%parallel_loop3A_243] : memref<64xf32, #tpu.memory_space<vmem>>[vector<16xi32>], vector<16xf32>,
        %parallel_loop3A_253 = tpu.memref_slice %arg4[%parallel_loop3A_230] : memref<20736xf32, #tpu.memory_space<vmem>> -> memref<64xf32, #tpu.memory_space<vmem>>
        %parallel_loop3A_254 = tpu.vector_load_idx %parallel_loop3A_253[%parallel_loop3A_246] : memref<64xf32, #tpu.memory_space<vmem>>[vector<16xi32>], vector<16xf32>,
        %parallel_loop3A_255 = math.absf %parallel_loop3A_248 : vector<16xf32>
        %parallel_loop3A_256 = arith.constant 1.000000e-07 : f32
        %parallel_loop3A_257 = vector.broadcast %parallel_loop3A_256 : f32 to vector<16xf32>
        %parallel_loop3A_258 = arith.addf %parallel_loop3A_255, %parallel_loop3A_257 : vector<16xf32>
        %parallel_loop3A_259 = math.absf %parallel_loop3A_250 : vector<16xf32>
        %parallel_loop3A_260 = arith.constant 1.000000e-07 : f32
        %parallel_loop3A_261 = vector.broadcast %parallel_loop3A_260 : f32 to vector<16xf32>
        %parallel_loop3A_262 = arith.addf %parallel_loop3A_259, %parallel_loop3A_261 : vector<16xf32>
        %parallel_loop3A_263 = math.absf %parallel_loop3A_252 : vector<16xf32>
        %parallel_loop3A_264 = arith.constant 1.000000e-07 : f32
        %parallel_loop3A_265 = vector.broadcast %parallel_loop3A_264 : f32 to vector<16xf32>
        %parallel_loop3A_266 = arith.addf %parallel_loop3A_263, %parallel_loop3A_265 : vector<16xf32>
        %parallel_loop3A_267 = math.absf %parallel_loop3A_254 : vector<16xf32>
        %parallel_loop3A_268 = arith.constant 1.000000e-07 : f32
        %parallel_loop3A_269 = vector.broadcast %parallel_loop3A_268 : f32 to vector<16xf32>
        %parallel_loop3A_270 = arith.addf %parallel_loop3A_267, %parallel_loop3A_269 : vector<16xf32>
        %parallel_loop3A_271 = arith.cmpf oge, %parallel_loop3A_258, %parallel_loop3A_262 : vector<16xf32>
        %parallel_loop3A_272 = arith.cmpf oge, %parallel_loop3A_258, %parallel_loop3A_266 : vector<16xf32>
        %parallel_loop3A_273 = arith.cmpf oge, %parallel_loop3A_258, %parallel_loop3A_270 : vector<16xf32>
        %parallel_loop3A_274 = arith.cmpf oge, %parallel_loop3A_262, %parallel_loop3A_266 : vector<16xf32>
        %parallel_loop3A_275 = arith.cmpf oge, %parallel_loop3A_262, %parallel_loop3A_270 : vector<16xf32>
        %parallel_loop3A_276 = arith.cmpf oge, %parallel_loop3A_266, %parallel_loop3A_270 : vector<16xf32>
        %parallel_loop3A_277 = arith.select %parallel_loop3A_271, %broadcast_in_dim3A_6, %broadcast_in_dim3A_8 : vector<16xi1>, vector<16xi32>
        %parallel_loop3A_278 = arith.select %parallel_loop3A_272, %broadcast_in_dim3A_6, %broadcast_in_dim3A_8 : vector<16xi1>, vector<16xi32>
        %parallel_loop3A_279 = arith.select %parallel_loop3A_273, %broadcast_in_dim3A_6, %broadcast_in_dim3A_8 : vector<16xi1>, vector<16xi32>
        %parallel_loop3A_280 = arith.select %parallel_loop3A_274, %broadcast_in_dim3A_6, %broadcast_in_dim3A_8 : vector<16xi1>, vector<16xi32>
        %parallel_loop3A_281 = arith.select %parallel_loop3A_275, %broadcast_in_dim3A_6, %broadcast_in_dim3A_8 : vector<16xi1>, vector<16xi32>
        %parallel_loop3A_282 = arith.select %parallel_loop3A_276, %broadcast_in_dim3A_6, %broadcast_in_dim3A_8 : vector<16xi1>, vector<16xi32>
        %parallel_loop3A_283 = arith.addi %parallel_loop3A_277, %parallel_loop3A_278 : vector<16xi32>
        %parallel_loop3A_284 = arith.addi %parallel_loop3A_283, %parallel_loop3A_279 : vector<16xi32>
        %parallel_loop3A_285 = arith.constant 2 : i32
        %parallel_loop3A_286 = vector.broadcast %parallel_loop3A_285 : i32 to vector<16xi32>
        %parallel_loop3A_287 = arith.cmpi sge, %parallel_loop3A_284, %parallel_loop3A_286 : vector<16xi32>
        %parallel_loop3A_288 = arith.addi %parallel_loop3A_280, %parallel_loop3A_281 : vector<16xi32>
        %parallel_loop3A_289 = arith.subi %parallel_loop3A_288, %parallel_loop3A_277 : vector<16xi32>
        %parallel_loop3A_290 = arith.constant 1 : i32
        %parallel_loop3A_291 = vector.broadcast %parallel_loop3A_290 : i32 to vector<16xi32>
        %parallel_loop3A_292 = arith.cmpi sge, %parallel_loop3A_289, %parallel_loop3A_291 : vector<16xi32>
        %parallel_loop3A_293 = arith.addi %parallel_loop3A_278, %parallel_loop3A_280 : vector<16xi32>
        %parallel_loop3A_294 = arith.cmpi sge, %parallel_loop3A_282, %parallel_loop3A_293 : vector<16xi32>
        %parallel_loop3A_295 = arith.xori %parallel_loop3A_287, %parallel_loop3A_292 : vector<16xi1>
        %parallel_loop3A_296 = arith.xori %parallel_loop3A_295, %parallel_loop3A_294 : vector<16xi1>
        %parallel_loop3A_297 = arith.constant 0.000000e+00 : f32
        %parallel_loop3A_298 = vector.broadcast %parallel_loop3A_297 : f32 to vector<16xf32>
        %parallel_loop3A_299 = arith.select %parallel_loop3A_287, %parallel_loop3A_248, %parallel_loop3A_298 : vector<16xi1>, vector<16xf32>
        %parallel_loop3A_300 = tpu.memref_slice %arg6[%parallel_loop3A_234] : memref<20736xf32, #tpu.memory_space<vmem>> -> memref<64xf32, #tpu.memory_space<vmem>>
        tpu.vector_store_idx %parallel_loop3A_300[%parallel_loop3A_237], %parallel_loop3A_299 : memref<64xf32, #tpu.memory_space<vmem>>[vector<16xi32>], vector<16xf32>,
        %parallel_loop3A_301 = arith.select %parallel_loop3A_292, %parallel_loop3A_250, %parallel_loop3A_298 : vector<16xi1>, vector<16xf32>
        %parallel_loop3A_302 = tpu.memref_slice %arg6[%parallel_loop3A_234] : memref<20736xf32, #tpu.memory_space<vmem>> -> memref<64xf32, #tpu.memory_space<vmem>>
        tpu.vector_store_idx %parallel_loop3A_302[%parallel_loop3A_240], %parallel_loop3A_301 : memref<64xf32, #tpu.memory_space<vmem>>[vector<16xi32>], vector<16xf32>,
        %parallel_loop3A_303 = arith.select %parallel_loop3A_294, %parallel_loop3A_252, %parallel_loop3A_298 : vector<16xi1>, vector<16xf32>
        %parallel_loop3A_304 = tpu.memref_slice %arg6[%parallel_loop3A_234] : memref<20736xf32, #tpu.memory_space<vmem>> -> memref<64xf32, #tpu.memory_space<vmem>>
        tpu.vector_store_idx %parallel_loop3A_304[%parallel_loop3A_243], %parallel_loop3A_303 : memref<64xf32, #tpu.memory_space<vmem>>[vector<16xi32>], vector<16xf32>,
        %parallel_loop3A_305 = arith.select %parallel_loop3A_296, %parallel_loop3A_254, %parallel_loop3A_298 : vector<16xi1>, vector<16xf32>
        %parallel_loop3A_306 = tpu.memref_slice %arg6[%parallel_loop3A_234] : memref<20736xf32, #tpu.memory_space<vmem>> -> memref<64xf32, #tpu.memory_space<vmem>>
        tpu.vector_store_idx %parallel_loop3A_306[%parallel_loop3A_246], %parallel_loop3A_305 : memref<64xf32, #tpu.memory_space<vmem>>[vector<16xi32>], vector<16xf32>,
        %parallel_loop3A_307 = arith.constant 576 : i32
        %parallel_loop3A_308 = arith.muli %parallel_loop3A_66, %parallel_loop3A_307 : i32
        %parallel_loop3A_309 = arith.constant 192 : i32
        %parallel_loop3A_310 = arith.addi %parallel_loop3A_308, %parallel_loop3A_309 : i32
        %parallel_loop3A_311 = arith.constant 576 : i32
        %parallel_loop3A_312 = arith.muli %parallel_loop3A_66, %parallel_loop3A_311 : i32
        %parallel_loop3A_313 = arith.constant 192 : i32
        %parallel_loop3A_314 = arith.addi %parallel_loop3A_312, %parallel_loop3A_313 : i32
        %parallel_loop3A_315 = arith.constant 0 : i32
        %parallel_loop3A_316 = vector.broadcast %parallel_loop3A_315 : i32 to vector<16xi32>
        %parallel_loop3A_317 = arith.addi %mul3A_5, %parallel_loop3A_316 : vector<16xi32>
        %parallel_loop3A_318 = arith.constant 1 : i32
        %parallel_loop3A_319 = vector.broadcast %parallel_loop3A_318 : i32 to vector<16xi32>
        %parallel_loop3A_320 = arith.addi %mul3A_5, %parallel_loop3A_319 : vector<16xi32>
        %parallel_loop3A_321 = arith.constant 2 : i32
        %parallel_loop3A_322 = vector.broadcast %parallel_loop3A_321 : i32 to vector<16xi32>
        %parallel_loop3A_323 = arith.addi %mul3A_5, %parallel_loop3A_322 : vector<16xi32>
        %parallel_loop3A_324 = arith.constant 3 : i32
        %parallel_loop3A_325 = vector.broadcast %parallel_loop3A_324 : i32 to vector<16xi32>
        %parallel_loop3A_326 = arith.addi %mul3A_5, %parallel_loop3A_325 : vector<16xi32>
        %parallel_loop3A_327 = tpu.memref_slice %arg4[%parallel_loop3A_310] : memref<20736xf32, #tpu.memory_space<vmem>> -> memref<64xf32, #tpu.memory_space<vmem>>
        %parallel_loop3A_328 = tpu.vector_load_idx %parallel_loop3A_327[%parallel_loop3A_317] : memref<64xf32, #tpu.memory_space<vmem>>[vector<16xi32>], vector<16xf32>,
        %parallel_loop3A_329 = tpu.memref_slice %arg4[%parallel_loop3A_310] : memref<20736xf32, #tpu.memory_space<vmem>> -> memref<64xf32, #tpu.memory_space<vmem>>
        %parallel_loop3A_330 = tpu.vector_load_idx %parallel_loop3A_329[%parallel_loop3A_320] : memref<64xf32, #tpu.memory_space<vmem>>[vector<16xi32>], vector<16xf32>,
        %parallel_loop3A_331 = tpu.memref_slice %arg4[%parallel_loop3A_310] : memref<20736xf32, #tpu.memory_space<vmem>> -> memref<64xf32, #tpu.memory_space<vmem>>
        %parallel_loop3A_332 = tpu.vector_load_idx %parallel_loop3A_331[%parallel_loop3A_323] : memref<64xf32, #tpu.memory_space<vmem>>[vector<16xi32>], vector<16xf32>,
        %parallel_loop3A_333 = tpu.memref_slice %arg4[%parallel_loop3A_310] : memref<20736xf32, #tpu.memory_space<vmem>> -> memref<64xf32, #tpu.memory_space<vmem>>
        %parallel_loop3A_334 = tpu.vector_load_idx %parallel_loop3A_333[%parallel_loop3A_326] : memref<64xf32, #tpu.memory_space<vmem>>[vector<16xi32>], vector<16xf32>,
        %parallel_loop3A_335 = math.absf %parallel_loop3A_328 : vector<16xf32>
        %parallel_loop3A_336 = arith.constant 1.000000e-07 : f32
        %parallel_loop3A_337 = vector.broadcast %parallel_loop3A_336 : f32 to vector<16xf32>
        %parallel_loop3A_338 = arith.addf %parallel_loop3A_335, %parallel_loop3A_337 : vector<16xf32>
        %parallel_loop3A_339 = math.absf %parallel_loop3A_330 : vector<16xf32>
        %parallel_loop3A_340 = arith.constant 1.000000e-07 : f32
        %parallel_loop3A_341 = vector.broadcast %parallel_loop3A_340 : f32 to vector<16xf32>
        %parallel_loop3A_342 = arith.addf %parallel_loop3A_339, %parallel_loop3A_341 : vector<16xf32>
        %parallel_loop3A_343 = math.absf %parallel_loop3A_332 : vector<16xf32>
        %parallel_loop3A_344 = arith.constant 1.000000e-07 : f32
        %parallel_loop3A_345 = vector.broadcast %parallel_loop3A_344 : f32 to vector<16xf32>
        %parallel_loop3A_346 = arith.addf %parallel_loop3A_343, %parallel_loop3A_345 : vector<16xf32>
        %parallel_loop3A_347 = math.absf %parallel_loop3A_334 : vector<16xf32>
        %parallel_loop3A_348 = arith.constant 1.000000e-07 : f32
        %parallel_loop3A_349 = vector.broadcast %parallel_loop3A_348 : f32 to vector<16xf32>
        %parallel_loop3A_350 = arith.addf %parallel_loop3A_347, %parallel_loop3A_349 : vector<16xf32>
        %parallel_loop3A_351 = arith.cmpf oge, %parallel_loop3A_338, %parallel_loop3A_342 : vector<16xf32>
        %parallel_loop3A_352 = arith.cmpf oge, %parallel_loop3A_338, %parallel_loop3A_346 : vector<16xf32>
        %parallel_loop3A_353 = arith.cmpf oge, %parallel_loop3A_338, %parallel_loop3A_350 : vector<16xf32>
        %parallel_loop3A_354 = arith.cmpf oge, %parallel_loop3A_342, %parallel_loop3A_346 : vector<16xf32>
        %parallel_loop3A_355 = arith.cmpf oge, %parallel_loop3A_342, %parallel_loop3A_350 : vector<16xf32>
        %parallel_loop3A_356 = arith.cmpf oge, %parallel_loop3A_346, %parallel_loop3A_350 : vector<16xf32>
        %parallel_loop3A_357 = arith.select %parallel_loop3A_351, %broadcast_in_dim3A_6, %broadcast_in_dim3A_8 : vector<16xi1>, vector<16xi32>
        %parallel_loop3A_358 = arith.select %parallel_loop3A_352, %broadcast_in_dim3A_6, %broadcast_in_dim3A_8 : vector<16xi1>, vector<16xi32>
        %parallel_loop3A_359 = arith.select %parallel_loop3A_353, %broadcast_in_dim3A_6, %broadcast_in_dim3A_8 : vector<16xi1>, vector<16xi32>
        %parallel_loop3A_360 = arith.select %parallel_loop3A_354, %broadcast_in_dim3A_6, %broadcast_in_dim3A_8 : vector<16xi1>, vector<16xi32>
        %parallel_loop3A_361 = arith.select %parallel_loop3A_355, %broadcast_in_dim3A_6, %broadcast_in_dim3A_8 : vector<16xi1>, vector<16xi32>
        %parallel_loop3A_362 = arith.select %parallel_loop3A_356, %broadcast_in_dim3A_6, %broadcast_in_dim3A_8 : vector<16xi1>, vector<16xi32>
        %parallel_loop3A_363 = arith.addi %parallel_loop3A_357, %parallel_loop3A_358 : vector<16xi32>
        %parallel_loop3A_364 = arith.addi %parallel_loop3A_363, %parallel_loop3A_359 : vector<16xi32>
        %parallel_loop3A_365 = arith.constant 2 : i32
        %parallel_loop3A_366 = vector.broadcast %parallel_loop3A_365 : i32 to vector<16xi32>
        %parallel_loop3A_367 = arith.cmpi sge, %parallel_loop3A_364, %parallel_loop3A_366 : vector<16xi32>
        %parallel_loop3A_368 = arith.addi %parallel_loop3A_360, %parallel_loop3A_361 : vector<16xi32>
        %parallel_loop3A_369 = arith.subi %parallel_loop3A_368, %parallel_loop3A_357 : vector<16xi32>
        %parallel_loop3A_370 = arith.constant 1 : i32
        %parallel_loop3A_371 = vector.broadcast %parallel_loop3A_370 : i32 to vector<16xi32>
        %parallel_loop3A_372 = arith.cmpi sge, %parallel_loop3A_369, %parallel_loop3A_371 : vector<16xi32>
        %parallel_loop3A_373 = arith.addi %parallel_loop3A_358, %parallel_loop3A_360 : vector<16xi32>
        %parallel_loop3A_374 = arith.cmpi sge, %parallel_loop3A_362, %parallel_loop3A_373 : vector<16xi32>
        %parallel_loop3A_375 = arith.xori %parallel_loop3A_367, %parallel_loop3A_372 : vector<16xi1>
        %parallel_loop3A_376 = arith.xori %parallel_loop3A_375, %parallel_loop3A_374 : vector<16xi1>
        %parallel_loop3A_377 = arith.constant 0.000000e+00 : f32
        %parallel_loop3A_378 = vector.broadcast %parallel_loop3A_377 : f32 to vector<16xf32>
        %parallel_loop3A_379 = arith.select %parallel_loop3A_367, %parallel_loop3A_328, %parallel_loop3A_378 : vector<16xi1>, vector<16xf32>
        %parallel_loop3A_380 = tpu.memref_slice %arg6[%parallel_loop3A_314] : memref<20736xf32, #tpu.memory_space<vmem>> -> memref<64xf32, #tpu.memory_space<vmem>>
        tpu.vector_store_idx %parallel_loop3A_380[%parallel_loop3A_317], %parallel_loop3A_379 : memref<64xf32, #tpu.memory_space<vmem>>[vector<16xi32>], vector<16xf32>,
        %parallel_loop3A_381 = arith.select %parallel_loop3A_372, %parallel_loop3A_330, %parallel_loop3A_378 : vector<16xi1>, vector<16xf32>
        %parallel_loop3A_382 = tpu.memref_slice %arg6[%parallel_loop3A_314] : memref<20736xf32, #tpu.memory_space<vmem>> -> memref<64xf32, #tpu.memory_space<vmem>>
        tpu.vector_store_idx %parallel_loop3A_382[%parallel_loop3A_320], %parallel_loop3A_381 : memref<64xf32, #tpu.memory_space<vmem>>[vector<16xi32>], vector<16xf32>,
        %parallel_loop3A_383 = arith.select %parallel_loop3A_374, %parallel_loop3A_332, %parallel_loop3A_378 : vector<16xi1>, vector<16xf32>
        %parallel_loop3A_384 = tpu.memref_slice %arg6[%parallel_loop3A_314] : memref<20736xf32, #tpu.memory_space<vmem>> -> memref<64xf32, #tpu.memory_space<vmem>>
        tpu.vector_store_idx %parallel_loop3A_384[%parallel_loop3A_323], %parallel_loop3A_383 : memref<64xf32, #tpu.memory_space<vmem>>[vector<16xi32>], vector<16xf32>,
        %parallel_loop3A_385 = arith.select %parallel_loop3A_376, %parallel_loop3A_334, %parallel_loop3A_378 : vector<16xi1>, vector<16xf32>
        %parallel_loop3A_386 = tpu.memref_slice %arg6[%parallel_loop3A_314] : memref<20736xf32, #tpu.memory_space<vmem>> -> memref<64xf32, #tpu.memory_space<vmem>>
        tpu.vector_store_idx %parallel_loop3A_386[%parallel_loop3A_326], %parallel_loop3A_385 : memref<64xf32, #tpu.memory_space<vmem>>[vector<16xi32>], vector<16xf32>,
        %parallel_loop3A_387 = arith.constant 576 : i32
        %parallel_loop3A_388 = arith.muli %parallel_loop3A_66, %parallel_loop3A_387 : i32
        %parallel_loop3A_389 = arith.constant 256 : i32
        %parallel_loop3A_390 = arith.addi %parallel_loop3A_388, %parallel_loop3A_389 : i32
        %parallel_loop3A_391 = arith.constant 576 : i32
        %parallel_loop3A_392 = arith.muli %parallel_loop3A_66, %parallel_loop3A_391 : i32
        %parallel_loop3A_393 = arith.constant 256 : i32
        %parallel_loop3A_394 = arith.addi %parallel_loop3A_392, %parallel_loop3A_393 : i32
        %parallel_loop3A_395 = arith.constant 0 : i32
        %parallel_loop3A_396 = vector.broadcast %parallel_loop3A_395 : i32 to vector<16xi32>
        %parallel_loop3A_397 = arith.addi %mul3A_5, %parallel_loop3A_396 : vector<16xi32>
        %parallel_loop3A_398 = arith.constant 1 : i32
        %parallel_loop3A_399 = vector.broadcast %parallel_loop3A_398 : i32 to vector<16xi32>
        %parallel_loop3A_400 = arith.addi %mul3A_5, %parallel_loop3A_399 : vector<16xi32>
        %parallel_loop3A_401 = arith.constant 2 : i32
        %parallel_loop3A_402 = vector.broadcast %parallel_loop3A_401 : i32 to vector<16xi32>
        %parallel_loop3A_403 = arith.addi %mul3A_5, %parallel_loop3A_402 : vector<16xi32>
        %parallel_loop3A_404 = arith.constant 3 : i32
        %parallel_loop3A_405 = vector.broadcast %parallel_loop3A_404 : i32 to vector<16xi32>
        %parallel_loop3A_406 = arith.addi %mul3A_5, %parallel_loop3A_405 : vector<16xi32>
        %parallel_loop3A_407 = tpu.memref_slice %arg4[%parallel_loop3A_390] : memref<20736xf32, #tpu.memory_space<vmem>> -> memref<64xf32, #tpu.memory_space<vmem>>
        %parallel_loop3A_408 = tpu.vector_load_idx %parallel_loop3A_407[%parallel_loop3A_397] : memref<64xf32, #tpu.memory_space<vmem>>[vector<16xi32>], vector<16xf32>,
        %parallel_loop3A_409 = tpu.memref_slice %arg4[%parallel_loop3A_390] : memref<20736xf32, #tpu.memory_space<vmem>> -> memref<64xf32, #tpu.memory_space<vmem>>
        %parallel_loop3A_410 = tpu.vector_load_idx %parallel_loop3A_409[%parallel_loop3A_400] : memref<64xf32, #tpu.memory_space<vmem>>[vector<16xi32>], vector<16xf32>,
        %parallel_loop3A_411 = tpu.memref_slice %arg4[%parallel_loop3A_390] : memref<20736xf32, #tpu.memory_space<vmem>> -> memref<64xf32, #tpu.memory_space<vmem>>
        %parallel_loop3A_412 = tpu.vector_load_idx %parallel_loop3A_411[%parallel_loop3A_403] : memref<64xf32, #tpu.memory_space<vmem>>[vector<16xi32>], vector<16xf32>,
        %parallel_loop3A_413 = tpu.memref_slice %arg4[%parallel_loop3A_390] : memref<20736xf32, #tpu.memory_space<vmem>> -> memref<64xf32, #tpu.memory_space<vmem>>
        %parallel_loop3A_414 = tpu.vector_load_idx %parallel_loop3A_413[%parallel_loop3A_406] : memref<64xf32, #tpu.memory_space<vmem>>[vector<16xi32>], vector<16xf32>,
        %parallel_loop3A_415 = math.absf %parallel_loop3A_408 : vector<16xf32>
        %parallel_loop3A_416 = arith.constant 1.000000e-07 : f32
        %parallel_loop3A_417 = vector.broadcast %parallel_loop3A_416 : f32 to vector<16xf32>
        %parallel_loop3A_418 = arith.addf %parallel_loop3A_415, %parallel_loop3A_417 : vector<16xf32>
        %parallel_loop3A_419 = math.absf %parallel_loop3A_410 : vector<16xf32>
        %parallel_loop3A_420 = arith.constant 1.000000e-07 : f32
        %parallel_loop3A_421 = vector.broadcast %parallel_loop3A_420 : f32 to vector<16xf32>
        %parallel_loop3A_422 = arith.addf %parallel_loop3A_419, %parallel_loop3A_421 : vector<16xf32>
        %parallel_loop3A_423 = math.absf %parallel_loop3A_412 : vector<16xf32>
        %parallel_loop3A_424 = arith.constant 1.000000e-07 : f32
        %parallel_loop3A_425 = vector.broadcast %parallel_loop3A_424 : f32 to vector<16xf32>
        %parallel_loop3A_426 = arith.addf %parallel_loop3A_423, %parallel_loop3A_425 : vector<16xf32>
        %parallel_loop3A_427 = math.absf %parallel_loop3A_414 : vector<16xf32>
        %parallel_loop3A_428 = arith.constant 1.000000e-07 : f32
        %parallel_loop3A_429 = vector.broadcast %parallel_loop3A_428 : f32 to vector<16xf32>
        %parallel_loop3A_430 = arith.addf %parallel_loop3A_427, %parallel_loop3A_429 : vector<16xf32>
        %parallel_loop3A_431 = arith.cmpf oge, %parallel_loop3A_418, %parallel_loop3A_422 : vector<16xf32>
        %parallel_loop3A_432 = arith.cmpf oge, %parallel_loop3A_418, %parallel_loop3A_426 : vector<16xf32>
        %parallel_loop3A_433 = arith.cmpf oge, %parallel_loop3A_418, %parallel_loop3A_430 : vector<16xf32>
        %parallel_loop3A_434 = arith.cmpf oge, %parallel_loop3A_422, %parallel_loop3A_426 : vector<16xf32>
        %parallel_loop3A_435 = arith.cmpf oge, %parallel_loop3A_422, %parallel_loop3A_430 : vector<16xf32>
        %parallel_loop3A_436 = arith.cmpf oge, %parallel_loop3A_426, %parallel_loop3A_430 : vector<16xf32>
        %parallel_loop3A_437 = arith.select %parallel_loop3A_431, %broadcast_in_dim3A_6, %broadcast_in_dim3A_8 : vector<16xi1>, vector<16xi32>
        %parallel_loop3A_438 = arith.select %parallel_loop3A_432, %broadcast_in_dim3A_6, %broadcast_in_dim3A_8 : vector<16xi1>, vector<16xi32>
        %parallel_loop3A_439 = arith.select %parallel_loop3A_433, %broadcast_in_dim3A_6, %broadcast_in_dim3A_8 : vector<16xi1>, vector<16xi32>
        %parallel_loop3A_440 = arith.select %parallel_loop3A_434, %broadcast_in_dim3A_6, %broadcast_in_dim3A_8 : vector<16xi1>, vector<16xi32>
        %parallel_loop3A_441 = arith.select %parallel_loop3A_435, %broadcast_in_dim3A_6, %broadcast_in_dim3A_8 : vector<16xi1>, vector<16xi32>
        %parallel_loop3A_442 = arith.select %parallel_loop3A_436, %broadcast_in_dim3A_6, %broadcast_in_dim3A_8 : vector<16xi1>, vector<16xi32>
        %parallel_loop3A_443 = arith.addi %parallel_loop3A_437, %parallel_loop3A_438 : vector<16xi32>
        %parallel_loop3A_444 = arith.addi %parallel_loop3A_443, %parallel_loop3A_439 : vector<16xi32>
        %parallel_loop3A_445 = arith.constant 2 : i32
        %parallel_loop3A_446 = vector.broadcast %parallel_loop3A_445 : i32 to vector<16xi32>
        %parallel_loop3A_447 = arith.cmpi sge, %parallel_loop3A_444, %parallel_loop3A_446 : vector<16xi32>
        %parallel_loop3A_448 = arith.addi %parallel_loop3A_440, %parallel_loop3A_441 : vector<16xi32>
        %parallel_loop3A_449 = arith.subi %parallel_loop3A_448, %parallel_loop3A_437 : vector<16xi32>
        %parallel_loop3A_450 = arith.constant 1 : i32
        %parallel_loop3A_451 = vector.broadcast %parallel_loop3A_450 : i32 to vector<16xi32>
        %parallel_loop3A_452 = arith.cmpi sge, %parallel_loop3A_449, %parallel_loop3A_451 : vector<16xi32>
        %parallel_loop3A_453 = arith.addi %parallel_loop3A_438, %parallel_loop3A_440 : vector<16xi32>
        %parallel_loop3A_454 = arith.cmpi sge, %parallel_loop3A_442, %parallel_loop3A_453 : vector<16xi32>
        %parallel_loop3A_455 = arith.xori %parallel_loop3A_447, %parallel_loop3A_452 : vector<16xi1>
        %parallel_loop3A_456 = arith.xori %parallel_loop3A_455, %parallel_loop3A_454 : vector<16xi1>
        %parallel_loop3A_457 = arith.constant 0.000000e+00 : f32
        %parallel_loop3A_458 = vector.broadcast %parallel_loop3A_457 : f32 to vector<16xf32>
        %parallel_loop3A_459 = arith.select %parallel_loop3A_447, %parallel_loop3A_408, %parallel_loop3A_458 : vector<16xi1>, vector<16xf32>
        %parallel_loop3A_460 = tpu.memref_slice %arg6[%parallel_loop3A_394] : memref<20736xf32, #tpu.memory_space<vmem>> -> memref<64xf32, #tpu.memory_space<vmem>>
        tpu.vector_store_idx %parallel_loop3A_460[%parallel_loop3A_397], %parallel_loop3A_459 : memref<64xf32, #tpu.memory_space<vmem>>[vector<16xi32>], vector<16xf32>,
        %parallel_loop3A_461 = arith.select %parallel_loop3A_452, %parallel_loop3A_410, %parallel_loop3A_458 : vector<16xi1>, vector<16xf32>
        %parallel_loop3A_462 = tpu.memref_slice %arg6[%parallel_loop3A_394] : memref<20736xf32, #tpu.memory_space<vmem>> -> memref<64xf32, #tpu.memory_space<vmem>>
        tpu.vector_store_idx %parallel_loop3A_462[%parallel_loop3A_400], %parallel_loop3A_461 : memref<64xf32, #tpu.memory_space<vmem>>[vector<16xi32>], vector<16xf32>,
        %parallel_loop3A_463 = arith.select %parallel_loop3A_454, %parallel_loop3A_412, %parallel_loop3A_458 : vector<16xi1>, vector<16xf32>
        %parallel_loop3A_464 = tpu.memref_slice %arg6[%parallel_loop3A_394] : memref<20736xf32, #tpu.memory_space<vmem>> -> memref<64xf32, #tpu.memory_space<vmem>>
        tpu.vector_store_idx %parallel_loop3A_464[%parallel_loop3A_403], %parallel_loop3A_463 : memref<64xf32, #tpu.memory_space<vmem>>[vector<16xi32>], vector<16xf32>,
        %parallel_loop3A_465 = arith.select %parallel_loop3A_456, %parallel_loop3A_414, %parallel_loop3A_458 : vector<16xi1>, vector<16xf32>
        %parallel_loop3A_466 = tpu.memref_slice %arg6[%parallel_loop3A_394] : memref<20736xf32, #tpu.memory_space<vmem>> -> memref<64xf32, #tpu.memory_space<vmem>>
        tpu.vector_store_idx %parallel_loop3A_466[%parallel_loop3A_406], %parallel_loop3A_465 : memref<64xf32, #tpu.memory_space<vmem>>[vector<16xi32>], vector<16xf32>,
        %parallel_loop3A_467 = arith.constant 576 : i32
        %parallel_loop3A_468 = arith.muli %parallel_loop3A_66, %parallel_loop3A_467 : i32
        %parallel_loop3A_469 = arith.constant 320 : i32
        %parallel_loop3A_470 = arith.addi %parallel_loop3A_468, %parallel_loop3A_469 : i32
        %parallel_loop3A_471 = arith.constant 576 : i32
        %parallel_loop3A_472 = arith.muli %parallel_loop3A_66, %parallel_loop3A_471 : i32
        %parallel_loop3A_473 = arith.constant 320 : i32
        %parallel_loop3A_474 = arith.addi %parallel_loop3A_472, %parallel_loop3A_473 : i32
        %parallel_loop3A_475 = arith.constant 0 : i32
        %parallel_loop3A_476 = vector.broadcast %parallel_loop3A_475 : i32 to vector<16xi32>
        %parallel_loop3A_477 = arith.addi %mul3A_5, %parallel_loop3A_476 : vector<16xi32>
        %parallel_loop3A_478 = arith.constant 1 : i32
        %parallel_loop3A_479 = vector.broadcast %parallel_loop3A_478 : i32 to vector<16xi32>
        %parallel_loop3A_480 = arith.addi %mul3A_5, %parallel_loop3A_479 : vector<16xi32>
        %parallel_loop3A_481 = arith.constant 2 : i32
        %parallel_loop3A_482 = vector.broadcast %parallel_loop3A_481 : i32 to vector<16xi32>
        %parallel_loop3A_483 = arith.addi %mul3A_5, %parallel_loop3A_482 : vector<16xi32>
        %parallel_loop3A_484 = arith.constant 3 : i32
        %parallel_loop3A_485 = vector.broadcast %parallel_loop3A_484 : i32 to vector<16xi32>
        %parallel_loop3A_486 = arith.addi %mul3A_5, %parallel_loop3A_485 : vector<16xi32>
        %parallel_loop3A_487 = tpu.memref_slice %arg4[%parallel_loop3A_470] : memref<20736xf32, #tpu.memory_space<vmem>> -> memref<64xf32, #tpu.memory_space<vmem>>
        %parallel_loop3A_488 = tpu.vector_load_idx %parallel_loop3A_487[%parallel_loop3A_477] : memref<64xf32, #tpu.memory_space<vmem>>[vector<16xi32>], vector<16xf32>,
        %parallel_loop3A_489 = tpu.memref_slice %arg4[%parallel_loop3A_470] : memref<20736xf32, #tpu.memory_space<vmem>> -> memref<64xf32, #tpu.memory_space<vmem>>
        %parallel_loop3A_490 = tpu.vector_load_idx %parallel_loop3A_489[%parallel_loop3A_480] : memref<64xf32, #tpu.memory_space<vmem>>[vector<16xi32>], vector<16xf32>,
        %parallel_loop3A_491 = tpu.memref_slice %arg4[%parallel_loop3A_470] : memref<20736xf32, #tpu.memory_space<vmem>> -> memref<64xf32, #tpu.memory_space<vmem>>
        %parallel_loop3A_492 = tpu.vector_load_idx %parallel_loop3A_491[%parallel_loop3A_483] : memref<64xf32, #tpu.memory_space<vmem>>[vector<16xi32>], vector<16xf32>,
        %parallel_loop3A_493 = tpu.memref_slice %arg4[%parallel_loop3A_470] : memref<20736xf32, #tpu.memory_space<vmem>> -> memref<64xf32, #tpu.memory_space<vmem>>
        %parallel_loop3A_494 = tpu.vector_load_idx %parallel_loop3A_493[%parallel_loop3A_486] : memref<64xf32, #tpu.memory_space<vmem>>[vector<16xi32>], vector<16xf32>,
        %parallel_loop3A_495 = math.absf %parallel_loop3A_488 : vector<16xf32>
        %parallel_loop3A_496 = arith.constant 1.000000e-07 : f32
        %parallel_loop3A_497 = vector.broadcast %parallel_loop3A_496 : f32 to vector<16xf32>
        %parallel_loop3A_498 = arith.addf %parallel_loop3A_495, %parallel_loop3A_497 : vector<16xf32>
        %parallel_loop3A_499 = math.absf %parallel_loop3A_490 : vector<16xf32>
        %parallel_loop3A_500 = arith.constant 1.000000e-07 : f32
        %parallel_loop3A_501 = vector.broadcast %parallel_loop3A_500 : f32 to vector<16xf32>
        %parallel_loop3A_502 = arith.addf %parallel_loop3A_499, %parallel_loop3A_501 : vector<16xf32>
        %parallel_loop3A_503 = math.absf %parallel_loop3A_492 : vector<16xf32>
        %parallel_loop3A_504 = arith.constant 1.000000e-07 : f32
        %parallel_loop3A_505 = vector.broadcast %parallel_loop3A_504 : f32 to vector<16xf32>
        %parallel_loop3A_506 = arith.addf %parallel_loop3A_503, %parallel_loop3A_505 : vector<16xf32>
        %parallel_loop3A_507 = math.absf %parallel_loop3A_494 : vector<16xf32>
        %parallel_loop3A_508 = arith.constant 1.000000e-07 : f32
        %parallel_loop3A_509 = vector.broadcast %parallel_loop3A_508 : f32 to vector<16xf32>
        %parallel_loop3A_510 = arith.addf %parallel_loop3A_507, %parallel_loop3A_509 : vector<16xf32>
        %parallel_loop3A_511 = arith.cmpf oge, %parallel_loop3A_498, %parallel_loop3A_502 : vector<16xf32>
        %parallel_loop3A_512 = arith.cmpf oge, %parallel_loop3A_498, %parallel_loop3A_506 : vector<16xf32>
        %parallel_loop3A_513 = arith.cmpf oge, %parallel_loop3A_498, %parallel_loop3A_510 : vector<16xf32>
        %parallel_loop3A_514 = arith.cmpf oge, %parallel_loop3A_502, %parallel_loop3A_506 : vector<16xf32>
        %parallel_loop3A_515 = arith.cmpf oge, %parallel_loop3A_502, %parallel_loop3A_510 : vector<16xf32>
        %parallel_loop3A_516 = arith.cmpf oge, %parallel_loop3A_506, %parallel_loop3A_510 : vector<16xf32>
        %parallel_loop3A_517 = arith.select %parallel_loop3A_511, %broadcast_in_dim3A_6, %broadcast_in_dim3A_8 : vector<16xi1>, vector<16xi32>
        %parallel_loop3A_518 = arith.select %parallel_loop3A_512, %broadcast_in_dim3A_6, %broadcast_in_dim3A_8 : vector<16xi1>, vector<16xi32>
        %parallel_loop3A_519 = arith.select %parallel_loop3A_513, %broadcast_in_dim3A_6, %broadcast_in_dim3A_8 : vector<16xi1>, vector<16xi32>
        %parallel_loop3A_520 = arith.select %parallel_loop3A_514, %broadcast_in_dim3A_6, %broadcast_in_dim3A_8 : vector<16xi1>, vector<16xi32>
        %parallel_loop3A_521 = arith.select %parallel_loop3A_515, %broadcast_in_dim3A_6, %broadcast_in_dim3A_8 : vector<16xi1>, vector<16xi32>
        %parallel_loop3A_522 = arith.select %parallel_loop3A_516, %broadcast_in_dim3A_6, %broadcast_in_dim3A_8 : vector<16xi1>, vector<16xi32>
        %parallel_loop3A_523 = arith.addi %parallel_loop3A_517, %parallel_loop3A_518 : vector<16xi32>
        %parallel_loop3A_524 = arith.addi %parallel_loop3A_523, %parallel_loop3A_519 : vector<16xi32>
        %parallel_loop3A_525 = arith.constant 2 : i32
        %parallel_loop3A_526 = vector.broadcast %parallel_loop3A_525 : i32 to vector<16xi32>
        %parallel_loop3A_527 = arith.cmpi sge, %parallel_loop3A_524, %parallel_loop3A_526 : vector<16xi32>
        %parallel_loop3A_528 = arith.addi %parallel_loop3A_520, %parallel_loop3A_521 : vector<16xi32>
        %parallel_loop3A_529 = arith.subi %parallel_loop3A_528, %parallel_loop3A_517 : vector<16xi32>
        %parallel_loop3A_530 = arith.constant 1 : i32
        %parallel_loop3A_531 = vector.broadcast %parallel_loop3A_530 : i32 to vector<16xi32>
        %parallel_loop3A_532 = arith.cmpi sge, %parallel_loop3A_529, %parallel_loop3A_531 : vector<16xi32>
        %parallel_loop3A_533 = arith.addi %parallel_loop3A_518, %parallel_loop3A_520 : vector<16xi32>
        %parallel_loop3A_534 = arith.cmpi sge, %parallel_loop3A_522, %parallel_loop3A_533 : vector<16xi32>
        %parallel_loop3A_535 = arith.xori %parallel_loop3A_527, %parallel_loop3A_532 : vector<16xi1>
        %parallel_loop3A_536 = arith.xori %parallel_loop3A_535, %parallel_loop3A_534 : vector<16xi1>
        %parallel_loop3A_537 = arith.constant 0.000000e+00 : f32
        %parallel_loop3A_538 = vector.broadcast %parallel_loop3A_537 : f32 to vector<16xf32>
        %parallel_loop3A_539 = arith.select %parallel_loop3A_527, %parallel_loop3A_488, %parallel_loop3A_538 : vector<16xi1>, vector<16xf32>
        %parallel_loop3A_540 = tpu.memref_slice %arg6[%parallel_loop3A_474] : memref<20736xf32, #tpu.memory_space<vmem>> -> memref<64xf32, #tpu.memory_space<vmem>>
        tpu.vector_store_idx %parallel_loop3A_540[%parallel_loop3A_477], %parallel_loop3A_539 : memref<64xf32, #tpu.memory_space<vmem>>[vector<16xi32>], vector<16xf32>,
        %parallel_loop3A_541 = arith.select %parallel_loop3A_532, %parallel_loop3A_490, %parallel_loop3A_538 : vector<16xi1>, vector<16xf32>
        %parallel_loop3A_542 = tpu.memref_slice %arg6[%parallel_loop3A_474] : memref<20736xf32, #tpu.memory_space<vmem>> -> memref<64xf32, #tpu.memory_space<vmem>>
        tpu.vector_store_idx %parallel_loop3A_542[%parallel_loop3A_480], %parallel_loop3A_541 : memref<64xf32, #tpu.memory_space<vmem>>[vector<16xi32>], vector<16xf32>,
        %parallel_loop3A_543 = arith.select %parallel_loop3A_534, %parallel_loop3A_492, %parallel_loop3A_538 : vector<16xi1>, vector<16xf32>
        %parallel_loop3A_544 = tpu.memref_slice %arg6[%parallel_loop3A_474] : memref<20736xf32, #tpu.memory_space<vmem>> -> memref<64xf32, #tpu.memory_space<vmem>>
        tpu.vector_store_idx %parallel_loop3A_544[%parallel_loop3A_483], %parallel_loop3A_543 : memref<64xf32, #tpu.memory_space<vmem>>[vector<16xi32>], vector<16xf32>,
        %parallel_loop3A_545 = arith.select %parallel_loop3A_536, %parallel_loop3A_494, %parallel_loop3A_538 : vector<16xi1>, vector<16xf32>
        %parallel_loop3A_546 = tpu.memref_slice %arg6[%parallel_loop3A_474] : memref<20736xf32, #tpu.memory_space<vmem>> -> memref<64xf32, #tpu.memory_space<vmem>>
        tpu.vector_store_idx %parallel_loop3A_546[%parallel_loop3A_486], %parallel_loop3A_545 : memref<64xf32, #tpu.memory_space<vmem>>[vector<16xi32>], vector<16xf32>,
        %parallel_loop3A_547 = arith.constant 576 : i32
        %parallel_loop3A_548 = arith.muli %parallel_loop3A_66, %parallel_loop3A_547 : i32
        %parallel_loop3A_549 = arith.constant 384 : i32
        %parallel_loop3A_550 = arith.addi %parallel_loop3A_548, %parallel_loop3A_549 : i32
        %parallel_loop3A_551 = arith.constant 576 : i32
        %parallel_loop3A_552 = arith.muli %parallel_loop3A_66, %parallel_loop3A_551 : i32
        %parallel_loop3A_553 = arith.constant 384 : i32
        %parallel_loop3A_554 = arith.addi %parallel_loop3A_552, %parallel_loop3A_553 : i32
        %parallel_loop3A_555 = arith.constant 0 : i32
        %parallel_loop3A_556 = vector.broadcast %parallel_loop3A_555 : i32 to vector<16xi32>
        %parallel_loop3A_557 = arith.addi %mul3A_5, %parallel_loop3A_556 : vector<16xi32>
        %parallel_loop3A_558 = arith.constant 1 : i32
        %parallel_loop3A_559 = vector.broadcast %parallel_loop3A_558 : i32 to vector<16xi32>
        %parallel_loop3A_560 = arith.addi %mul3A_5, %parallel_loop3A_559 : vector<16xi32>
        %parallel_loop3A_561 = arith.constant 2 : i32
        %parallel_loop3A_562 = vector.broadcast %parallel_loop3A_561 : i32 to vector<16xi32>
        %parallel_loop3A_563 = arith.addi %mul3A_5, %parallel_loop3A_562 : vector<16xi32>
        %parallel_loop3A_564 = arith.constant 3 : i32
        %parallel_loop3A_565 = vector.broadcast %parallel_loop3A_564 : i32 to vector<16xi32>
        %parallel_loop3A_566 = arith.addi %mul3A_5, %parallel_loop3A_565 : vector<16xi32>
        %parallel_loop3A_567 = tpu.memref_slice %arg4[%parallel_loop3A_550] : memref<20736xf32, #tpu.memory_space<vmem>> -> memref<64xf32, #tpu.memory_space<vmem>>
        %parallel_loop3A_568 = tpu.vector_load_idx %parallel_loop3A_567[%parallel_loop3A_557] : memref<64xf32, #tpu.memory_space<vmem>>[vector<16xi32>], vector<16xf32>,
        %parallel_loop3A_569 = tpu.memref_slice %arg4[%parallel_loop3A_550] : memref<20736xf32, #tpu.memory_space<vmem>> -> memref<64xf32, #tpu.memory_space<vmem>>
        %parallel_loop3A_570 = tpu.vector_load_idx %parallel_loop3A_569[%parallel_loop3A_560] : memref<64xf32, #tpu.memory_space<vmem>>[vector<16xi32>], vector<16xf32>,
        %parallel_loop3A_571 = tpu.memref_slice %arg4[%parallel_loop3A_550] : memref<20736xf32, #tpu.memory_space<vmem>> -> memref<64xf32, #tpu.memory_space<vmem>>
        %parallel_loop3A_572 = tpu.vector_load_idx %parallel_loop3A_571[%parallel_loop3A_563] : memref<64xf32, #tpu.memory_space<vmem>>[vector<16xi32>], vector<16xf32>,
        %parallel_loop3A_573 = tpu.memref_slice %arg4[%parallel_loop3A_550] : memref<20736xf32, #tpu.memory_space<vmem>> -> memref<64xf32, #tpu.memory_space<vmem>>
        %parallel_loop3A_574 = tpu.vector_load_idx %parallel_loop3A_573[%parallel_loop3A_566] : memref<64xf32, #tpu.memory_space<vmem>>[vector<16xi32>], vector<16xf32>,
        %parallel_loop3A_575 = math.absf %parallel_loop3A_568 : vector<16xf32>
        %parallel_loop3A_576 = arith.constant 1.000000e-07 : f32
        %parallel_loop3A_577 = vector.broadcast %parallel_loop3A_576 : f32 to vector<16xf32>
        %parallel_loop3A_578 = arith.addf %parallel_loop3A_575, %parallel_loop3A_577 : vector<16xf32>
        %parallel_loop3A_579 = math.absf %parallel_loop3A_570 : vector<16xf32>
        %parallel_loop3A_580 = arith.constant 1.000000e-07 : f32
        %parallel_loop3A_581 = vector.broadcast %parallel_loop3A_580 : f32 to vector<16xf32>
        %parallel_loop3A_582 = arith.addf %parallel_loop3A_579, %parallel_loop3A_581 : vector<16xf32>
        %parallel_loop3A_583 = math.absf %parallel_loop3A_572 : vector<16xf32>
        %parallel_loop3A_584 = arith.constant 1.000000e-07 : f32
        %parallel_loop3A_585 = vector.broadcast %parallel_loop3A_584 : f32 to vector<16xf32>
        %parallel_loop3A_586 = arith.addf %parallel_loop3A_583, %parallel_loop3A_585 : vector<16xf32>
        %parallel_loop3A_587 = math.absf %parallel_loop3A_574 : vector<16xf32>
        %parallel_loop3A_588 = arith.constant 1.000000e-07 : f32
        %parallel_loop3A_589 = vector.broadcast %parallel_loop3A_588 : f32 to vector<16xf32>
        %parallel_loop3A_590 = arith.addf %parallel_loop3A_587, %parallel_loop3A_589 : vector<16xf32>
        %parallel_loop3A_591 = arith.cmpf oge, %parallel_loop3A_578, %parallel_loop3A_582 : vector<16xf32>
        %parallel_loop3A_592 = arith.cmpf oge, %parallel_loop3A_578, %parallel_loop3A_586 : vector<16xf32>
        %parallel_loop3A_593 = arith.cmpf oge, %parallel_loop3A_578, %parallel_loop3A_590 : vector<16xf32>
        %parallel_loop3A_594 = arith.cmpf oge, %parallel_loop3A_582, %parallel_loop3A_586 : vector<16xf32>
        %parallel_loop3A_595 = arith.cmpf oge, %parallel_loop3A_582, %parallel_loop3A_590 : vector<16xf32>
        %parallel_loop3A_596 = arith.cmpf oge, %parallel_loop3A_586, %parallel_loop3A_590 : vector<16xf32>
        %parallel_loop3A_597 = arith.select %parallel_loop3A_591, %broadcast_in_dim3A_6, %broadcast_in_dim3A_8 : vector<16xi1>, vector<16xi32>
        %parallel_loop3A_598 = arith.select %parallel_loop3A_592, %broadcast_in_dim3A_6, %broadcast_in_dim3A_8 : vector<16xi1>, vector<16xi32>
        %parallel_loop3A_599 = arith.select %parallel_loop3A_593, %broadcast_in_dim3A_6, %broadcast_in_dim3A_8 : vector<16xi1>, vector<16xi32>
        %parallel_loop3A_600 = arith.select %parallel_loop3A_594, %broadcast_in_dim3A_6, %broadcast_in_dim3A_8 : vector<16xi1>, vector<16xi32>
        %parallel_loop3A_601 = arith.select %parallel_loop3A_595, %broadcast_in_dim3A_6, %broadcast_in_dim3A_8 : vector<16xi1>, vector<16xi32>
        %parallel_loop3A_602 = arith.select %parallel_loop3A_596, %broadcast_in_dim3A_6, %broadcast_in_dim3A_8 : vector<16xi1>, vector<16xi32>
        %parallel_loop3A_603 = arith.addi %parallel_loop3A_597, %parallel_loop3A_598 : vector<16xi32>
        %parallel_loop3A_604 = arith.addi %parallel_loop3A_603, %parallel_loop3A_599 : vector<16xi32>
        %parallel_loop3A_605 = arith.constant 2 : i32
        %parallel_loop3A_606 = vector.broadcast %parallel_loop3A_605 : i32 to vector<16xi32>
        %parallel_loop3A_607 = arith.cmpi sge, %parallel_loop3A_604, %parallel_loop3A_606 : vector<16xi32>
        %parallel_loop3A_608 = arith.addi %parallel_loop3A_600, %parallel_loop3A_601 : vector<16xi32>
        %parallel_loop3A_609 = arith.subi %parallel_loop3A_608, %parallel_loop3A_597 : vector<16xi32>
        %parallel_loop3A_610 = arith.constant 1 : i32
        %parallel_loop3A_611 = vector.broadcast %parallel_loop3A_610 : i32 to vector<16xi32>
        %parallel_loop3A_612 = arith.cmpi sge, %parallel_loop3A_609, %parallel_loop3A_611 : vector<16xi32>
        %parallel_loop3A_613 = arith.addi %parallel_loop3A_598, %parallel_loop3A_600 : vector<16xi32>
        %parallel_loop3A_614 = arith.cmpi sge, %parallel_loop3A_602, %parallel_loop3A_613 : vector<16xi32>
        %parallel_loop3A_615 = arith.xori %parallel_loop3A_607, %parallel_loop3A_612 : vector<16xi1>
        %parallel_loop3A_616 = arith.xori %parallel_loop3A_615, %parallel_loop3A_614 : vector<16xi1>
        %parallel_loop3A_617 = arith.constant 0.000000e+00 : f32
        %parallel_loop3A_618 = vector.broadcast %parallel_loop3A_617 : f32 to vector<16xf32>
        %parallel_loop3A_619 = arith.select %parallel_loop3A_607, %parallel_loop3A_568, %parallel_loop3A_618 : vector<16xi1>, vector<16xf32>
        %parallel_loop3A_620 = tpu.memref_slice %arg6[%parallel_loop3A_554] : memref<20736xf32, #tpu.memory_space<vmem>> -> memref<64xf32, #tpu.memory_space<vmem>>
        tpu.vector_store_idx %parallel_loop3A_620[%parallel_loop3A_557], %parallel_loop3A_619 : memref<64xf32, #tpu.memory_space<vmem>>[vector<16xi32>], vector<16xf32>,
        %parallel_loop3A_621 = arith.select %parallel_loop3A_612, %parallel_loop3A_570, %parallel_loop3A_618 : vector<16xi1>, vector<16xf32>
        %parallel_loop3A_622 = tpu.memref_slice %arg6[%parallel_loop3A_554] : memref<20736xf32, #tpu.memory_space<vmem>> -> memref<64xf32, #tpu.memory_space<vmem>>
        tpu.vector_store_idx %parallel_loop3A_622[%parallel_loop3A_560], %parallel_loop3A_621 : memref<64xf32, #tpu.memory_space<vmem>>[vector<16xi32>], vector<16xf32>,
        %parallel_loop3A_623 = arith.select %parallel_loop3A_614, %parallel_loop3A_572, %parallel_loop3A_618 : vector<16xi1>, vector<16xf32>
        %parallel_loop3A_624 = tpu.memref_slice %arg6[%parallel_loop3A_554] : memref<20736xf32, #tpu.memory_space<vmem>> -> memref<64xf32, #tpu.memory_space<vmem>>
        tpu.vector_store_idx %parallel_loop3A_624[%parallel_loop3A_563], %parallel_loop3A_623 : memref<64xf32, #tpu.memory_space<vmem>>[vector<16xi32>], vector<16xf32>,
        %parallel_loop3A_625 = arith.select %parallel_loop3A_616, %parallel_loop3A_574, %parallel_loop3A_618 : vector<16xi1>, vector<16xf32>
        %parallel_loop3A_626 = tpu.memref_slice %arg6[%parallel_loop3A_554] : memref<20736xf32, #tpu.memory_space<vmem>> -> memref<64xf32, #tpu.memory_space<vmem>>
        tpu.vector_store_idx %parallel_loop3A_626[%parallel_loop3A_566], %parallel_loop3A_625 : memref<64xf32, #tpu.memory_space<vmem>>[vector<16xi32>], vector<16xf32>,
        %parallel_loop3A_627 = arith.constant 576 : i32
        %parallel_loop3A_628 = arith.muli %parallel_loop3A_66, %parallel_loop3A_627 : i32
        %parallel_loop3A_629 = arith.constant 448 : i32
        %parallel_loop3A_630 = arith.addi %parallel_loop3A_628, %parallel_loop3A_629 : i32
        %parallel_loop3A_631 = arith.constant 576 : i32
        %parallel_loop3A_632 = arith.muli %parallel_loop3A_66, %parallel_loop3A_631 : i32
        %parallel_loop3A_633 = arith.constant 448 : i32
        %parallel_loop3A_634 = arith.addi %parallel_loop3A_632, %parallel_loop3A_633 : i32
        %parallel_loop3A_635 = arith.constant 0 : i32
        %parallel_loop3A_636 = vector.broadcast %parallel_loop3A_635 : i32 to vector<16xi32>
        %parallel_loop3A_637 = arith.addi %mul3A_5, %parallel_loop3A_636 : vector<16xi32>
        %parallel_loop3A_638 = arith.constant 1 : i32
        %parallel_loop3A_639 = vector.broadcast %parallel_loop3A_638 : i32 to vector<16xi32>
        %parallel_loop3A_640 = arith.addi %mul3A_5, %parallel_loop3A_639 : vector<16xi32>
        %parallel_loop3A_641 = arith.constant 2 : i32
        %parallel_loop3A_642 = vector.broadcast %parallel_loop3A_641 : i32 to vector<16xi32>
        %parallel_loop3A_643 = arith.addi %mul3A_5, %parallel_loop3A_642 : vector<16xi32>
        %parallel_loop3A_644 = arith.constant 3 : i32
        %parallel_loop3A_645 = vector.broadcast %parallel_loop3A_644 : i32 to vector<16xi32>
        %parallel_loop3A_646 = arith.addi %mul3A_5, %parallel_loop3A_645 : vector<16xi32>
        %parallel_loop3A_647 = tpu.memref_slice %arg4[%parallel_loop3A_630] : memref<20736xf32, #tpu.memory_space<vmem>> -> memref<64xf32, #tpu.memory_space<vmem>>
        %parallel_loop3A_648 = tpu.vector_load_idx %parallel_loop3A_647[%parallel_loop3A_637] : memref<64xf32, #tpu.memory_space<vmem>>[vector<16xi32>], vector<16xf32>,
        %parallel_loop3A_649 = tpu.memref_slice %arg4[%parallel_loop3A_630] : memref<20736xf32, #tpu.memory_space<vmem>> -> memref<64xf32, #tpu.memory_space<vmem>>
        %parallel_loop3A_650 = tpu.vector_load_idx %parallel_loop3A_649[%parallel_loop3A_640] : memref<64xf32, #tpu.memory_space<vmem>>[vector<16xi32>], vector<16xf32>,
        %parallel_loop3A_651 = tpu.memref_slice %arg4[%parallel_loop3A_630] : memref<20736xf32, #tpu.memory_space<vmem>> -> memref<64xf32, #tpu.memory_space<vmem>>
        %parallel_loop3A_652 = tpu.vector_load_idx %parallel_loop3A_651[%parallel_loop3A_643] : memref<64xf32, #tpu.memory_space<vmem>>[vector<16xi32>], vector<16xf32>,
        %parallel_loop3A_653 = tpu.memref_slice %arg4[%parallel_loop3A_630] : memref<20736xf32, #tpu.memory_space<vmem>> -> memref<64xf32, #tpu.memory_space<vmem>>
        %parallel_loop3A_654 = tpu.vector_load_idx %parallel_loop3A_653[%parallel_loop3A_646] : memref<64xf32, #tpu.memory_space<vmem>>[vector<16xi32>], vector<16xf32>,
        %parallel_loop3A_655 = math.absf %parallel_loop3A_648 : vector<16xf32>
        %parallel_loop3A_656 = arith.constant 1.000000e-07 : f32
        %parallel_loop3A_657 = vector.broadcast %parallel_loop3A_656 : f32 to vector<16xf32>
        %parallel_loop3A_658 = arith.addf %parallel_loop3A_655, %parallel_loop3A_657 : vector<16xf32>
        %parallel_loop3A_659 = math.absf %parallel_loop3A_650 : vector<16xf32>
        %parallel_loop3A_660 = arith.constant 1.000000e-07 : f32
        %parallel_loop3A_661 = vector.broadcast %parallel_loop3A_660 : f32 to vector<16xf32>
        %parallel_loop3A_662 = arith.addf %parallel_loop3A_659, %parallel_loop3A_661 : vector<16xf32>
        %parallel_loop3A_663 = math.absf %parallel_loop3A_652 : vector<16xf32>
        %parallel_loop3A_664 = arith.constant 1.000000e-07 : f32
        %parallel_loop3A_665 = vector.broadcast %parallel_loop3A_664 : f32 to vector<16xf32>
        %parallel_loop3A_666 = arith.addf %parallel_loop3A_663, %parallel_loop3A_665 : vector<16xf32>
        %parallel_loop3A_667 = math.absf %parallel_loop3A_654 : vector<16xf32>
        %parallel_loop3A_668 = arith.constant 1.000000e-07 : f32
        %parallel_loop3A_669 = vector.broadcast %parallel_loop3A_668 : f32 to vector<16xf32>
        %parallel_loop3A_670 = arith.addf %parallel_loop3A_667, %parallel_loop3A_669 : vector<16xf32>
        %parallel_loop3A_671 = arith.cmpf oge, %parallel_loop3A_658, %parallel_loop3A_662 : vector<16xf32>
        %parallel_loop3A_672 = arith.cmpf oge, %parallel_loop3A_658, %parallel_loop3A_666 : vector<16xf32>
        %parallel_loop3A_673 = arith.cmpf oge, %parallel_loop3A_658, %parallel_loop3A_670 : vector<16xf32>
        %parallel_loop3A_674 = arith.cmpf oge, %parallel_loop3A_662, %parallel_loop3A_666 : vector<16xf32>
        %parallel_loop3A_675 = arith.cmpf oge, %parallel_loop3A_662, %parallel_loop3A_670 : vector<16xf32>
        %parallel_loop3A_676 = arith.cmpf oge, %parallel_loop3A_666, %parallel_loop3A_670 : vector<16xf32>
        %parallel_loop3A_677 = arith.select %parallel_loop3A_671, %broadcast_in_dim3A_6, %broadcast_in_dim3A_8 : vector<16xi1>, vector<16xi32>
        %parallel_loop3A_678 = arith.select %parallel_loop3A_672, %broadcast_in_dim3A_6, %broadcast_in_dim3A_8 : vector<16xi1>, vector<16xi32>
        %parallel_loop3A_679 = arith.select %parallel_loop3A_673, %broadcast_in_dim3A_6, %broadcast_in_dim3A_8 : vector<16xi1>, vector<16xi32>
        %parallel_loop3A_680 = arith.select %parallel_loop3A_674, %broadcast_in_dim3A_6, %broadcast_in_dim3A_8 : vector<16xi1>, vector<16xi32>
        %parallel_loop3A_681 = arith.select %parallel_loop3A_675, %broadcast_in_dim3A_6, %broadcast_in_dim3A_8 : vector<16xi1>, vector<16xi32>
        %parallel_loop3A_682 = arith.select %parallel_loop3A_676, %broadcast_in_dim3A_6, %broadcast_in_dim3A_8 : vector<16xi1>, vector<16xi32>
        %parallel_loop3A_683 = arith.addi %parallel_loop3A_677, %parallel_loop3A_678 : vector<16xi32>
        %parallel_loop3A_684 = arith.addi %parallel_loop3A_683, %parallel_loop3A_679 : vector<16xi32>
        %parallel_loop3A_685 = arith.constant 2 : i32
        %parallel_loop3A_686 = vector.broadcast %parallel_loop3A_685 : i32 to vector<16xi32>
        %parallel_loop3A_687 = arith.cmpi sge, %parallel_loop3A_684, %parallel_loop3A_686 : vector<16xi32>
        %parallel_loop3A_688 = arith.addi %parallel_loop3A_680, %parallel_loop3A_681 : vector<16xi32>
        %parallel_loop3A_689 = arith.subi %parallel_loop3A_688, %parallel_loop3A_677 : vector<16xi32>
        %parallel_loop3A_690 = arith.constant 1 : i32
        %parallel_loop3A_691 = vector.broadcast %parallel_loop3A_690 : i32 to vector<16xi32>
        %parallel_loop3A_692 = arith.cmpi sge, %parallel_loop3A_689, %parallel_loop3A_691 : vector<16xi32>
        %parallel_loop3A_693 = arith.addi %parallel_loop3A_678, %parallel_loop3A_680 : vector<16xi32>
        %parallel_loop3A_694 = arith.cmpi sge, %parallel_loop3A_682, %parallel_loop3A_693 : vector<16xi32>
        %parallel_loop3A_695 = arith.xori %parallel_loop3A_687, %parallel_loop3A_692 : vector<16xi1>
        %parallel_loop3A_696 = arith.xori %parallel_loop3A_695, %parallel_loop3A_694 : vector<16xi1>
        %parallel_loop3A_697 = arith.constant 0.000000e+00 : f32
        %parallel_loop3A_698 = vector.broadcast %parallel_loop3A_697 : f32 to vector<16xf32>
        %parallel_loop3A_699 = arith.select %parallel_loop3A_687, %parallel_loop3A_648, %parallel_loop3A_698 : vector<16xi1>, vector<16xf32>
        %parallel_loop3A_700 = tpu.memref_slice %arg6[%parallel_loop3A_634] : memref<20736xf32, #tpu.memory_space<vmem>> -> memref<64xf32, #tpu.memory_space<vmem>>
        tpu.vector_store_idx %parallel_loop3A_700[%parallel_loop3A_637], %parallel_loop3A_699 : memref<64xf32, #tpu.memory_space<vmem>>[vector<16xi32>], vector<16xf32>,
        %parallel_loop3A_701 = arith.select %parallel_loop3A_692, %parallel_loop3A_650, %parallel_loop3A_698 : vector<16xi1>, vector<16xf32>
        %parallel_loop3A_702 = tpu.memref_slice %arg6[%parallel_loop3A_634] : memref<20736xf32, #tpu.memory_space<vmem>> -> memref<64xf32, #tpu.memory_space<vmem>>
        tpu.vector_store_idx %parallel_loop3A_702[%parallel_loop3A_640], %parallel_loop3A_701 : memref<64xf32, #tpu.memory_space<vmem>>[vector<16xi32>], vector<16xf32>,
        %parallel_loop3A_703 = arith.select %parallel_loop3A_694, %parallel_loop3A_652, %parallel_loop3A_698 : vector<16xi1>, vector<16xf32>
        %parallel_loop3A_704 = tpu.memref_slice %arg6[%parallel_loop3A_634] : memref<20736xf32, #tpu.memory_space<vmem>> -> memref<64xf32, #tpu.memory_space<vmem>>
        tpu.vector_store_idx %parallel_loop3A_704[%parallel_loop3A_643], %parallel_loop3A_703 : memref<64xf32, #tpu.memory_space<vmem>>[vector<16xi32>], vector<16xf32>,
        %parallel_loop3A_705 = arith.select %parallel_loop3A_696, %parallel_loop3A_654, %parallel_loop3A_698 : vector<16xi1>, vector<16xf32>
        %parallel_loop3A_706 = tpu.memref_slice %arg6[%parallel_loop3A_634] : memref<20736xf32, #tpu.memory_space<vmem>> -> memref<64xf32, #tpu.memory_space<vmem>>
        tpu.vector_store_idx %parallel_loop3A_706[%parallel_loop3A_646], %parallel_loop3A_705 : memref<64xf32, #tpu.memory_space<vmem>>[vector<16xi32>], vector<16xf32>,
        %parallel_loop3A_707 = arith.constant 576 : i32
        %parallel_loop3A_708 = arith.muli %parallel_loop3A_66, %parallel_loop3A_707 : i32
        %parallel_loop3A_709 = arith.constant 512 : i32
        %parallel_loop3A_710 = arith.addi %parallel_loop3A_708, %parallel_loop3A_709 : i32
        %parallel_loop3A_711 = arith.constant 576 : i32
        %parallel_loop3A_712 = arith.muli %parallel_loop3A_66, %parallel_loop3A_711 : i32
        %parallel_loop3A_713 = arith.constant 512 : i32
        %parallel_loop3A_714 = arith.addi %parallel_loop3A_712, %parallel_loop3A_713 : i32
        %parallel_loop3A_715 = arith.constant 0 : i32
        %parallel_loop3A_716 = vector.broadcast %parallel_loop3A_715 : i32 to vector<16xi32>
        %parallel_loop3A_717 = arith.addi %mul3A_5, %parallel_loop3A_716 : vector<16xi32>
        %parallel_loop3A_718 = arith.constant 1 : i32
        %parallel_loop3A_719 = vector.broadcast %parallel_loop3A_718 : i32 to vector<16xi32>
        %parallel_loop3A_720 = arith.addi %mul3A_5, %parallel_loop3A_719 : vector<16xi32>
        %parallel_loop3A_721 = arith.constant 2 : i32
        %parallel_loop3A_722 = vector.broadcast %parallel_loop3A_721 : i32 to vector<16xi32>
        %parallel_loop3A_723 = arith.addi %mul3A_5, %parallel_loop3A_722 : vector<16xi32>
        %parallel_loop3A_724 = arith.constant 3 : i32
        %parallel_loop3A_725 = vector.broadcast %parallel_loop3A_724 : i32 to vector<16xi32>
        %parallel_loop3A_726 = arith.addi %mul3A_5, %parallel_loop3A_725 : vector<16xi32>
        %parallel_loop3A_727 = tpu.memref_slice %arg4[%parallel_loop3A_710] : memref<20736xf32, #tpu.memory_space<vmem>> -> memref<64xf32, #tpu.memory_space<vmem>>
        %parallel_loop3A_728 = tpu.vector_load_idx %parallel_loop3A_727[%parallel_loop3A_717] : memref<64xf32, #tpu.memory_space<vmem>>[vector<16xi32>], vector<16xf32>,
        %parallel_loop3A_729 = tpu.memref_slice %arg4[%parallel_loop3A_710] : memref<20736xf32, #tpu.memory_space<vmem>> -> memref<64xf32, #tpu.memory_space<vmem>>
        %parallel_loop3A_730 = tpu.vector_load_idx %parallel_loop3A_729[%parallel_loop3A_720] : memref<64xf32, #tpu.memory_space<vmem>>[vector<16xi32>], vector<16xf32>,
        %parallel_loop3A_731 = tpu.memref_slice %arg4[%parallel_loop3A_710] : memref<20736xf32, #tpu.memory_space<vmem>> -> memref<64xf32, #tpu.memory_space<vmem>>
        %parallel_loop3A_732 = tpu.vector_load_idx %parallel_loop3A_731[%parallel_loop3A_723] : memref<64xf32, #tpu.memory_space<vmem>>[vector<16xi32>], vector<16xf32>,
        %parallel_loop3A_733 = tpu.memref_slice %arg4[%parallel_loop3A_710] : memref<20736xf32, #tpu.memory_space<vmem>> -> memref<64xf32, #tpu.memory_space<vmem>>
        %parallel_loop3A_734 = tpu.vector_load_idx %parallel_loop3A_733[%parallel_loop3A_726] : memref<64xf32, #tpu.memory_space<vmem>>[vector<16xi32>], vector<16xf32>,
        %parallel_loop3A_735 = math.absf %parallel_loop3A_728 : vector<16xf32>
        %parallel_loop3A_736 = arith.constant 1.000000e-07 : f32
        %parallel_loop3A_737 = vector.broadcast %parallel_loop3A_736 : f32 to vector<16xf32>
        %parallel_loop3A_738 = arith.addf %parallel_loop3A_735, %parallel_loop3A_737 : vector<16xf32>
        %parallel_loop3A_739 = math.absf %parallel_loop3A_730 : vector<16xf32>
        %parallel_loop3A_740 = arith.constant 1.000000e-07 : f32
        %parallel_loop3A_741 = vector.broadcast %parallel_loop3A_740 : f32 to vector<16xf32>
        %parallel_loop3A_742 = arith.addf %parallel_loop3A_739, %parallel_loop3A_741 : vector<16xf32>
        %parallel_loop3A_743 = math.absf %parallel_loop3A_732 : vector<16xf32>
        %parallel_loop3A_744 = arith.constant 1.000000e-07 : f32
        %parallel_loop3A_745 = vector.broadcast %parallel_loop3A_744 : f32 to vector<16xf32>
        %parallel_loop3A_746 = arith.addf %parallel_loop3A_743, %parallel_loop3A_745 : vector<16xf32>
        %parallel_loop3A_747 = math.absf %parallel_loop3A_734 : vector<16xf32>
        %parallel_loop3A_748 = arith.constant 1.000000e-07 : f32
        %parallel_loop3A_749 = vector.broadcast %parallel_loop3A_748 : f32 to vector<16xf32>
        %parallel_loop3A_750 = arith.addf %parallel_loop3A_747, %parallel_loop3A_749 : vector<16xf32>
        %parallel_loop3A_751 = arith.cmpf oge, %parallel_loop3A_738, %parallel_loop3A_742 : vector<16xf32>
        %parallel_loop3A_752 = arith.cmpf oge, %parallel_loop3A_738, %parallel_loop3A_746 : vector<16xf32>
        %parallel_loop3A_753 = arith.cmpf oge, %parallel_loop3A_738, %parallel_loop3A_750 : vector<16xf32>
        %parallel_loop3A_754 = arith.cmpf oge, %parallel_loop3A_742, %parallel_loop3A_746 : vector<16xf32>
        %parallel_loop3A_755 = arith.cmpf oge, %parallel_loop3A_742, %parallel_loop3A_750 : vector<16xf32>
        %parallel_loop3A_756 = arith.cmpf oge, %parallel_loop3A_746, %parallel_loop3A_750 : vector<16xf32>
        %parallel_loop3A_757 = arith.select %parallel_loop3A_751, %broadcast_in_dim3A_6, %broadcast_in_dim3A_8 : vector<16xi1>, vector<16xi32>
        %parallel_loop3A_758 = arith.select %parallel_loop3A_752, %broadcast_in_dim3A_6, %broadcast_in_dim3A_8 : vector<16xi1>, vector<16xi32>
        %parallel_loop3A_759 = arith.select %parallel_loop3A_753, %broadcast_in_dim3A_6, %broadcast_in_dim3A_8 : vector<16xi1>, vector<16xi32>
        %parallel_loop3A_760 = arith.select %parallel_loop3A_754, %broadcast_in_dim3A_6, %broadcast_in_dim3A_8 : vector<16xi1>, vector<16xi32>
        %parallel_loop3A_761 = arith.select %parallel_loop3A_755, %broadcast_in_dim3A_6, %broadcast_in_dim3A_8 : vector<16xi1>, vector<16xi32>
        %parallel_loop3A_762 = arith.select %parallel_loop3A_756, %broadcast_in_dim3A_6, %broadcast_in_dim3A_8 : vector<16xi1>, vector<16xi32>
        %parallel_loop3A_763 = arith.addi %parallel_loop3A_757, %parallel_loop3A_758 : vector<16xi32>
        %parallel_loop3A_764 = arith.addi %parallel_loop3A_763, %parallel_loop3A_759 : vector<16xi32>
        %parallel_loop3A_765 = arith.constant 2 : i32
        %parallel_loop3A_766 = vector.broadcast %parallel_loop3A_765 : i32 to vector<16xi32>
        %parallel_loop3A_767 = arith.cmpi sge, %parallel_loop3A_764, %parallel_loop3A_766 : vector<16xi32>
        %parallel_loop3A_768 = arith.addi %parallel_loop3A_760, %parallel_loop3A_761 : vector<16xi32>
        %parallel_loop3A_769 = arith.subi %parallel_loop3A_768, %parallel_loop3A_757 : vector<16xi32>
        %parallel_loop3A_770 = arith.constant 1 : i32
        %parallel_loop3A_771 = vector.broadcast %parallel_loop3A_770 : i32 to vector<16xi32>
        %parallel_loop3A_772 = arith.cmpi sge, %parallel_loop3A_769, %parallel_loop3A_771 : vector<16xi32>
        %parallel_loop3A_773 = arith.addi %parallel_loop3A_758, %parallel_loop3A_760 : vector<16xi32>
        %parallel_loop3A_774 = arith.cmpi sge, %parallel_loop3A_762, %parallel_loop3A_773 : vector<16xi32>
        %parallel_loop3A_775 = arith.xori %parallel_loop3A_767, %parallel_loop3A_772 : vector<16xi1>
        %parallel_loop3A_776 = arith.xori %parallel_loop3A_775, %parallel_loop3A_774 : vector<16xi1>
        %parallel_loop3A_777 = arith.constant 0.000000e+00 : f32
        %parallel_loop3A_778 = vector.broadcast %parallel_loop3A_777 : f32 to vector<16xf32>
        %parallel_loop3A_779 = arith.select %parallel_loop3A_767, %parallel_loop3A_728, %parallel_loop3A_778 : vector<16xi1>, vector<16xf32>
        %parallel_loop3A_780 = tpu.memref_slice %arg6[%parallel_loop3A_714] : memref<20736xf32, #tpu.memory_space<vmem>> -> memref<64xf32, #tpu.memory_space<vmem>>
        tpu.vector_store_idx %parallel_loop3A_780[%parallel_loop3A_717], %parallel_loop3A_779 : memref<64xf32, #tpu.memory_space<vmem>>[vector<16xi32>], vector<16xf32>,
        %parallel_loop3A_781 = arith.select %parallel_loop3A_772, %parallel_loop3A_730, %parallel_loop3A_778 : vector<16xi1>, vector<16xf32>
        %parallel_loop3A_782 = tpu.memref_slice %arg6[%parallel_loop3A_714] : memref<20736xf32, #tpu.memory_space<vmem>> -> memref<64xf32, #tpu.memory_space<vmem>>
        tpu.vector_store_idx %parallel_loop3A_782[%parallel_loop3A_720], %parallel_loop3A_781 : memref<64xf32, #tpu.memory_space<vmem>>[vector<16xi32>], vector<16xf32>,
        %parallel_loop3A_783 = arith.select %parallel_loop3A_774, %parallel_loop3A_732, %parallel_loop3A_778 : vector<16xi1>, vector<16xf32>
        %parallel_loop3A_784 = tpu.memref_slice %arg6[%parallel_loop3A_714] : memref<20736xf32, #tpu.memory_space<vmem>> -> memref<64xf32, #tpu.memory_space<vmem>>
        tpu.vector_store_idx %parallel_loop3A_784[%parallel_loop3A_723], %parallel_loop3A_783 : memref<64xf32, #tpu.memory_space<vmem>>[vector<16xi32>], vector<16xf32>,
        %parallel_loop3A_785 = arith.select %parallel_loop3A_776, %parallel_loop3A_734, %parallel_loop3A_778 : vector<16xi1>, vector<16xf32>
        %parallel_loop3A_786 = tpu.memref_slice %arg6[%parallel_loop3A_714] : memref<20736xf32, #tpu.memory_space<vmem>> -> memref<64xf32, #tpu.memory_space<vmem>>
        tpu.vector_store_idx %parallel_loop3A_786[%parallel_loop3A_726], %parallel_loop3A_785 : memref<64xf32, #tpu.memory_space<vmem>>[vector<16xi32>], vector<16xf32>,
      } {sc.loop_unroll_factor = 1 : i64, sc.parallel_access}
      %dma_start3A_36 = tpu.memref_slice %arg3[%add3A_29] : memref<5308416xf32, #tpu.memory_space<hbm>> -> memref<20736xf32, #tpu.memory_space<hbm>>
      %dma_start3A_37 = tpu.memref_slice %arg3[%add3A_29] : memref<5308416xf32, #tpu.memory_space<hbm>> -> memref<20736xf32, #tpu.memory_space<hbm>>
      tpu.enqueue_dma source(%arg6 : memref<20736xf32, #tpu.memory_space<vmem>>) target(%dma_start3A_37 : memref<20736xf32, #tpu.memory_space<hbm>>) target_semaphore(%arg10 : memref<!tpu.dma_semaphore, #tpu.memory_space<semaphore_mem>>)
      %lt3A = arith.constant 3 : i32
      %lt3A_38 = arith.cmpi slt, %scan3A_22, %lt3A : i32
      %convert_element_type3A_39 = arith.extui %lt3A_38 : i1 to i32
      %cond3A_40 = arith.constant 0 : i32
      %cond3A_41 = arith.cmpi ne, %convert_element_type3A_39, %cond3A_40 : i32
      scf.if %cond3A_41 {
        %add3A_66 = arith.constant 41472 : i32
        %add3A_67 = arith.addi %add3A_29, %add3A_66 : i32
        %dma_start3A_68 = tpu.memref_slice %arg2[%add3A_67] : memref<5308416xf32, #tpu.memory_space<hbm>> -> memref<20736xf32, #tpu.memory_space<hbm>>
        %dma_start3A_69 = tpu.memref_slice %arg2[%add3A_67] : memref<5308416xf32, #tpu.memory_space<hbm>> -> memref<20736xf32, #tpu.memory_space<hbm>>
        tpu.enqueue_dma source(%dma_start3A_69 : memref<20736xf32, #tpu.memory_space<hbm>>) target(%arg4 : memref<20736xf32, #tpu.memory_space<vmem>>) target_semaphore(%arg8 : memref<!tpu.dma_semaphore, #tpu.memory_space<semaphore_mem>>)
      } else {
      }
      %mul3A_42 = arith.constant 2 : i32
      %mul3A_43 = arith.muli %scan3A_22, %mul3A_42 : i32
      %add3A_44 = arith.constant 1 : i32
      %add3A_45 = arith.addi %mul3A_43, %add3A_44 : i32
      %mul3A_46 = arith.constant 20736 : i32
      %mul3A_47 = arith.muli %add3A_45, %mul3A_46 : i32
      %add3A_48 = arith.addi %mul3A_2, %mul3A_47 : i32
      %dma_wait3A_49 = tpu.memref_slice %arg2[%mul3A_2] : memref<5308416xf32, #tpu.memory_space<hbm>> -> memref<20736xf32, #tpu.memory_space<hbm>>
      %dma_wait3A_50 = tpu.memref_slice %arg2[%mul3A_2] : memref<5308416xf32, #tpu.memory_space<hbm>> -> memref<20736xf32, #tpu.memory_space<hbm>>
      tpu.wait_dma2 semaphore(%arg9 : memref<!tpu.dma_semaphore, #tpu.memory_space<semaphore_mem>>) src(%dma_wait3A_50 : memref<20736xf32, #tpu.memory_space<hbm>>) dst(%arg5 : memref<20736xf32, #tpu.memory_space<vmem>>)
      %gt3A_51 = arith.constant 0 : i32
      %gt3A_52 = arith.cmpi sgt, %scan3A_22, %gt3A_51 : i32
      %convert_element_type3A_53 = arith.extui %gt3A_52 : i1 to i32
      %cond3A_54 = arith.constant 0 : i32
      %cond3A_55 = arith.cmpi ne, %convert_element_type3A_53, %cond3A_54 : i32
      scf.if %cond3A_55 {
        %dma_wait3A_66 = tpu.memref_slice %arg3[%mul3A_2] : memref<5308416xf32, #tpu.memory_space<hbm>> -> memref<20736xf32, #tpu.memory_space<hbm>>
        %dma_wait3A_67 = tpu.memref_slice %arg3[%mul3A_2] : memref<5308416xf32, #tpu.memory_space<hbm>> -> memref<20736xf32, #tpu.memory_space<hbm>>
        tpu.wait_dma2 semaphore(%arg11 : memref<!tpu.dma_semaphore, #tpu.memory_space<semaphore_mem>>) src(%arg7 : memref<20736xf32, #tpu.memory_space<vmem>>) dst(%dma_wait3A_67 : memref<20736xf32, #tpu.memory_space<hbm>>)
      } else {
      }
      %parallel_loop3A_56 = arith.constant 0 : i32
      %parallel_loop3A_57 = arith.constant 36 : i32
      %parallel_loop3A_58 = arith.constant 1 : i32
      scf.for %parallel_loop3A_66 = %parallel_loop3A_56 to %parallel_loop3A_57 step %parallel_loop3A_58  : i32 {
        %parallel_loop3A_67 = arith.constant 576 : i32
        %parallel_loop3A_68 = arith.muli %parallel_loop3A_66, %parallel_loop3A_67 : i32
        %parallel_loop3A_69 = arith.constant 0 : i32
        %parallel_loop3A_70 = arith.addi %parallel_loop3A_68, %parallel_loop3A_69 : i32
        %parallel_loop3A_71 = arith.constant 576 : i32
        %parallel_loop3A_72 = arith.muli %parallel_loop3A_66, %parallel_loop3A_71 : i32
        %parallel_loop3A_73 = arith.constant 0 : i32
        %parallel_loop3A_74 = arith.addi %parallel_loop3A_72, %parallel_loop3A_73 : i32
        %parallel_loop3A_75 = arith.constant 0 : i32
        %parallel_loop3A_76 = vector.broadcast %parallel_loop3A_75 : i32 to vector<16xi32>
        %parallel_loop3A_77 = arith.addi %mul3A_5, %parallel_loop3A_76 : vector<16xi32>
        %parallel_loop3A_78 = arith.constant 1 : i32
        %parallel_loop3A_79 = vector.broadcast %parallel_loop3A_78 : i32 to vector<16xi32>
        %parallel_loop3A_80 = arith.addi %mul3A_5, %parallel_loop3A_79 : vector<16xi32>
        %parallel_loop3A_81 = arith.constant 2 : i32
        %parallel_loop3A_82 = vector.broadcast %parallel_loop3A_81 : i32 to vector<16xi32>
        %parallel_loop3A_83 = arith.addi %mul3A_5, %parallel_loop3A_82 : vector<16xi32>
        %parallel_loop3A_84 = arith.constant 3 : i32
        %parallel_loop3A_85 = vector.broadcast %parallel_loop3A_84 : i32 to vector<16xi32>
        %parallel_loop3A_86 = arith.addi %mul3A_5, %parallel_loop3A_85 : vector<16xi32>
        %parallel_loop3A_87 = tpu.memref_slice %arg5[%parallel_loop3A_70] : memref<20736xf32, #tpu.memory_space<vmem>> -> memref<64xf32, #tpu.memory_space<vmem>>
        %parallel_loop3A_88 = tpu.vector_load_idx %parallel_loop3A_87[%parallel_loop3A_77] : memref<64xf32, #tpu.memory_space<vmem>>[vector<16xi32>], vector<16xf32>,
        %parallel_loop3A_89 = tpu.memref_slice %arg5[%parallel_loop3A_70] : memref<20736xf32, #tpu.memory_space<vmem>> -> memref<64xf32, #tpu.memory_space<vmem>>
        %parallel_loop3A_90 = tpu.vector_load_idx %parallel_loop3A_89[%parallel_loop3A_80] : memref<64xf32, #tpu.memory_space<vmem>>[vector<16xi32>], vector<16xf32>,
        %parallel_loop3A_91 = tpu.memref_slice %arg5[%parallel_loop3A_70] : memref<20736xf32, #tpu.memory_space<vmem>> -> memref<64xf32, #tpu.memory_space<vmem>>
        %parallel_loop3A_92 = tpu.vector_load_idx %parallel_loop3A_91[%parallel_loop3A_83] : memref<64xf32, #tpu.memory_space<vmem>>[vector<16xi32>], vector<16xf32>,
        %parallel_loop3A_93 = tpu.memref_slice %arg5[%parallel_loop3A_70] : memref<20736xf32, #tpu.memory_space<vmem>> -> memref<64xf32, #tpu.memory_space<vmem>>
        %parallel_loop3A_94 = tpu.vector_load_idx %parallel_loop3A_93[%parallel_loop3A_86] : memref<64xf32, #tpu.memory_space<vmem>>[vector<16xi32>], vector<16xf32>,
        %parallel_loop3A_95 = math.absf %parallel_loop3A_88 : vector<16xf32>
        %parallel_loop3A_96 = arith.constant 1.000000e-07 : f32
        %parallel_loop3A_97 = vector.broadcast %parallel_loop3A_96 : f32 to vector<16xf32>
        %parallel_loop3A_98 = arith.addf %parallel_loop3A_95, %parallel_loop3A_97 : vector<16xf32>
        %parallel_loop3A_99 = math.absf %parallel_loop3A_90 : vector<16xf32>
        %parallel_loop3A_100 = arith.constant 1.000000e-07 : f32
        %parallel_loop3A_101 = vector.broadcast %parallel_loop3A_100 : f32 to vector<16xf32>
        %parallel_loop3A_102 = arith.addf %parallel_loop3A_99, %parallel_loop3A_101 : vector<16xf32>
        %parallel_loop3A_103 = math.absf %parallel_loop3A_92 : vector<16xf32>
        %parallel_loop3A_104 = arith.constant 1.000000e-07 : f32
        %parallel_loop3A_105 = vector.broadcast %parallel_loop3A_104 : f32 to vector<16xf32>
        %parallel_loop3A_106 = arith.addf %parallel_loop3A_103, %parallel_loop3A_105 : vector<16xf32>
        %parallel_loop3A_107 = math.absf %parallel_loop3A_94 : vector<16xf32>
        %parallel_loop3A_108 = arith.constant 1.000000e-07 : f32
        %parallel_loop3A_109 = vector.broadcast %parallel_loop3A_108 : f32 to vector<16xf32>
        %parallel_loop3A_110 = arith.addf %parallel_loop3A_107, %parallel_loop3A_109 : vector<16xf32>
        %parallel_loop3A_111 = arith.cmpf oge, %parallel_loop3A_98, %parallel_loop3A_102 : vector<16xf32>
        %parallel_loop3A_112 = arith.cmpf oge, %parallel_loop3A_98, %parallel_loop3A_106 : vector<16xf32>
        %parallel_loop3A_113 = arith.cmpf oge, %parallel_loop3A_98, %parallel_loop3A_110 : vector<16xf32>
        %parallel_loop3A_114 = arith.cmpf oge, %parallel_loop3A_102, %parallel_loop3A_106 : vector<16xf32>
        %parallel_loop3A_115 = arith.cmpf oge, %parallel_loop3A_102, %parallel_loop3A_110 : vector<16xf32>
        %parallel_loop3A_116 = arith.cmpf oge, %parallel_loop3A_106, %parallel_loop3A_110 : vector<16xf32>
        %parallel_loop3A_117 = arith.select %parallel_loop3A_111, %broadcast_in_dim3A_6, %broadcast_in_dim3A_8 : vector<16xi1>, vector<16xi32>
        %parallel_loop3A_118 = arith.select %parallel_loop3A_112, %broadcast_in_dim3A_6, %broadcast_in_dim3A_8 : vector<16xi1>, vector<16xi32>
        %parallel_loop3A_119 = arith.select %parallel_loop3A_113, %broadcast_in_dim3A_6, %broadcast_in_dim3A_8 : vector<16xi1>, vector<16xi32>
        %parallel_loop3A_120 = arith.select %parallel_loop3A_114, %broadcast_in_dim3A_6, %broadcast_in_dim3A_8 : vector<16xi1>, vector<16xi32>
        %parallel_loop3A_121 = arith.select %parallel_loop3A_115, %broadcast_in_dim3A_6, %broadcast_in_dim3A_8 : vector<16xi1>, vector<16xi32>
        %parallel_loop3A_122 = arith.select %parallel_loop3A_116, %broadcast_in_dim3A_6, %broadcast_in_dim3A_8 : vector<16xi1>, vector<16xi32>
        %parallel_loop3A_123 = arith.addi %parallel_loop3A_117, %parallel_loop3A_118 : vector<16xi32>
        %parallel_loop3A_124 = arith.addi %parallel_loop3A_123, %parallel_loop3A_119 : vector<16xi32>
        %parallel_loop3A_125 = arith.constant 2 : i32
        %parallel_loop3A_126 = vector.broadcast %parallel_loop3A_125 : i32 to vector<16xi32>
        %parallel_loop3A_127 = arith.cmpi sge, %parallel_loop3A_124, %parallel_loop3A_126 : vector<16xi32>
        %parallel_loop3A_128 = arith.addi %parallel_loop3A_120, %parallel_loop3A_121 : vector<16xi32>
        %parallel_loop3A_129 = arith.subi %parallel_loop3A_128, %parallel_loop3A_117 : vector<16xi32>
        %parallel_loop3A_130 = arith.constant 1 : i32
        %parallel_loop3A_131 = vector.broadcast %parallel_loop3A_130 : i32 to vector<16xi32>
        %parallel_loop3A_132 = arith.cmpi sge, %parallel_loop3A_129, %parallel_loop3A_131 : vector<16xi32>
        %parallel_loop3A_133 = arith.addi %parallel_loop3A_118, %parallel_loop3A_120 : vector<16xi32>
        %parallel_loop3A_134 = arith.cmpi sge, %parallel_loop3A_122, %parallel_loop3A_133 : vector<16xi32>
        %parallel_loop3A_135 = arith.xori %parallel_loop3A_127, %parallel_loop3A_132 : vector<16xi1>
        %parallel_loop3A_136 = arith.xori %parallel_loop3A_135, %parallel_loop3A_134 : vector<16xi1>
        %parallel_loop3A_137 = arith.constant 0.000000e+00 : f32
        %parallel_loop3A_138 = vector.broadcast %parallel_loop3A_137 : f32 to vector<16xf32>
        %parallel_loop3A_139 = arith.select %parallel_loop3A_127, %parallel_loop3A_88, %parallel_loop3A_138 : vector<16xi1>, vector<16xf32>
        %parallel_loop3A_140 = tpu.memref_slice %arg7[%parallel_loop3A_74] : memref<20736xf32, #tpu.memory_space<vmem>> -> memref<64xf32, #tpu.memory_space<vmem>>
        tpu.vector_store_idx %parallel_loop3A_140[%parallel_loop3A_77], %parallel_loop3A_139 : memref<64xf32, #tpu.memory_space<vmem>>[vector<16xi32>], vector<16xf32>,
        %parallel_loop3A_141 = arith.select %parallel_loop3A_132, %parallel_loop3A_90, %parallel_loop3A_138 : vector<16xi1>, vector<16xf32>
        %parallel_loop3A_142 = tpu.memref_slice %arg7[%parallel_loop3A_74] : memref<20736xf32, #tpu.memory_space<vmem>> -> memref<64xf32, #tpu.memory_space<vmem>>
        tpu.vector_store_idx %parallel_loop3A_142[%parallel_loop3A_80], %parallel_loop3A_141 : memref<64xf32, #tpu.memory_space<vmem>>[vector<16xi32>], vector<16xf32>,
        %parallel_loop3A_143 = arith.select %parallel_loop3A_134, %parallel_loop3A_92, %parallel_loop3A_138 : vector<16xi1>, vector<16xf32>
        %parallel_loop3A_144 = tpu.memref_slice %arg7[%parallel_loop3A_74] : memref<20736xf32, #tpu.memory_space<vmem>> -> memref<64xf32, #tpu.memory_space<vmem>>
        tpu.vector_store_idx %parallel_loop3A_144[%parallel_loop3A_83], %parallel_loop3A_143 : memref<64xf32, #tpu.memory_space<vmem>>[vector<16xi32>], vector<16xf32>,
        %parallel_loop3A_145 = arith.select %parallel_loop3A_136, %parallel_loop3A_94, %parallel_loop3A_138 : vector<16xi1>, vector<16xf32>
        %parallel_loop3A_146 = tpu.memref_slice %arg7[%parallel_loop3A_74] : memref<20736xf32, #tpu.memory_space<vmem>> -> memref<64xf32, #tpu.memory_space<vmem>>
        tpu.vector_store_idx %parallel_loop3A_146[%parallel_loop3A_86], %parallel_loop3A_145 : memref<64xf32, #tpu.memory_space<vmem>>[vector<16xi32>], vector<16xf32>,
        %parallel_loop3A_147 = arith.constant 576 : i32
        %parallel_loop3A_148 = arith.muli %parallel_loop3A_66, %parallel_loop3A_147 : i32
        %parallel_loop3A_149 = arith.constant 64 : i32
        %parallel_loop3A_150 = arith.addi %parallel_loop3A_148, %parallel_loop3A_149 : i32
        %parallel_loop3A_151 = arith.constant 576 : i32
        %parallel_loop3A_152 = arith.muli %parallel_loop3A_66, %parallel_loop3A_151 : i32
        %parallel_loop3A_153 = arith.constant 64 : i32
        %parallel_loop3A_154 = arith.addi %parallel_loop3A_152, %parallel_loop3A_153 : i32
        %parallel_loop3A_155 = arith.constant 0 : i32
        %parallel_loop3A_156 = vector.broadcast %parallel_loop3A_155 : i32 to vector<16xi32>
        %parallel_loop3A_157 = arith.addi %mul3A_5, %parallel_loop3A_156 : vector<16xi32>
        %parallel_loop3A_158 = arith.constant 1 : i32
        %parallel_loop3A_159 = vector.broadcast %parallel_loop3A_158 : i32 to vector<16xi32>
        %parallel_loop3A_160 = arith.addi %mul3A_5, %parallel_loop3A_159 : vector<16xi32>
        %parallel_loop3A_161 = arith.constant 2 : i32
        %parallel_loop3A_162 = vector.broadcast %parallel_loop3A_161 : i32 to vector<16xi32>
        %parallel_loop3A_163 = arith.addi %mul3A_5, %parallel_loop3A_162 : vector<16xi32>
        %parallel_loop3A_164 = arith.constant 3 : i32
        %parallel_loop3A_165 = vector.broadcast %parallel_loop3A_164 : i32 to vector<16xi32>
        %parallel_loop3A_166 = arith.addi %mul3A_5, %parallel_loop3A_165 : vector<16xi32>
        %parallel_loop3A_167 = tpu.memref_slice %arg5[%parallel_loop3A_150] : memref<20736xf32, #tpu.memory_space<vmem>> -> memref<64xf32, #tpu.memory_space<vmem>>
        %parallel_loop3A_168 = tpu.vector_load_idx %parallel_loop3A_167[%parallel_loop3A_157] : memref<64xf32, #tpu.memory_space<vmem>>[vector<16xi32>], vector<16xf32>,
        %parallel_loop3A_169 = tpu.memref_slice %arg5[%parallel_loop3A_150] : memref<20736xf32, #tpu.memory_space<vmem>> -> memref<64xf32, #tpu.memory_space<vmem>>
        %parallel_loop3A_170 = tpu.vector_load_idx %parallel_loop3A_169[%parallel_loop3A_160] : memref<64xf32, #tpu.memory_space<vmem>>[vector<16xi32>], vector<16xf32>,
        %parallel_loop3A_171 = tpu.memref_slice %arg5[%parallel_loop3A_150] : memref<20736xf32, #tpu.memory_space<vmem>> -> memref<64xf32, #tpu.memory_space<vmem>>
        %parallel_loop3A_172 = tpu.vector_load_idx %parallel_loop3A_171[%parallel_loop3A_163] : memref<64xf32, #tpu.memory_space<vmem>>[vector<16xi32>], vector<16xf32>,
        %parallel_loop3A_173 = tpu.memref_slice %arg5[%parallel_loop3A_150] : memref<20736xf32, #tpu.memory_space<vmem>> -> memref<64xf32, #tpu.memory_space<vmem>>
        %parallel_loop3A_174 = tpu.vector_load_idx %parallel_loop3A_173[%parallel_loop3A_166] : memref<64xf32, #tpu.memory_space<vmem>>[vector<16xi32>], vector<16xf32>,
        %parallel_loop3A_175 = math.absf %parallel_loop3A_168 : vector<16xf32>
        %parallel_loop3A_176 = arith.constant 1.000000e-07 : f32
        %parallel_loop3A_177 = vector.broadcast %parallel_loop3A_176 : f32 to vector<16xf32>
        %parallel_loop3A_178 = arith.addf %parallel_loop3A_175, %parallel_loop3A_177 : vector<16xf32>
        %parallel_loop3A_179 = math.absf %parallel_loop3A_170 : vector<16xf32>
        %parallel_loop3A_180 = arith.constant 1.000000e-07 : f32
        %parallel_loop3A_181 = vector.broadcast %parallel_loop3A_180 : f32 to vector<16xf32>
        %parallel_loop3A_182 = arith.addf %parallel_loop3A_179, %parallel_loop3A_181 : vector<16xf32>
        %parallel_loop3A_183 = math.absf %parallel_loop3A_172 : vector<16xf32>
        %parallel_loop3A_184 = arith.constant 1.000000e-07 : f32
        %parallel_loop3A_185 = vector.broadcast %parallel_loop3A_184 : f32 to vector<16xf32>
        %parallel_loop3A_186 = arith.addf %parallel_loop3A_183, %parallel_loop3A_185 : vector<16xf32>
        %parallel_loop3A_187 = math.absf %parallel_loop3A_174 : vector<16xf32>
        %parallel_loop3A_188 = arith.constant 1.000000e-07 : f32
        %parallel_loop3A_189 = vector.broadcast %parallel_loop3A_188 : f32 to vector<16xf32>
        %parallel_loop3A_190 = arith.addf %parallel_loop3A_187, %parallel_loop3A_189 : vector<16xf32>
        %parallel_loop3A_191 = arith.cmpf oge, %parallel_loop3A_178, %parallel_loop3A_182 : vector<16xf32>
        %parallel_loop3A_192 = arith.cmpf oge, %parallel_loop3A_178, %parallel_loop3A_186 : vector<16xf32>
        %parallel_loop3A_193 = arith.cmpf oge, %parallel_loop3A_178, %parallel_loop3A_190 : vector<16xf32>
        %parallel_loop3A_194 = arith.cmpf oge, %parallel_loop3A_182, %parallel_loop3A_186 : vector<16xf32>
        %parallel_loop3A_195 = arith.cmpf oge, %parallel_loop3A_182, %parallel_loop3A_190 : vector<16xf32>
        %parallel_loop3A_196 = arith.cmpf oge, %parallel_loop3A_186, %parallel_loop3A_190 : vector<16xf32>
        %parallel_loop3A_197 = arith.select %parallel_loop3A_191, %broadcast_in_dim3A_6, %broadcast_in_dim3A_8 : vector<16xi1>, vector<16xi32>
        %parallel_loop3A_198 = arith.select %parallel_loop3A_192, %broadcast_in_dim3A_6, %broadcast_in_dim3A_8 : vector<16xi1>, vector<16xi32>
        %parallel_loop3A_199 = arith.select %parallel_loop3A_193, %broadcast_in_dim3A_6, %broadcast_in_dim3A_8 : vector<16xi1>, vector<16xi32>
        %parallel_loop3A_200 = arith.select %parallel_loop3A_194, %broadcast_in_dim3A_6, %broadcast_in_dim3A_8 : vector<16xi1>, vector<16xi32>
        %parallel_loop3A_201 = arith.select %parallel_loop3A_195, %broadcast_in_dim3A_6, %broadcast_in_dim3A_8 : vector<16xi1>, vector<16xi32>
        %parallel_loop3A_202 = arith.select %parallel_loop3A_196, %broadcast_in_dim3A_6, %broadcast_in_dim3A_8 : vector<16xi1>, vector<16xi32>
        %parallel_loop3A_203 = arith.addi %parallel_loop3A_197, %parallel_loop3A_198 : vector<16xi32>
        %parallel_loop3A_204 = arith.addi %parallel_loop3A_203, %parallel_loop3A_199 : vector<16xi32>
        %parallel_loop3A_205 = arith.constant 2 : i32
        %parallel_loop3A_206 = vector.broadcast %parallel_loop3A_205 : i32 to vector<16xi32>
        %parallel_loop3A_207 = arith.cmpi sge, %parallel_loop3A_204, %parallel_loop3A_206 : vector<16xi32>
        %parallel_loop3A_208 = arith.addi %parallel_loop3A_200, %parallel_loop3A_201 : vector<16xi32>
        %parallel_loop3A_209 = arith.subi %parallel_loop3A_208, %parallel_loop3A_197 : vector<16xi32>
        %parallel_loop3A_210 = arith.constant 1 : i32
        %parallel_loop3A_211 = vector.broadcast %parallel_loop3A_210 : i32 to vector<16xi32>
        %parallel_loop3A_212 = arith.cmpi sge, %parallel_loop3A_209, %parallel_loop3A_211 : vector<16xi32>
        %parallel_loop3A_213 = arith.addi %parallel_loop3A_198, %parallel_loop3A_200 : vector<16xi32>
        %parallel_loop3A_214 = arith.cmpi sge, %parallel_loop3A_202, %parallel_loop3A_213 : vector<16xi32>
        %parallel_loop3A_215 = arith.xori %parallel_loop3A_207, %parallel_loop3A_212 : vector<16xi1>
        %parallel_loop3A_216 = arith.xori %parallel_loop3A_215, %parallel_loop3A_214 : vector<16xi1>
        %parallel_loop3A_217 = arith.constant 0.000000e+00 : f32
        %parallel_loop3A_218 = vector.broadcast %parallel_loop3A_217 : f32 to vector<16xf32>
        %parallel_loop3A_219 = arith.select %parallel_loop3A_207, %parallel_loop3A_168, %parallel_loop3A_218 : vector<16xi1>, vector<16xf32>
        %parallel_loop3A_220 = tpu.memref_slice %arg7[%parallel_loop3A_154] : memref<20736xf32, #tpu.memory_space<vmem>> -> memref<64xf32, #tpu.memory_space<vmem>>
        tpu.vector_store_idx %parallel_loop3A_220[%parallel_loop3A_157], %parallel_loop3A_219 : memref<64xf32, #tpu.memory_space<vmem>>[vector<16xi32>], vector<16xf32>,
        %parallel_loop3A_221 = arith.select %parallel_loop3A_212, %parallel_loop3A_170, %parallel_loop3A_218 : vector<16xi1>, vector<16xf32>
        %parallel_loop3A_222 = tpu.memref_slice %arg7[%parallel_loop3A_154] : memref<20736xf32, #tpu.memory_space<vmem>> -> memref<64xf32, #tpu.memory_space<vmem>>
        tpu.vector_store_idx %parallel_loop3A_222[%parallel_loop3A_160], %parallel_loop3A_221 : memref<64xf32, #tpu.memory_space<vmem>>[vector<16xi32>], vector<16xf32>,
        %parallel_loop3A_223 = arith.select %parallel_loop3A_214, %parallel_loop3A_172, %parallel_loop3A_218 : vector<16xi1>, vector<16xf32>
        %parallel_loop3A_224 = tpu.memref_slice %arg7[%parallel_loop3A_154] : memref<20736xf32, #tpu.memory_space<vmem>> -> memref<64xf32, #tpu.memory_space<vmem>>
        tpu.vector_store_idx %parallel_loop3A_224[%parallel_loop3A_163], %parallel_loop3A_223 : memref<64xf32, #tpu.memory_space<vmem>>[vector<16xi32>], vector<16xf32>,
        %parallel_loop3A_225 = arith.select %parallel_loop3A_216, %parallel_loop3A_174, %parallel_loop3A_218 : vector<16xi1>, vector<16xf32>
        %parallel_loop3A_226 = tpu.memref_slice %arg7[%parallel_loop3A_154] : memref<20736xf32, #tpu.memory_space<vmem>> -> memref<64xf32, #tpu.memory_space<vmem>>
        tpu.vector_store_idx %parallel_loop3A_226[%parallel_loop3A_166], %parallel_loop3A_225 : memref<64xf32, #tpu.memory_space<vmem>>[vector<16xi32>], vector<16xf32>,
        %parallel_loop3A_227 = arith.constant 576 : i32
        %parallel_loop3A_228 = arith.muli %parallel_loop3A_66, %parallel_loop3A_227 : i32
        %parallel_loop3A_229 = arith.constant 128 : i32
        %parallel_loop3A_230 = arith.addi %parallel_loop3A_228, %parallel_loop3A_229 : i32
        %parallel_loop3A_231 = arith.constant 576 : i32
        %parallel_loop3A_232 = arith.muli %parallel_loop3A_66, %parallel_loop3A_231 : i32
        %parallel_loop3A_233 = arith.constant 128 : i32
        %parallel_loop3A_234 = arith.addi %parallel_loop3A_232, %parallel_loop3A_233 : i32
        %parallel_loop3A_235 = arith.constant 0 : i32
        %parallel_loop3A_236 = vector.broadcast %parallel_loop3A_235 : i32 to vector<16xi32>
        %parallel_loop3A_237 = arith.addi %mul3A_5, %parallel_loop3A_236 : vector<16xi32>
        %parallel_loop3A_238 = arith.constant 1 : i32
        %parallel_loop3A_239 = vector.broadcast %parallel_loop3A_238 : i32 to vector<16xi32>
        %parallel_loop3A_240 = arith.addi %mul3A_5, %parallel_loop3A_239 : vector<16xi32>
        %parallel_loop3A_241 = arith.constant 2 : i32
        %parallel_loop3A_242 = vector.broadcast %parallel_loop3A_241 : i32 to vector<16xi32>
        %parallel_loop3A_243 = arith.addi %mul3A_5, %parallel_loop3A_242 : vector<16xi32>
        %parallel_loop3A_244 = arith.constant 3 : i32
        %parallel_loop3A_245 = vector.broadcast %parallel_loop3A_244 : i32 to vector<16xi32>
        %parallel_loop3A_246 = arith.addi %mul3A_5, %parallel_loop3A_245 : vector<16xi32>
        %parallel_loop3A_247 = tpu.memref_slice %arg5[%parallel_loop3A_230] : memref<20736xf32, #tpu.memory_space<vmem>> -> memref<64xf32, #tpu.memory_space<vmem>>
        %parallel_loop3A_248 = tpu.vector_load_idx %parallel_loop3A_247[%parallel_loop3A_237] : memref<64xf32, #tpu.memory_space<vmem>>[vector<16xi32>], vector<16xf32>,
        %parallel_loop3A_249 = tpu.memref_slice %arg5[%parallel_loop3A_230] : memref<20736xf32, #tpu.memory_space<vmem>> -> memref<64xf32, #tpu.memory_space<vmem>>
        %parallel_loop3A_250 = tpu.vector_load_idx %parallel_loop3A_249[%parallel_loop3A_240] : memref<64xf32, #tpu.memory_space<vmem>>[vector<16xi32>], vector<16xf32>,
        %parallel_loop3A_251 = tpu.memref_slice %arg5[%parallel_loop3A_230] : memref<20736xf32, #tpu.memory_space<vmem>> -> memref<64xf32, #tpu.memory_space<vmem>>
        %parallel_loop3A_252 = tpu.vector_load_idx %parallel_loop3A_251[%parallel_loop3A_243] : memref<64xf32, #tpu.memory_space<vmem>>[vector<16xi32>], vector<16xf32>,
        %parallel_loop3A_253 = tpu.memref_slice %arg5[%parallel_loop3A_230] : memref<20736xf32, #tpu.memory_space<vmem>> -> memref<64xf32, #tpu.memory_space<vmem>>
        %parallel_loop3A_254 = tpu.vector_load_idx %parallel_loop3A_253[%parallel_loop3A_246] : memref<64xf32, #tpu.memory_space<vmem>>[vector<16xi32>], vector<16xf32>,
        %parallel_loop3A_255 = math.absf %parallel_loop3A_248 : vector<16xf32>
        %parallel_loop3A_256 = arith.constant 1.000000e-07 : f32
        %parallel_loop3A_257 = vector.broadcast %parallel_loop3A_256 : f32 to vector<16xf32>
        %parallel_loop3A_258 = arith.addf %parallel_loop3A_255, %parallel_loop3A_257 : vector<16xf32>
        %parallel_loop3A_259 = math.absf %parallel_loop3A_250 : vector<16xf32>
        %parallel_loop3A_260 = arith.constant 1.000000e-07 : f32
        %parallel_loop3A_261 = vector.broadcast %parallel_loop3A_260 : f32 to vector<16xf32>
        %parallel_loop3A_262 = arith.addf %parallel_loop3A_259, %parallel_loop3A_261 : vector<16xf32>
        %parallel_loop3A_263 = math.absf %parallel_loop3A_252 : vector<16xf32>
        %parallel_loop3A_264 = arith.constant 1.000000e-07 : f32
        %parallel_loop3A_265 = vector.broadcast %parallel_loop3A_264 : f32 to vector<16xf32>
        %parallel_loop3A_266 = arith.addf %parallel_loop3A_263, %parallel_loop3A_265 : vector<16xf32>
        %parallel_loop3A_267 = math.absf %parallel_loop3A_254 : vector<16xf32>
        %parallel_loop3A_268 = arith.constant 1.000000e-07 : f32
        %parallel_loop3A_269 = vector.broadcast %parallel_loop3A_268 : f32 to vector<16xf32>
        %parallel_loop3A_270 = arith.addf %parallel_loop3A_267, %parallel_loop3A_269 : vector<16xf32>
        %parallel_loop3A_271 = arith.cmpf oge, %parallel_loop3A_258, %parallel_loop3A_262 : vector<16xf32>
        %parallel_loop3A_272 = arith.cmpf oge, %parallel_loop3A_258, %parallel_loop3A_266 : vector<16xf32>
        %parallel_loop3A_273 = arith.cmpf oge, %parallel_loop3A_258, %parallel_loop3A_270 : vector<16xf32>
        %parallel_loop3A_274 = arith.cmpf oge, %parallel_loop3A_262, %parallel_loop3A_266 : vector<16xf32>
        %parallel_loop3A_275 = arith.cmpf oge, %parallel_loop3A_262, %parallel_loop3A_270 : vector<16xf32>
        %parallel_loop3A_276 = arith.cmpf oge, %parallel_loop3A_266, %parallel_loop3A_270 : vector<16xf32>
        %parallel_loop3A_277 = arith.select %parallel_loop3A_271, %broadcast_in_dim3A_6, %broadcast_in_dim3A_8 : vector<16xi1>, vector<16xi32>
        %parallel_loop3A_278 = arith.select %parallel_loop3A_272, %broadcast_in_dim3A_6, %broadcast_in_dim3A_8 : vector<16xi1>, vector<16xi32>
        %parallel_loop3A_279 = arith.select %parallel_loop3A_273, %broadcast_in_dim3A_6, %broadcast_in_dim3A_8 : vector<16xi1>, vector<16xi32>
        %parallel_loop3A_280 = arith.select %parallel_loop3A_274, %broadcast_in_dim3A_6, %broadcast_in_dim3A_8 : vector<16xi1>, vector<16xi32>
        %parallel_loop3A_281 = arith.select %parallel_loop3A_275, %broadcast_in_dim3A_6, %broadcast_in_dim3A_8 : vector<16xi1>, vector<16xi32>
        %parallel_loop3A_282 = arith.select %parallel_loop3A_276, %broadcast_in_dim3A_6, %broadcast_in_dim3A_8 : vector<16xi1>, vector<16xi32>
        %parallel_loop3A_283 = arith.addi %parallel_loop3A_277, %parallel_loop3A_278 : vector<16xi32>
        %parallel_loop3A_284 = arith.addi %parallel_loop3A_283, %parallel_loop3A_279 : vector<16xi32>
        %parallel_loop3A_285 = arith.constant 2 : i32
        %parallel_loop3A_286 = vector.broadcast %parallel_loop3A_285 : i32 to vector<16xi32>
        %parallel_loop3A_287 = arith.cmpi sge, %parallel_loop3A_284, %parallel_loop3A_286 : vector<16xi32>
        %parallel_loop3A_288 = arith.addi %parallel_loop3A_280, %parallel_loop3A_281 : vector<16xi32>
        %parallel_loop3A_289 = arith.subi %parallel_loop3A_288, %parallel_loop3A_277 : vector<16xi32>
        %parallel_loop3A_290 = arith.constant 1 : i32
        %parallel_loop3A_291 = vector.broadcast %parallel_loop3A_290 : i32 to vector<16xi32>
        %parallel_loop3A_292 = arith.cmpi sge, %parallel_loop3A_289, %parallel_loop3A_291 : vector<16xi32>
        %parallel_loop3A_293 = arith.addi %parallel_loop3A_278, %parallel_loop3A_280 : vector<16xi32>
        %parallel_loop3A_294 = arith.cmpi sge, %parallel_loop3A_282, %parallel_loop3A_293 : vector<16xi32>
        %parallel_loop3A_295 = arith.xori %parallel_loop3A_287, %parallel_loop3A_292 : vector<16xi1>
        %parallel_loop3A_296 = arith.xori %parallel_loop3A_295, %parallel_loop3A_294 : vector<16xi1>
        %parallel_loop3A_297 = arith.constant 0.000000e+00 : f32
        %parallel_loop3A_298 = vector.broadcast %parallel_loop3A_297 : f32 to vector<16xf32>
        %parallel_loop3A_299 = arith.select %parallel_loop3A_287, %parallel_loop3A_248, %parallel_loop3A_298 : vector<16xi1>, vector<16xf32>
        %parallel_loop3A_300 = tpu.memref_slice %arg7[%parallel_loop3A_234] : memref<20736xf32, #tpu.memory_space<vmem>> -> memref<64xf32, #tpu.memory_space<vmem>>
        tpu.vector_store_idx %parallel_loop3A_300[%parallel_loop3A_237], %parallel_loop3A_299 : memref<64xf32, #tpu.memory_space<vmem>>[vector<16xi32>], vector<16xf32>,
        %parallel_loop3A_301 = arith.select %parallel_loop3A_292, %parallel_loop3A_250, %parallel_loop3A_298 : vector<16xi1>, vector<16xf32>
        %parallel_loop3A_302 = tpu.memref_slice %arg7[%parallel_loop3A_234] : memref<20736xf32, #tpu.memory_space<vmem>> -> memref<64xf32, #tpu.memory_space<vmem>>
        tpu.vector_store_idx %parallel_loop3A_302[%parallel_loop3A_240], %parallel_loop3A_301 : memref<64xf32, #tpu.memory_space<vmem>>[vector<16xi32>], vector<16xf32>,
        %parallel_loop3A_303 = arith.select %parallel_loop3A_294, %parallel_loop3A_252, %parallel_loop3A_298 : vector<16xi1>, vector<16xf32>
        %parallel_loop3A_304 = tpu.memref_slice %arg7[%parallel_loop3A_234] : memref<20736xf32, #tpu.memory_space<vmem>> -> memref<64xf32, #tpu.memory_space<vmem>>
        tpu.vector_store_idx %parallel_loop3A_304[%parallel_loop3A_243], %parallel_loop3A_303 : memref<64xf32, #tpu.memory_space<vmem>>[vector<16xi32>], vector<16xf32>,
        %parallel_loop3A_305 = arith.select %parallel_loop3A_296, %parallel_loop3A_254, %parallel_loop3A_298 : vector<16xi1>, vector<16xf32>
        %parallel_loop3A_306 = tpu.memref_slice %arg7[%parallel_loop3A_234] : memref<20736xf32, #tpu.memory_space<vmem>> -> memref<64xf32, #tpu.memory_space<vmem>>
        tpu.vector_store_idx %parallel_loop3A_306[%parallel_loop3A_246], %parallel_loop3A_305 : memref<64xf32, #tpu.memory_space<vmem>>[vector<16xi32>], vector<16xf32>,
        %parallel_loop3A_307 = arith.constant 576 : i32
        %parallel_loop3A_308 = arith.muli %parallel_loop3A_66, %parallel_loop3A_307 : i32
        %parallel_loop3A_309 = arith.constant 192 : i32
        %parallel_loop3A_310 = arith.addi %parallel_loop3A_308, %parallel_loop3A_309 : i32
        %parallel_loop3A_311 = arith.constant 576 : i32
        %parallel_loop3A_312 = arith.muli %parallel_loop3A_66, %parallel_loop3A_311 : i32
        %parallel_loop3A_313 = arith.constant 192 : i32
        %parallel_loop3A_314 = arith.addi %parallel_loop3A_312, %parallel_loop3A_313 : i32
        %parallel_loop3A_315 = arith.constant 0 : i32
        %parallel_loop3A_316 = vector.broadcast %parallel_loop3A_315 : i32 to vector<16xi32>
        %parallel_loop3A_317 = arith.addi %mul3A_5, %parallel_loop3A_316 : vector<16xi32>
        %parallel_loop3A_318 = arith.constant 1 : i32
        %parallel_loop3A_319 = vector.broadcast %parallel_loop3A_318 : i32 to vector<16xi32>
        %parallel_loop3A_320 = arith.addi %mul3A_5, %parallel_loop3A_319 : vector<16xi32>
        %parallel_loop3A_321 = arith.constant 2 : i32
        %parallel_loop3A_322 = vector.broadcast %parallel_loop3A_321 : i32 to vector<16xi32>
        %parallel_loop3A_323 = arith.addi %mul3A_5, %parallel_loop3A_322 : vector<16xi32>
        %parallel_loop3A_324 = arith.constant 3 : i32
        %parallel_loop3A_325 = vector.broadcast %parallel_loop3A_324 : i32 to vector<16xi32>
        %parallel_loop3A_326 = arith.addi %mul3A_5, %parallel_loop3A_325 : vector<16xi32>
        %parallel_loop3A_327 = tpu.memref_slice %arg5[%parallel_loop3A_310] : memref<20736xf32, #tpu.memory_space<vmem>> -> memref<64xf32, #tpu.memory_space<vmem>>
        %parallel_loop3A_328 = tpu.vector_load_idx %parallel_loop3A_327[%parallel_loop3A_317] : memref<64xf32, #tpu.memory_space<vmem>>[vector<16xi32>], vector<16xf32>,
        %parallel_loop3A_329 = tpu.memref_slice %arg5[%parallel_loop3A_310] : memref<20736xf32, #tpu.memory_space<vmem>> -> memref<64xf32, #tpu.memory_space<vmem>>
        %parallel_loop3A_330 = tpu.vector_load_idx %parallel_loop3A_329[%parallel_loop3A_320] : memref<64xf32, #tpu.memory_space<vmem>>[vector<16xi32>], vector<16xf32>,
        %parallel_loop3A_331 = tpu.memref_slice %arg5[%parallel_loop3A_310] : memref<20736xf32, #tpu.memory_space<vmem>> -> memref<64xf32, #tpu.memory_space<vmem>>
        %parallel_loop3A_332 = tpu.vector_load_idx %parallel_loop3A_331[%parallel_loop3A_323] : memref<64xf32, #tpu.memory_space<vmem>>[vector<16xi32>], vector<16xf32>,
        %parallel_loop3A_333 = tpu.memref_slice %arg5[%parallel_loop3A_310] : memref<20736xf32, #tpu.memory_space<vmem>> -> memref<64xf32, #tpu.memory_space<vmem>>
        %parallel_loop3A_334 = tpu.vector_load_idx %parallel_loop3A_333[%parallel_loop3A_326] : memref<64xf32, #tpu.memory_space<vmem>>[vector<16xi32>], vector<16xf32>,
        %parallel_loop3A_335 = math.absf %parallel_loop3A_328 : vector<16xf32>
        %parallel_loop3A_336 = arith.constant 1.000000e-07 : f32
        %parallel_loop3A_337 = vector.broadcast %parallel_loop3A_336 : f32 to vector<16xf32>
        %parallel_loop3A_338 = arith.addf %parallel_loop3A_335, %parallel_loop3A_337 : vector<16xf32>
        %parallel_loop3A_339 = math.absf %parallel_loop3A_330 : vector<16xf32>
        %parallel_loop3A_340 = arith.constant 1.000000e-07 : f32
        %parallel_loop3A_341 = vector.broadcast %parallel_loop3A_340 : f32 to vector<16xf32>
        %parallel_loop3A_342 = arith.addf %parallel_loop3A_339, %parallel_loop3A_341 : vector<16xf32>
        %parallel_loop3A_343 = math.absf %parallel_loop3A_332 : vector<16xf32>
        %parallel_loop3A_344 = arith.constant 1.000000e-07 : f32
        %parallel_loop3A_345 = vector.broadcast %parallel_loop3A_344 : f32 to vector<16xf32>
        %parallel_loop3A_346 = arith.addf %parallel_loop3A_343, %parallel_loop3A_345 : vector<16xf32>
        %parallel_loop3A_347 = math.absf %parallel_loop3A_334 : vector<16xf32>
        %parallel_loop3A_348 = arith.constant 1.000000e-07 : f32
        %parallel_loop3A_349 = vector.broadcast %parallel_loop3A_348 : f32 to vector<16xf32>
        %parallel_loop3A_350 = arith.addf %parallel_loop3A_347, %parallel_loop3A_349 : vector<16xf32>
        %parallel_loop3A_351 = arith.cmpf oge, %parallel_loop3A_338, %parallel_loop3A_342 : vector<16xf32>
        %parallel_loop3A_352 = arith.cmpf oge, %parallel_loop3A_338, %parallel_loop3A_346 : vector<16xf32>
        %parallel_loop3A_353 = arith.cmpf oge, %parallel_loop3A_338, %parallel_loop3A_350 : vector<16xf32>
        %parallel_loop3A_354 = arith.cmpf oge, %parallel_loop3A_342, %parallel_loop3A_346 : vector<16xf32>
        %parallel_loop3A_355 = arith.cmpf oge, %parallel_loop3A_342, %parallel_loop3A_350 : vector<16xf32>
        %parallel_loop3A_356 = arith.cmpf oge, %parallel_loop3A_346, %parallel_loop3A_350 : vector<16xf32>
        %parallel_loop3A_357 = arith.select %parallel_loop3A_351, %broadcast_in_dim3A_6, %broadcast_in_dim3A_8 : vector<16xi1>, vector<16xi32>
        %parallel_loop3A_358 = arith.select %parallel_loop3A_352, %broadcast_in_dim3A_6, %broadcast_in_dim3A_8 : vector<16xi1>, vector<16xi32>
        %parallel_loop3A_359 = arith.select %parallel_loop3A_353, %broadcast_in_dim3A_6, %broadcast_in_dim3A_8 : vector<16xi1>, vector<16xi32>
        %parallel_loop3A_360 = arith.select %parallel_loop3A_354, %broadcast_in_dim3A_6, %broadcast_in_dim3A_8 : vector<16xi1>, vector<16xi32>
        %parallel_loop3A_361 = arith.select %parallel_loop3A_355, %broadcast_in_dim3A_6, %broadcast_in_dim3A_8 : vector<16xi1>, vector<16xi32>
        %parallel_loop3A_362 = arith.select %parallel_loop3A_356, %broadcast_in_dim3A_6, %broadcast_in_dim3A_8 : vector<16xi1>, vector<16xi32>
        %parallel_loop3A_363 = arith.addi %parallel_loop3A_357, %parallel_loop3A_358 : vector<16xi32>
        %parallel_loop3A_364 = arith.addi %parallel_loop3A_363, %parallel_loop3A_359 : vector<16xi32>
        %parallel_loop3A_365 = arith.constant 2 : i32
        %parallel_loop3A_366 = vector.broadcast %parallel_loop3A_365 : i32 to vector<16xi32>
        %parallel_loop3A_367 = arith.cmpi sge, %parallel_loop3A_364, %parallel_loop3A_366 : vector<16xi32>
        %parallel_loop3A_368 = arith.addi %parallel_loop3A_360, %parallel_loop3A_361 : vector<16xi32>
        %parallel_loop3A_369 = arith.subi %parallel_loop3A_368, %parallel_loop3A_357 : vector<16xi32>
        %parallel_loop3A_370 = arith.constant 1 : i32
        %parallel_loop3A_371 = vector.broadcast %parallel_loop3A_370 : i32 to vector<16xi32>
        %parallel_loop3A_372 = arith.cmpi sge, %parallel_loop3A_369, %parallel_loop3A_371 : vector<16xi32>
        %parallel_loop3A_373 = arith.addi %parallel_loop3A_358, %parallel_loop3A_360 : vector<16xi32>
        %parallel_loop3A_374 = arith.cmpi sge, %parallel_loop3A_362, %parallel_loop3A_373 : vector<16xi32>
        %parallel_loop3A_375 = arith.xori %parallel_loop3A_367, %parallel_loop3A_372 : vector<16xi1>
        %parallel_loop3A_376 = arith.xori %parallel_loop3A_375, %parallel_loop3A_374 : vector<16xi1>
        %parallel_loop3A_377 = arith.constant 0.000000e+00 : f32
        %parallel_loop3A_378 = vector.broadcast %parallel_loop3A_377 : f32 to vector<16xf32>
        %parallel_loop3A_379 = arith.select %parallel_loop3A_367, %parallel_loop3A_328, %parallel_loop3A_378 : vector<16xi1>, vector<16xf32>
        %parallel_loop3A_380 = tpu.memref_slice %arg7[%parallel_loop3A_314] : memref<20736xf32, #tpu.memory_space<vmem>> -> memref<64xf32, #tpu.memory_space<vmem>>
        tpu.vector_store_idx %parallel_loop3A_380[%parallel_loop3A_317], %parallel_loop3A_379 : memref<64xf32, #tpu.memory_space<vmem>>[vector<16xi32>], vector<16xf32>,
        %parallel_loop3A_381 = arith.select %parallel_loop3A_372, %parallel_loop3A_330, %parallel_loop3A_378 : vector<16xi1>, vector<16xf32>
        %parallel_loop3A_382 = tpu.memref_slice %arg7[%parallel_loop3A_314] : memref<20736xf32, #tpu.memory_space<vmem>> -> memref<64xf32, #tpu.memory_space<vmem>>
        tpu.vector_store_idx %parallel_loop3A_382[%parallel_loop3A_320], %parallel_loop3A_381 : memref<64xf32, #tpu.memory_space<vmem>>[vector<16xi32>], vector<16xf32>,
        %parallel_loop3A_383 = arith.select %parallel_loop3A_374, %parallel_loop3A_332, %parallel_loop3A_378 : vector<16xi1>, vector<16xf32>
        %parallel_loop3A_384 = tpu.memref_slice %arg7[%parallel_loop3A_314] : memref<20736xf32, #tpu.memory_space<vmem>> -> memref<64xf32, #tpu.memory_space<vmem>>
        tpu.vector_store_idx %parallel_loop3A_384[%parallel_loop3A_323], %parallel_loop3A_383 : memref<64xf32, #tpu.memory_space<vmem>>[vector<16xi32>], vector<16xf32>,
        %parallel_loop3A_385 = arith.select %parallel_loop3A_376, %parallel_loop3A_334, %parallel_loop3A_378 : vector<16xi1>, vector<16xf32>
        %parallel_loop3A_386 = tpu.memref_slice %arg7[%parallel_loop3A_314] : memref<20736xf32, #tpu.memory_space<vmem>> -> memref<64xf32, #tpu.memory_space<vmem>>
        tpu.vector_store_idx %parallel_loop3A_386[%parallel_loop3A_326], %parallel_loop3A_385 : memref<64xf32, #tpu.memory_space<vmem>>[vector<16xi32>], vector<16xf32>,
        %parallel_loop3A_387 = arith.constant 576 : i32
        %parallel_loop3A_388 = arith.muli %parallel_loop3A_66, %parallel_loop3A_387 : i32
        %parallel_loop3A_389 = arith.constant 256 : i32
        %parallel_loop3A_390 = arith.addi %parallel_loop3A_388, %parallel_loop3A_389 : i32
        %parallel_loop3A_391 = arith.constant 576 : i32
        %parallel_loop3A_392 = arith.muli %parallel_loop3A_66, %parallel_loop3A_391 : i32
        %parallel_loop3A_393 = arith.constant 256 : i32
        %parallel_loop3A_394 = arith.addi %parallel_loop3A_392, %parallel_loop3A_393 : i32
        %parallel_loop3A_395 = arith.constant 0 : i32
        %parallel_loop3A_396 = vector.broadcast %parallel_loop3A_395 : i32 to vector<16xi32>
        %parallel_loop3A_397 = arith.addi %mul3A_5, %parallel_loop3A_396 : vector<16xi32>
        %parallel_loop3A_398 = arith.constant 1 : i32
        %parallel_loop3A_399 = vector.broadcast %parallel_loop3A_398 : i32 to vector<16xi32>
        %parallel_loop3A_400 = arith.addi %mul3A_5, %parallel_loop3A_399 : vector<16xi32>
        %parallel_loop3A_401 = arith.constant 2 : i32
        %parallel_loop3A_402 = vector.broadcast %parallel_loop3A_401 : i32 to vector<16xi32>
        %parallel_loop3A_403 = arith.addi %mul3A_5, %parallel_loop3A_402 : vector<16xi32>
        %parallel_loop3A_404 = arith.constant 3 : i32
        %parallel_loop3A_405 = vector.broadcast %parallel_loop3A_404 : i32 to vector<16xi32>
        %parallel_loop3A_406 = arith.addi %mul3A_5, %parallel_loop3A_405 : vector<16xi32>
        %parallel_loop3A_407 = tpu.memref_slice %arg5[%parallel_loop3A_390] : memref<20736xf32, #tpu.memory_space<vmem>> -> memref<64xf32, #tpu.memory_space<vmem>>
        %parallel_loop3A_408 = tpu.vector_load_idx %parallel_loop3A_407[%parallel_loop3A_397] : memref<64xf32, #tpu.memory_space<vmem>>[vector<16xi32>], vector<16xf32>,
        %parallel_loop3A_409 = tpu.memref_slice %arg5[%parallel_loop3A_390] : memref<20736xf32, #tpu.memory_space<vmem>> -> memref<64xf32, #tpu.memory_space<vmem>>
        %parallel_loop3A_410 = tpu.vector_load_idx %parallel_loop3A_409[%parallel_loop3A_400] : memref<64xf32, #tpu.memory_space<vmem>>[vector<16xi32>], vector<16xf32>,
        %parallel_loop3A_411 = tpu.memref_slice %arg5[%parallel_loop3A_390] : memref<20736xf32, #tpu.memory_space<vmem>> -> memref<64xf32, #tpu.memory_space<vmem>>
        %parallel_loop3A_412 = tpu.vector_load_idx %parallel_loop3A_411[%parallel_loop3A_403] : memref<64xf32, #tpu.memory_space<vmem>>[vector<16xi32>], vector<16xf32>,
        %parallel_loop3A_413 = tpu.memref_slice %arg5[%parallel_loop3A_390] : memref<20736xf32, #tpu.memory_space<vmem>> -> memref<64xf32, #tpu.memory_space<vmem>>
        %parallel_loop3A_414 = tpu.vector_load_idx %parallel_loop3A_413[%parallel_loop3A_406] : memref<64xf32, #tpu.memory_space<vmem>>[vector<16xi32>], vector<16xf32>,
        %parallel_loop3A_415 = math.absf %parallel_loop3A_408 : vector<16xf32>
        %parallel_loop3A_416 = arith.constant 1.000000e-07 : f32
        %parallel_loop3A_417 = vector.broadcast %parallel_loop3A_416 : f32 to vector<16xf32>
        %parallel_loop3A_418 = arith.addf %parallel_loop3A_415, %parallel_loop3A_417 : vector<16xf32>
        %parallel_loop3A_419 = math.absf %parallel_loop3A_410 : vector<16xf32>
        %parallel_loop3A_420 = arith.constant 1.000000e-07 : f32
        %parallel_loop3A_421 = vector.broadcast %parallel_loop3A_420 : f32 to vector<16xf32>
        %parallel_loop3A_422 = arith.addf %parallel_loop3A_419, %parallel_loop3A_421 : vector<16xf32>
        %parallel_loop3A_423 = math.absf %parallel_loop3A_412 : vector<16xf32>
        %parallel_loop3A_424 = arith.constant 1.000000e-07 : f32
        %parallel_loop3A_425 = vector.broadcast %parallel_loop3A_424 : f32 to vector<16xf32>
        %parallel_loop3A_426 = arith.addf %parallel_loop3A_423, %parallel_loop3A_425 : vector<16xf32>
        %parallel_loop3A_427 = math.absf %parallel_loop3A_414 : vector<16xf32>
        %parallel_loop3A_428 = arith.constant 1.000000e-07 : f32
        %parallel_loop3A_429 = vector.broadcast %parallel_loop3A_428 : f32 to vector<16xf32>
        %parallel_loop3A_430 = arith.addf %parallel_loop3A_427, %parallel_loop3A_429 : vector<16xf32>
        %parallel_loop3A_431 = arith.cmpf oge, %parallel_loop3A_418, %parallel_loop3A_422 : vector<16xf32>
        %parallel_loop3A_432 = arith.cmpf oge, %parallel_loop3A_418, %parallel_loop3A_426 : vector<16xf32>
        %parallel_loop3A_433 = arith.cmpf oge, %parallel_loop3A_418, %parallel_loop3A_430 : vector<16xf32>
        %parallel_loop3A_434 = arith.cmpf oge, %parallel_loop3A_422, %parallel_loop3A_426 : vector<16xf32>
        %parallel_loop3A_435 = arith.cmpf oge, %parallel_loop3A_422, %parallel_loop3A_430 : vector<16xf32>
        %parallel_loop3A_436 = arith.cmpf oge, %parallel_loop3A_426, %parallel_loop3A_430 : vector<16xf32>
        %parallel_loop3A_437 = arith.select %parallel_loop3A_431, %broadcast_in_dim3A_6, %broadcast_in_dim3A_8 : vector<16xi1>, vector<16xi32>
        %parallel_loop3A_438 = arith.select %parallel_loop3A_432, %broadcast_in_dim3A_6, %broadcast_in_dim3A_8 : vector<16xi1>, vector<16xi32>
        %parallel_loop3A_439 = arith.select %parallel_loop3A_433, %broadcast_in_dim3A_6, %broadcast_in_dim3A_8 : vector<16xi1>, vector<16xi32>
        %parallel_loop3A_440 = arith.select %parallel_loop3A_434, %broadcast_in_dim3A_6, %broadcast_in_dim3A_8 : vector<16xi1>, vector<16xi32>
        %parallel_loop3A_441 = arith.select %parallel_loop3A_435, %broadcast_in_dim3A_6, %broadcast_in_dim3A_8 : vector<16xi1>, vector<16xi32>
        %parallel_loop3A_442 = arith.select %parallel_loop3A_436, %broadcast_in_dim3A_6, %broadcast_in_dim3A_8 : vector<16xi1>, vector<16xi32>
        %parallel_loop3A_443 = arith.addi %parallel_loop3A_437, %parallel_loop3A_438 : vector<16xi32>
        %parallel_loop3A_444 = arith.addi %parallel_loop3A_443, %parallel_loop3A_439 : vector<16xi32>
        %parallel_loop3A_445 = arith.constant 2 : i32
        %parallel_loop3A_446 = vector.broadcast %parallel_loop3A_445 : i32 to vector<16xi32>
        %parallel_loop3A_447 = arith.cmpi sge, %parallel_loop3A_444, %parallel_loop3A_446 : vector<16xi32>
        %parallel_loop3A_448 = arith.addi %parallel_loop3A_440, %parallel_loop3A_441 : vector<16xi32>
        %parallel_loop3A_449 = arith.subi %parallel_loop3A_448, %parallel_loop3A_437 : vector<16xi32>
        %parallel_loop3A_450 = arith.constant 1 : i32
        %parallel_loop3A_451 = vector.broadcast %parallel_loop3A_450 : i32 to vector<16xi32>
        %parallel_loop3A_452 = arith.cmpi sge, %parallel_loop3A_449, %parallel_loop3A_451 : vector<16xi32>
        %parallel_loop3A_453 = arith.addi %parallel_loop3A_438, %parallel_loop3A_440 : vector<16xi32>
        %parallel_loop3A_454 = arith.cmpi sge, %parallel_loop3A_442, %parallel_loop3A_453 : vector<16xi32>
        %parallel_loop3A_455 = arith.xori %parallel_loop3A_447, %parallel_loop3A_452 : vector<16xi1>
        %parallel_loop3A_456 = arith.xori %parallel_loop3A_455, %parallel_loop3A_454 : vector<16xi1>
        %parallel_loop3A_457 = arith.constant 0.000000e+00 : f32
        %parallel_loop3A_458 = vector.broadcast %parallel_loop3A_457 : f32 to vector<16xf32>
        %parallel_loop3A_459 = arith.select %parallel_loop3A_447, %parallel_loop3A_408, %parallel_loop3A_458 : vector<16xi1>, vector<16xf32>
        %parallel_loop3A_460 = tpu.memref_slice %arg7[%parallel_loop3A_394] : memref<20736xf32, #tpu.memory_space<vmem>> -> memref<64xf32, #tpu.memory_space<vmem>>
        tpu.vector_store_idx %parallel_loop3A_460[%parallel_loop3A_397], %parallel_loop3A_459 : memref<64xf32, #tpu.memory_space<vmem>>[vector<16xi32>], vector<16xf32>,
        %parallel_loop3A_461 = arith.select %parallel_loop3A_452, %parallel_loop3A_410, %parallel_loop3A_458 : vector<16xi1>, vector<16xf32>
        %parallel_loop3A_462 = tpu.memref_slice %arg7[%parallel_loop3A_394] : memref<20736xf32, #tpu.memory_space<vmem>> -> memref<64xf32, #tpu.memory_space<vmem>>
        tpu.vector_store_idx %parallel_loop3A_462[%parallel_loop3A_400], %parallel_loop3A_461 : memref<64xf32, #tpu.memory_space<vmem>>[vector<16xi32>], vector<16xf32>,
        %parallel_loop3A_463 = arith.select %parallel_loop3A_454, %parallel_loop3A_412, %parallel_loop3A_458 : vector<16xi1>, vector<16xf32>
        %parallel_loop3A_464 = tpu.memref_slice %arg7[%parallel_loop3A_394] : memref<20736xf32, #tpu.memory_space<vmem>> -> memref<64xf32, #tpu.memory_space<vmem>>
        tpu.vector_store_idx %parallel_loop3A_464[%parallel_loop3A_403], %parallel_loop3A_463 : memref<64xf32, #tpu.memory_space<vmem>>[vector<16xi32>], vector<16xf32>,
        %parallel_loop3A_465 = arith.select %parallel_loop3A_456, %parallel_loop3A_414, %parallel_loop3A_458 : vector<16xi1>, vector<16xf32>
        %parallel_loop3A_466 = tpu.memref_slice %arg7[%parallel_loop3A_394] : memref<20736xf32, #tpu.memory_space<vmem>> -> memref<64xf32, #tpu.memory_space<vmem>>
        tpu.vector_store_idx %parallel_loop3A_466[%parallel_loop3A_406], %parallel_loop3A_465 : memref<64xf32, #tpu.memory_space<vmem>>[vector<16xi32>], vector<16xf32>,
        %parallel_loop3A_467 = arith.constant 576 : i32
        %parallel_loop3A_468 = arith.muli %parallel_loop3A_66, %parallel_loop3A_467 : i32
        %parallel_loop3A_469 = arith.constant 320 : i32
        %parallel_loop3A_470 = arith.addi %parallel_loop3A_468, %parallel_loop3A_469 : i32
        %parallel_loop3A_471 = arith.constant 576 : i32
        %parallel_loop3A_472 = arith.muli %parallel_loop3A_66, %parallel_loop3A_471 : i32
        %parallel_loop3A_473 = arith.constant 320 : i32
        %parallel_loop3A_474 = arith.addi %parallel_loop3A_472, %parallel_loop3A_473 : i32
        %parallel_loop3A_475 = arith.constant 0 : i32
        %parallel_loop3A_476 = vector.broadcast %parallel_loop3A_475 : i32 to vector<16xi32>
        %parallel_loop3A_477 = arith.addi %mul3A_5, %parallel_loop3A_476 : vector<16xi32>
        %parallel_loop3A_478 = arith.constant 1 : i32
        %parallel_loop3A_479 = vector.broadcast %parallel_loop3A_478 : i32 to vector<16xi32>
        %parallel_loop3A_480 = arith.addi %mul3A_5, %parallel_loop3A_479 : vector<16xi32>
        %parallel_loop3A_481 = arith.constant 2 : i32
        %parallel_loop3A_482 = vector.broadcast %parallel_loop3A_481 : i32 to vector<16xi32>
        %parallel_loop3A_483 = arith.addi %mul3A_5, %parallel_loop3A_482 : vector<16xi32>
        %parallel_loop3A_484 = arith.constant 3 : i32
        %parallel_loop3A_485 = vector.broadcast %parallel_loop3A_484 : i32 to vector<16xi32>
        %parallel_loop3A_486 = arith.addi %mul3A_5, %parallel_loop3A_485 : vector<16xi32>
        %parallel_loop3A_487 = tpu.memref_slice %arg5[%parallel_loop3A_470] : memref<20736xf32, #tpu.memory_space<vmem>> -> memref<64xf32, #tpu.memory_space<vmem>>
        %parallel_loop3A_488 = tpu.vector_load_idx %parallel_loop3A_487[%parallel_loop3A_477] : memref<64xf32, #tpu.memory_space<vmem>>[vector<16xi32>], vector<16xf32>,
        %parallel_loop3A_489 = tpu.memref_slice %arg5[%parallel_loop3A_470] : memref<20736xf32, #tpu.memory_space<vmem>> -> memref<64xf32, #tpu.memory_space<vmem>>
        %parallel_loop3A_490 = tpu.vector_load_idx %parallel_loop3A_489[%parallel_loop3A_480] : memref<64xf32, #tpu.memory_space<vmem>>[vector<16xi32>], vector<16xf32>,
        %parallel_loop3A_491 = tpu.memref_slice %arg5[%parallel_loop3A_470] : memref<20736xf32, #tpu.memory_space<vmem>> -> memref<64xf32, #tpu.memory_space<vmem>>
        %parallel_loop3A_492 = tpu.vector_load_idx %parallel_loop3A_491[%parallel_loop3A_483] : memref<64xf32, #tpu.memory_space<vmem>>[vector<16xi32>], vector<16xf32>,
        %parallel_loop3A_493 = tpu.memref_slice %arg5[%parallel_loop3A_470] : memref<20736xf32, #tpu.memory_space<vmem>> -> memref<64xf32, #tpu.memory_space<vmem>>
        %parallel_loop3A_494 = tpu.vector_load_idx %parallel_loop3A_493[%parallel_loop3A_486] : memref<64xf32, #tpu.memory_space<vmem>>[vector<16xi32>], vector<16xf32>,
        %parallel_loop3A_495 = math.absf %parallel_loop3A_488 : vector<16xf32>
        %parallel_loop3A_496 = arith.constant 1.000000e-07 : f32
        %parallel_loop3A_497 = vector.broadcast %parallel_loop3A_496 : f32 to vector<16xf32>
        %parallel_loop3A_498 = arith.addf %parallel_loop3A_495, %parallel_loop3A_497 : vector<16xf32>
        %parallel_loop3A_499 = math.absf %parallel_loop3A_490 : vector<16xf32>
        %parallel_loop3A_500 = arith.constant 1.000000e-07 : f32
        %parallel_loop3A_501 = vector.broadcast %parallel_loop3A_500 : f32 to vector<16xf32>
        %parallel_loop3A_502 = arith.addf %parallel_loop3A_499, %parallel_loop3A_501 : vector<16xf32>
        %parallel_loop3A_503 = math.absf %parallel_loop3A_492 : vector<16xf32>
        %parallel_loop3A_504 = arith.constant 1.000000e-07 : f32
        %parallel_loop3A_505 = vector.broadcast %parallel_loop3A_504 : f32 to vector<16xf32>
        %parallel_loop3A_506 = arith.addf %parallel_loop3A_503, %parallel_loop3A_505 : vector<16xf32>
        %parallel_loop3A_507 = math.absf %parallel_loop3A_494 : vector<16xf32>
        %parallel_loop3A_508 = arith.constant 1.000000e-07 : f32
        %parallel_loop3A_509 = vector.broadcast %parallel_loop3A_508 : f32 to vector<16xf32>
        %parallel_loop3A_510 = arith.addf %parallel_loop3A_507, %parallel_loop3A_509 : vector<16xf32>
        %parallel_loop3A_511 = arith.cmpf oge, %parallel_loop3A_498, %parallel_loop3A_502 : vector<16xf32>
        %parallel_loop3A_512 = arith.cmpf oge, %parallel_loop3A_498, %parallel_loop3A_506 : vector<16xf32>
        %parallel_loop3A_513 = arith.cmpf oge, %parallel_loop3A_498, %parallel_loop3A_510 : vector<16xf32>
        %parallel_loop3A_514 = arith.cmpf oge, %parallel_loop3A_502, %parallel_loop3A_506 : vector<16xf32>
        %parallel_loop3A_515 = arith.cmpf oge, %parallel_loop3A_502, %parallel_loop3A_510 : vector<16xf32>
        %parallel_loop3A_516 = arith.cmpf oge, %parallel_loop3A_506, %parallel_loop3A_510 : vector<16xf32>
        %parallel_loop3A_517 = arith.select %parallel_loop3A_511, %broadcast_in_dim3A_6, %broadcast_in_dim3A_8 : vector<16xi1>, vector<16xi32>
        %parallel_loop3A_518 = arith.select %parallel_loop3A_512, %broadcast_in_dim3A_6, %broadcast_in_dim3A_8 : vector<16xi1>, vector<16xi32>
        %parallel_loop3A_519 = arith.select %parallel_loop3A_513, %broadcast_in_dim3A_6, %broadcast_in_dim3A_8 : vector<16xi1>, vector<16xi32>
        %parallel_loop3A_520 = arith.select %parallel_loop3A_514, %broadcast_in_dim3A_6, %broadcast_in_dim3A_8 : vector<16xi1>, vector<16xi32>
        %parallel_loop3A_521 = arith.select %parallel_loop3A_515, %broadcast_in_dim3A_6, %broadcast_in_dim3A_8 : vector<16xi1>, vector<16xi32>
        %parallel_loop3A_522 = arith.select %parallel_loop3A_516, %broadcast_in_dim3A_6, %broadcast_in_dim3A_8 : vector<16xi1>, vector<16xi32>
        %parallel_loop3A_523 = arith.addi %parallel_loop3A_517, %parallel_loop3A_518 : vector<16xi32>
        %parallel_loop3A_524 = arith.addi %parallel_loop3A_523, %parallel_loop3A_519 : vector<16xi32>
        %parallel_loop3A_525 = arith.constant 2 : i32
        %parallel_loop3A_526 = vector.broadcast %parallel_loop3A_525 : i32 to vector<16xi32>
        %parallel_loop3A_527 = arith.cmpi sge, %parallel_loop3A_524, %parallel_loop3A_526 : vector<16xi32>
        %parallel_loop3A_528 = arith.addi %parallel_loop3A_520, %parallel_loop3A_521 : vector<16xi32>
        %parallel_loop3A_529 = arith.subi %parallel_loop3A_528, %parallel_loop3A_517 : vector<16xi32>
        %parallel_loop3A_530 = arith.constant 1 : i32
        %parallel_loop3A_531 = vector.broadcast %parallel_loop3A_530 : i32 to vector<16xi32>
        %parallel_loop3A_532 = arith.cmpi sge, %parallel_loop3A_529, %parallel_loop3A_531 : vector<16xi32>
        %parallel_loop3A_533 = arith.addi %parallel_loop3A_518, %parallel_loop3A_520 : vector<16xi32>
        %parallel_loop3A_534 = arith.cmpi sge, %parallel_loop3A_522, %parallel_loop3A_533 : vector<16xi32>
        %parallel_loop3A_535 = arith.xori %parallel_loop3A_527, %parallel_loop3A_532 : vector<16xi1>
        %parallel_loop3A_536 = arith.xori %parallel_loop3A_535, %parallel_loop3A_534 : vector<16xi1>
        %parallel_loop3A_537 = arith.constant 0.000000e+00 : f32
        %parallel_loop3A_538 = vector.broadcast %parallel_loop3A_537 : f32 to vector<16xf32>
        %parallel_loop3A_539 = arith.select %parallel_loop3A_527, %parallel_loop3A_488, %parallel_loop3A_538 : vector<16xi1>, vector<16xf32>
        %parallel_loop3A_540 = tpu.memref_slice %arg7[%parallel_loop3A_474] : memref<20736xf32, #tpu.memory_space<vmem>> -> memref<64xf32, #tpu.memory_space<vmem>>
        tpu.vector_store_idx %parallel_loop3A_540[%parallel_loop3A_477], %parallel_loop3A_539 : memref<64xf32, #tpu.memory_space<vmem>>[vector<16xi32>], vector<16xf32>,
        %parallel_loop3A_541 = arith.select %parallel_loop3A_532, %parallel_loop3A_490, %parallel_loop3A_538 : vector<16xi1>, vector<16xf32>
        %parallel_loop3A_542 = tpu.memref_slice %arg7[%parallel_loop3A_474] : memref<20736xf32, #tpu.memory_space<vmem>> -> memref<64xf32, #tpu.memory_space<vmem>>
        tpu.vector_store_idx %parallel_loop3A_542[%parallel_loop3A_480], %parallel_loop3A_541 : memref<64xf32, #tpu.memory_space<vmem>>[vector<16xi32>], vector<16xf32>,
        %parallel_loop3A_543 = arith.select %parallel_loop3A_534, %parallel_loop3A_492, %parallel_loop3A_538 : vector<16xi1>, vector<16xf32>
        %parallel_loop3A_544 = tpu.memref_slice %arg7[%parallel_loop3A_474] : memref<20736xf32, #tpu.memory_space<vmem>> -> memref<64xf32, #tpu.memory_space<vmem>>
        tpu.vector_store_idx %parallel_loop3A_544[%parallel_loop3A_483], %parallel_loop3A_543 : memref<64xf32, #tpu.memory_space<vmem>>[vector<16xi32>], vector<16xf32>,
        %parallel_loop3A_545 = arith.select %parallel_loop3A_536, %parallel_loop3A_494, %parallel_loop3A_538 : vector<16xi1>, vector<16xf32>
        %parallel_loop3A_546 = tpu.memref_slice %arg7[%parallel_loop3A_474] : memref<20736xf32, #tpu.memory_space<vmem>> -> memref<64xf32, #tpu.memory_space<vmem>>
        tpu.vector_store_idx %parallel_loop3A_546[%parallel_loop3A_486], %parallel_loop3A_545 : memref<64xf32, #tpu.memory_space<vmem>>[vector<16xi32>], vector<16xf32>,
        %parallel_loop3A_547 = arith.constant 576 : i32
        %parallel_loop3A_548 = arith.muli %parallel_loop3A_66, %parallel_loop3A_547 : i32
        %parallel_loop3A_549 = arith.constant 384 : i32
        %parallel_loop3A_550 = arith.addi %parallel_loop3A_548, %parallel_loop3A_549 : i32
        %parallel_loop3A_551 = arith.constant 576 : i32
        %parallel_loop3A_552 = arith.muli %parallel_loop3A_66, %parallel_loop3A_551 : i32
        %parallel_loop3A_553 = arith.constant 384 : i32
        %parallel_loop3A_554 = arith.addi %parallel_loop3A_552, %parallel_loop3A_553 : i32
        %parallel_loop3A_555 = arith.constant 0 : i32
        %parallel_loop3A_556 = vector.broadcast %parallel_loop3A_555 : i32 to vector<16xi32>
        %parallel_loop3A_557 = arith.addi %mul3A_5, %parallel_loop3A_556 : vector<16xi32>
        %parallel_loop3A_558 = arith.constant 1 : i32
        %parallel_loop3A_559 = vector.broadcast %parallel_loop3A_558 : i32 to vector<16xi32>
        %parallel_loop3A_560 = arith.addi %mul3A_5, %parallel_loop3A_559 : vector<16xi32>
        %parallel_loop3A_561 = arith.constant 2 : i32
        %parallel_loop3A_562 = vector.broadcast %parallel_loop3A_561 : i32 to vector<16xi32>
        %parallel_loop3A_563 = arith.addi %mul3A_5, %parallel_loop3A_562 : vector<16xi32>
        %parallel_loop3A_564 = arith.constant 3 : i32
        %parallel_loop3A_565 = vector.broadcast %parallel_loop3A_564 : i32 to vector<16xi32>
        %parallel_loop3A_566 = arith.addi %mul3A_5, %parallel_loop3A_565 : vector<16xi32>
        %parallel_loop3A_567 = tpu.memref_slice %arg5[%parallel_loop3A_550] : memref<20736xf32, #tpu.memory_space<vmem>> -> memref<64xf32, #tpu.memory_space<vmem>>
        %parallel_loop3A_568 = tpu.vector_load_idx %parallel_loop3A_567[%parallel_loop3A_557] : memref<64xf32, #tpu.memory_space<vmem>>[vector<16xi32>], vector<16xf32>,
        %parallel_loop3A_569 = tpu.memref_slice %arg5[%parallel_loop3A_550] : memref<20736xf32, #tpu.memory_space<vmem>> -> memref<64xf32, #tpu.memory_space<vmem>>
        %parallel_loop3A_570 = tpu.vector_load_idx %parallel_loop3A_569[%parallel_loop3A_560] : memref<64xf32, #tpu.memory_space<vmem>>[vector<16xi32>], vector<16xf32>,
        %parallel_loop3A_571 = tpu.memref_slice %arg5[%parallel_loop3A_550] : memref<20736xf32, #tpu.memory_space<vmem>> -> memref<64xf32, #tpu.memory_space<vmem>>
        %parallel_loop3A_572 = tpu.vector_load_idx %parallel_loop3A_571[%parallel_loop3A_563] : memref<64xf32, #tpu.memory_space<vmem>>[vector<16xi32>], vector<16xf32>,
        %parallel_loop3A_573 = tpu.memref_slice %arg5[%parallel_loop3A_550] : memref<20736xf32, #tpu.memory_space<vmem>> -> memref<64xf32, #tpu.memory_space<vmem>>
        %parallel_loop3A_574 = tpu.vector_load_idx %parallel_loop3A_573[%parallel_loop3A_566] : memref<64xf32, #tpu.memory_space<vmem>>[vector<16xi32>], vector<16xf32>,
        %parallel_loop3A_575 = math.absf %parallel_loop3A_568 : vector<16xf32>
        %parallel_loop3A_576 = arith.constant 1.000000e-07 : f32
        %parallel_loop3A_577 = vector.broadcast %parallel_loop3A_576 : f32 to vector<16xf32>
        %parallel_loop3A_578 = arith.addf %parallel_loop3A_575, %parallel_loop3A_577 : vector<16xf32>
        %parallel_loop3A_579 = math.absf %parallel_loop3A_570 : vector<16xf32>
        %parallel_loop3A_580 = arith.constant 1.000000e-07 : f32
        %parallel_loop3A_581 = vector.broadcast %parallel_loop3A_580 : f32 to vector<16xf32>
        %parallel_loop3A_582 = arith.addf %parallel_loop3A_579, %parallel_loop3A_581 : vector<16xf32>
        %parallel_loop3A_583 = math.absf %parallel_loop3A_572 : vector<16xf32>
        %parallel_loop3A_584 = arith.constant 1.000000e-07 : f32
        %parallel_loop3A_585 = vector.broadcast %parallel_loop3A_584 : f32 to vector<16xf32>
        %parallel_loop3A_586 = arith.addf %parallel_loop3A_583, %parallel_loop3A_585 : vector<16xf32>
        %parallel_loop3A_587 = math.absf %parallel_loop3A_574 : vector<16xf32>
        %parallel_loop3A_588 = arith.constant 1.000000e-07 : f32
        %parallel_loop3A_589 = vector.broadcast %parallel_loop3A_588 : f32 to vector<16xf32>
        %parallel_loop3A_590 = arith.addf %parallel_loop3A_587, %parallel_loop3A_589 : vector<16xf32>
        %parallel_loop3A_591 = arith.cmpf oge, %parallel_loop3A_578, %parallel_loop3A_582 : vector<16xf32>
        %parallel_loop3A_592 = arith.cmpf oge, %parallel_loop3A_578, %parallel_loop3A_586 : vector<16xf32>
        %parallel_loop3A_593 = arith.cmpf oge, %parallel_loop3A_578, %parallel_loop3A_590 : vector<16xf32>
        %parallel_loop3A_594 = arith.cmpf oge, %parallel_loop3A_582, %parallel_loop3A_586 : vector<16xf32>
        %parallel_loop3A_595 = arith.cmpf oge, %parallel_loop3A_582, %parallel_loop3A_590 : vector<16xf32>
        %parallel_loop3A_596 = arith.cmpf oge, %parallel_loop3A_586, %parallel_loop3A_590 : vector<16xf32>
        %parallel_loop3A_597 = arith.select %parallel_loop3A_591, %broadcast_in_dim3A_6, %broadcast_in_dim3A_8 : vector<16xi1>, vector<16xi32>
        %parallel_loop3A_598 = arith.select %parallel_loop3A_592, %broadcast_in_dim3A_6, %broadcast_in_dim3A_8 : vector<16xi1>, vector<16xi32>
        %parallel_loop3A_599 = arith.select %parallel_loop3A_593, %broadcast_in_dim3A_6, %broadcast_in_dim3A_8 : vector<16xi1>, vector<16xi32>
        %parallel_loop3A_600 = arith.select %parallel_loop3A_594, %broadcast_in_dim3A_6, %broadcast_in_dim3A_8 : vector<16xi1>, vector<16xi32>
        %parallel_loop3A_601 = arith.select %parallel_loop3A_595, %broadcast_in_dim3A_6, %broadcast_in_dim3A_8 : vector<16xi1>, vector<16xi32>
        %parallel_loop3A_602 = arith.select %parallel_loop3A_596, %broadcast_in_dim3A_6, %broadcast_in_dim3A_8 : vector<16xi1>, vector<16xi32>
        %parallel_loop3A_603 = arith.addi %parallel_loop3A_597, %parallel_loop3A_598 : vector<16xi32>
        %parallel_loop3A_604 = arith.addi %parallel_loop3A_603, %parallel_loop3A_599 : vector<16xi32>
        %parallel_loop3A_605 = arith.constant 2 : i32
        %parallel_loop3A_606 = vector.broadcast %parallel_loop3A_605 : i32 to vector<16xi32>
        %parallel_loop3A_607 = arith.cmpi sge, %parallel_loop3A_604, %parallel_loop3A_606 : vector<16xi32>
        %parallel_loop3A_608 = arith.addi %parallel_loop3A_600, %parallel_loop3A_601 : vector<16xi32>
        %parallel_loop3A_609 = arith.subi %parallel_loop3A_608, %parallel_loop3A_597 : vector<16xi32>
        %parallel_loop3A_610 = arith.constant 1 : i32
        %parallel_loop3A_611 = vector.broadcast %parallel_loop3A_610 : i32 to vector<16xi32>
        %parallel_loop3A_612 = arith.cmpi sge, %parallel_loop3A_609, %parallel_loop3A_611 : vector<16xi32>
        %parallel_loop3A_613 = arith.addi %parallel_loop3A_598, %parallel_loop3A_600 : vector<16xi32>
        %parallel_loop3A_614 = arith.cmpi sge, %parallel_loop3A_602, %parallel_loop3A_613 : vector<16xi32>
        %parallel_loop3A_615 = arith.xori %parallel_loop3A_607, %parallel_loop3A_612 : vector<16xi1>
        %parallel_loop3A_616 = arith.xori %parallel_loop3A_615, %parallel_loop3A_614 : vector<16xi1>
        %parallel_loop3A_617 = arith.constant 0.000000e+00 : f32
        %parallel_loop3A_618 = vector.broadcast %parallel_loop3A_617 : f32 to vector<16xf32>
        %parallel_loop3A_619 = arith.select %parallel_loop3A_607, %parallel_loop3A_568, %parallel_loop3A_618 : vector<16xi1>, vector<16xf32>
        %parallel_loop3A_620 = tpu.memref_slice %arg7[%parallel_loop3A_554] : memref<20736xf32, #tpu.memory_space<vmem>> -> memref<64xf32, #tpu.memory_space<vmem>>
        tpu.vector_store_idx %parallel_loop3A_620[%parallel_loop3A_557], %parallel_loop3A_619 : memref<64xf32, #tpu.memory_space<vmem>>[vector<16xi32>], vector<16xf32>,
        %parallel_loop3A_621 = arith.select %parallel_loop3A_612, %parallel_loop3A_570, %parallel_loop3A_618 : vector<16xi1>, vector<16xf32>
        %parallel_loop3A_622 = tpu.memref_slice %arg7[%parallel_loop3A_554] : memref<20736xf32, #tpu.memory_space<vmem>> -> memref<64xf32, #tpu.memory_space<vmem>>
        tpu.vector_store_idx %parallel_loop3A_622[%parallel_loop3A_560], %parallel_loop3A_621 : memref<64xf32, #tpu.memory_space<vmem>>[vector<16xi32>], vector<16xf32>,
        %parallel_loop3A_623 = arith.select %parallel_loop3A_614, %parallel_loop3A_572, %parallel_loop3A_618 : vector<16xi1>, vector<16xf32>
        %parallel_loop3A_624 = tpu.memref_slice %arg7[%parallel_loop3A_554] : memref<20736xf32, #tpu.memory_space<vmem>> -> memref<64xf32, #tpu.memory_space<vmem>>
        tpu.vector_store_idx %parallel_loop3A_624[%parallel_loop3A_563], %parallel_loop3A_623 : memref<64xf32, #tpu.memory_space<vmem>>[vector<16xi32>], vector<16xf32>,
        %parallel_loop3A_625 = arith.select %parallel_loop3A_616, %parallel_loop3A_574, %parallel_loop3A_618 : vector<16xi1>, vector<16xf32>
        %parallel_loop3A_626 = tpu.memref_slice %arg7[%parallel_loop3A_554] : memref<20736xf32, #tpu.memory_space<vmem>> -> memref<64xf32, #tpu.memory_space<vmem>>
        tpu.vector_store_idx %parallel_loop3A_626[%parallel_loop3A_566], %parallel_loop3A_625 : memref<64xf32, #tpu.memory_space<vmem>>[vector<16xi32>], vector<16xf32>,
        %parallel_loop3A_627 = arith.constant 576 : i32
        %parallel_loop3A_628 = arith.muli %parallel_loop3A_66, %parallel_loop3A_627 : i32
        %parallel_loop3A_629 = arith.constant 448 : i32
        %parallel_loop3A_630 = arith.addi %parallel_loop3A_628, %parallel_loop3A_629 : i32
        %parallel_loop3A_631 = arith.constant 576 : i32
        %parallel_loop3A_632 = arith.muli %parallel_loop3A_66, %parallel_loop3A_631 : i32
        %parallel_loop3A_633 = arith.constant 448 : i32
        %parallel_loop3A_634 = arith.addi %parallel_loop3A_632, %parallel_loop3A_633 : i32
        %parallel_loop3A_635 = arith.constant 0 : i32
        %parallel_loop3A_636 = vector.broadcast %parallel_loop3A_635 : i32 to vector<16xi32>
        %parallel_loop3A_637 = arith.addi %mul3A_5, %parallel_loop3A_636 : vector<16xi32>
        %parallel_loop3A_638 = arith.constant 1 : i32
        %parallel_loop3A_639 = vector.broadcast %parallel_loop3A_638 : i32 to vector<16xi32>
        %parallel_loop3A_640 = arith.addi %mul3A_5, %parallel_loop3A_639 : vector<16xi32>
        %parallel_loop3A_641 = arith.constant 2 : i32
        %parallel_loop3A_642 = vector.broadcast %parallel_loop3A_641 : i32 to vector<16xi32>
        %parallel_loop3A_643 = arith.addi %mul3A_5, %parallel_loop3A_642 : vector<16xi32>
        %parallel_loop3A_644 = arith.constant 3 : i32
        %parallel_loop3A_645 = vector.broadcast %parallel_loop3A_644 : i32 to vector<16xi32>
        %parallel_loop3A_646 = arith.addi %mul3A_5, %parallel_loop3A_645 : vector<16xi32>
        %parallel_loop3A_647 = tpu.memref_slice %arg5[%parallel_loop3A_630] : memref<20736xf32, #tpu.memory_space<vmem>> -> memref<64xf32, #tpu.memory_space<vmem>>
        %parallel_loop3A_648 = tpu.vector_load_idx %parallel_loop3A_647[%parallel_loop3A_637] : memref<64xf32, #tpu.memory_space<vmem>>[vector<16xi32>], vector<16xf32>,
        %parallel_loop3A_649 = tpu.memref_slice %arg5[%parallel_loop3A_630] : memref<20736xf32, #tpu.memory_space<vmem>> -> memref<64xf32, #tpu.memory_space<vmem>>
        %parallel_loop3A_650 = tpu.vector_load_idx %parallel_loop3A_649[%parallel_loop3A_640] : memref<64xf32, #tpu.memory_space<vmem>>[vector<16xi32>], vector<16xf32>,
        %parallel_loop3A_651 = tpu.memref_slice %arg5[%parallel_loop3A_630] : memref<20736xf32, #tpu.memory_space<vmem>> -> memref<64xf32, #tpu.memory_space<vmem>>
        %parallel_loop3A_652 = tpu.vector_load_idx %parallel_loop3A_651[%parallel_loop3A_643] : memref<64xf32, #tpu.memory_space<vmem>>[vector<16xi32>], vector<16xf32>,
        %parallel_loop3A_653 = tpu.memref_slice %arg5[%parallel_loop3A_630] : memref<20736xf32, #tpu.memory_space<vmem>> -> memref<64xf32, #tpu.memory_space<vmem>>
        %parallel_loop3A_654 = tpu.vector_load_idx %parallel_loop3A_653[%parallel_loop3A_646] : memref<64xf32, #tpu.memory_space<vmem>>[vector<16xi32>], vector<16xf32>,
        %parallel_loop3A_655 = math.absf %parallel_loop3A_648 : vector<16xf32>
        %parallel_loop3A_656 = arith.constant 1.000000e-07 : f32
        %parallel_loop3A_657 = vector.broadcast %parallel_loop3A_656 : f32 to vector<16xf32>
        %parallel_loop3A_658 = arith.addf %parallel_loop3A_655, %parallel_loop3A_657 : vector<16xf32>
        %parallel_loop3A_659 = math.absf %parallel_loop3A_650 : vector<16xf32>
        %parallel_loop3A_660 = arith.constant 1.000000e-07 : f32
        %parallel_loop3A_661 = vector.broadcast %parallel_loop3A_660 : f32 to vector<16xf32>
        %parallel_loop3A_662 = arith.addf %parallel_loop3A_659, %parallel_loop3A_661 : vector<16xf32>
        %parallel_loop3A_663 = math.absf %parallel_loop3A_652 : vector<16xf32>
        %parallel_loop3A_664 = arith.constant 1.000000e-07 : f32
        %parallel_loop3A_665 = vector.broadcast %parallel_loop3A_664 : f32 to vector<16xf32>
        %parallel_loop3A_666 = arith.addf %parallel_loop3A_663, %parallel_loop3A_665 : vector<16xf32>
        %parallel_loop3A_667 = math.absf %parallel_loop3A_654 : vector<16xf32>
        %parallel_loop3A_668 = arith.constant 1.000000e-07 : f32
        %parallel_loop3A_669 = vector.broadcast %parallel_loop3A_668 : f32 to vector<16xf32>
        %parallel_loop3A_670 = arith.addf %parallel_loop3A_667, %parallel_loop3A_669 : vector<16xf32>
        %parallel_loop3A_671 = arith.cmpf oge, %parallel_loop3A_658, %parallel_loop3A_662 : vector<16xf32>
        %parallel_loop3A_672 = arith.cmpf oge, %parallel_loop3A_658, %parallel_loop3A_666 : vector<16xf32>
        %parallel_loop3A_673 = arith.cmpf oge, %parallel_loop3A_658, %parallel_loop3A_670 : vector<16xf32>
        %parallel_loop3A_674 = arith.cmpf oge, %parallel_loop3A_662, %parallel_loop3A_666 : vector<16xf32>
        %parallel_loop3A_675 = arith.cmpf oge, %parallel_loop3A_662, %parallel_loop3A_670 : vector<16xf32>
        %parallel_loop3A_676 = arith.cmpf oge, %parallel_loop3A_666, %parallel_loop3A_670 : vector<16xf32>
        %parallel_loop3A_677 = arith.select %parallel_loop3A_671, %broadcast_in_dim3A_6, %broadcast_in_dim3A_8 : vector<16xi1>, vector<16xi32>
        %parallel_loop3A_678 = arith.select %parallel_loop3A_672, %broadcast_in_dim3A_6, %broadcast_in_dim3A_8 : vector<16xi1>, vector<16xi32>
        %parallel_loop3A_679 = arith.select %parallel_loop3A_673, %broadcast_in_dim3A_6, %broadcast_in_dim3A_8 : vector<16xi1>, vector<16xi32>
        %parallel_loop3A_680 = arith.select %parallel_loop3A_674, %broadcast_in_dim3A_6, %broadcast_in_dim3A_8 : vector<16xi1>, vector<16xi32>
        %parallel_loop3A_681 = arith.select %parallel_loop3A_675, %broadcast_in_dim3A_6, %broadcast_in_dim3A_8 : vector<16xi1>, vector<16xi32>
        %parallel_loop3A_682 = arith.select %parallel_loop3A_676, %broadcast_in_dim3A_6, %broadcast_in_dim3A_8 : vector<16xi1>, vector<16xi32>
        %parallel_loop3A_683 = arith.addi %parallel_loop3A_677, %parallel_loop3A_678 : vector<16xi32>
        %parallel_loop3A_684 = arith.addi %parallel_loop3A_683, %parallel_loop3A_679 : vector<16xi32>
        %parallel_loop3A_685 = arith.constant 2 : i32
        %parallel_loop3A_686 = vector.broadcast %parallel_loop3A_685 : i32 to vector<16xi32>
        %parallel_loop3A_687 = arith.cmpi sge, %parallel_loop3A_684, %parallel_loop3A_686 : vector<16xi32>
        %parallel_loop3A_688 = arith.addi %parallel_loop3A_680, %parallel_loop3A_681 : vector<16xi32>
        %parallel_loop3A_689 = arith.subi %parallel_loop3A_688, %parallel_loop3A_677 : vector<16xi32>
        %parallel_loop3A_690 = arith.constant 1 : i32
        %parallel_loop3A_691 = vector.broadcast %parallel_loop3A_690 : i32 to vector<16xi32>
        %parallel_loop3A_692 = arith.cmpi sge, %parallel_loop3A_689, %parallel_loop3A_691 : vector<16xi32>
        %parallel_loop3A_693 = arith.addi %parallel_loop3A_678, %parallel_loop3A_680 : vector<16xi32>
        %parallel_loop3A_694 = arith.cmpi sge, %parallel_loop3A_682, %parallel_loop3A_693 : vector<16xi32>
        %parallel_loop3A_695 = arith.xori %parallel_loop3A_687, %parallel_loop3A_692 : vector<16xi1>
        %parallel_loop3A_696 = arith.xori %parallel_loop3A_695, %parallel_loop3A_694 : vector<16xi1>
        %parallel_loop3A_697 = arith.constant 0.000000e+00 : f32
        %parallel_loop3A_698 = vector.broadcast %parallel_loop3A_697 : f32 to vector<16xf32>
        %parallel_loop3A_699 = arith.select %parallel_loop3A_687, %parallel_loop3A_648, %parallel_loop3A_698 : vector<16xi1>, vector<16xf32>
        %parallel_loop3A_700 = tpu.memref_slice %arg7[%parallel_loop3A_634] : memref<20736xf32, #tpu.memory_space<vmem>> -> memref<64xf32, #tpu.memory_space<vmem>>
        tpu.vector_store_idx %parallel_loop3A_700[%parallel_loop3A_637], %parallel_loop3A_699 : memref<64xf32, #tpu.memory_space<vmem>>[vector<16xi32>], vector<16xf32>,
        %parallel_loop3A_701 = arith.select %parallel_loop3A_692, %parallel_loop3A_650, %parallel_loop3A_698 : vector<16xi1>, vector<16xf32>
        %parallel_loop3A_702 = tpu.memref_slice %arg7[%parallel_loop3A_634] : memref<20736xf32, #tpu.memory_space<vmem>> -> memref<64xf32, #tpu.memory_space<vmem>>
        tpu.vector_store_idx %parallel_loop3A_702[%parallel_loop3A_640], %parallel_loop3A_701 : memref<64xf32, #tpu.memory_space<vmem>>[vector<16xi32>], vector<16xf32>,
        %parallel_loop3A_703 = arith.select %parallel_loop3A_694, %parallel_loop3A_652, %parallel_loop3A_698 : vector<16xi1>, vector<16xf32>
        %parallel_loop3A_704 = tpu.memref_slice %arg7[%parallel_loop3A_634] : memref<20736xf32, #tpu.memory_space<vmem>> -> memref<64xf32, #tpu.memory_space<vmem>>
        tpu.vector_store_idx %parallel_loop3A_704[%parallel_loop3A_643], %parallel_loop3A_703 : memref<64xf32, #tpu.memory_space<vmem>>[vector<16xi32>], vector<16xf32>,
        %parallel_loop3A_705 = arith.select %parallel_loop3A_696, %parallel_loop3A_654, %parallel_loop3A_698 : vector<16xi1>, vector<16xf32>
        %parallel_loop3A_706 = tpu.memref_slice %arg7[%parallel_loop3A_634] : memref<20736xf32, #tpu.memory_space<vmem>> -> memref<64xf32, #tpu.memory_space<vmem>>
        tpu.vector_store_idx %parallel_loop3A_706[%parallel_loop3A_646], %parallel_loop3A_705 : memref<64xf32, #tpu.memory_space<vmem>>[vector<16xi32>], vector<16xf32>,
        %parallel_loop3A_707 = arith.constant 576 : i32
        %parallel_loop3A_708 = arith.muli %parallel_loop3A_66, %parallel_loop3A_707 : i32
        %parallel_loop3A_709 = arith.constant 512 : i32
        %parallel_loop3A_710 = arith.addi %parallel_loop3A_708, %parallel_loop3A_709 : i32
        %parallel_loop3A_711 = arith.constant 576 : i32
        %parallel_loop3A_712 = arith.muli %parallel_loop3A_66, %parallel_loop3A_711 : i32
        %parallel_loop3A_713 = arith.constant 512 : i32
        %parallel_loop3A_714 = arith.addi %parallel_loop3A_712, %parallel_loop3A_713 : i32
        %parallel_loop3A_715 = arith.constant 0 : i32
        %parallel_loop3A_716 = vector.broadcast %parallel_loop3A_715 : i32 to vector<16xi32>
        %parallel_loop3A_717 = arith.addi %mul3A_5, %parallel_loop3A_716 : vector<16xi32>
        %parallel_loop3A_718 = arith.constant 1 : i32
        %parallel_loop3A_719 = vector.broadcast %parallel_loop3A_718 : i32 to vector<16xi32>
        %parallel_loop3A_720 = arith.addi %mul3A_5, %parallel_loop3A_719 : vector<16xi32>
        %parallel_loop3A_721 = arith.constant 2 : i32
        %parallel_loop3A_722 = vector.broadcast %parallel_loop3A_721 : i32 to vector<16xi32>
        %parallel_loop3A_723 = arith.addi %mul3A_5, %parallel_loop3A_722 : vector<16xi32>
        %parallel_loop3A_724 = arith.constant 3 : i32
        %parallel_loop3A_725 = vector.broadcast %parallel_loop3A_724 : i32 to vector<16xi32>
        %parallel_loop3A_726 = arith.addi %mul3A_5, %parallel_loop3A_725 : vector<16xi32>
        %parallel_loop3A_727 = tpu.memref_slice %arg5[%parallel_loop3A_710] : memref<20736xf32, #tpu.memory_space<vmem>> -> memref<64xf32, #tpu.memory_space<vmem>>
        %parallel_loop3A_728 = tpu.vector_load_idx %parallel_loop3A_727[%parallel_loop3A_717] : memref<64xf32, #tpu.memory_space<vmem>>[vector<16xi32>], vector<16xf32>,
        %parallel_loop3A_729 = tpu.memref_slice %arg5[%parallel_loop3A_710] : memref<20736xf32, #tpu.memory_space<vmem>> -> memref<64xf32, #tpu.memory_space<vmem>>
        %parallel_loop3A_730 = tpu.vector_load_idx %parallel_loop3A_729[%parallel_loop3A_720] : memref<64xf32, #tpu.memory_space<vmem>>[vector<16xi32>], vector<16xf32>,
        %parallel_loop3A_731 = tpu.memref_slice %arg5[%parallel_loop3A_710] : memref<20736xf32, #tpu.memory_space<vmem>> -> memref<64xf32, #tpu.memory_space<vmem>>
        %parallel_loop3A_732 = tpu.vector_load_idx %parallel_loop3A_731[%parallel_loop3A_723] : memref<64xf32, #tpu.memory_space<vmem>>[vector<16xi32>], vector<16xf32>,
        %parallel_loop3A_733 = tpu.memref_slice %arg5[%parallel_loop3A_710] : memref<20736xf32, #tpu.memory_space<vmem>> -> memref<64xf32, #tpu.memory_space<vmem>>
        %parallel_loop3A_734 = tpu.vector_load_idx %parallel_loop3A_733[%parallel_loop3A_726] : memref<64xf32, #tpu.memory_space<vmem>>[vector<16xi32>], vector<16xf32>,
        %parallel_loop3A_735 = math.absf %parallel_loop3A_728 : vector<16xf32>
        %parallel_loop3A_736 = arith.constant 1.000000e-07 : f32
        %parallel_loop3A_737 = vector.broadcast %parallel_loop3A_736 : f32 to vector<16xf32>
        %parallel_loop3A_738 = arith.addf %parallel_loop3A_735, %parallel_loop3A_737 : vector<16xf32>
        %parallel_loop3A_739 = math.absf %parallel_loop3A_730 : vector<16xf32>
        %parallel_loop3A_740 = arith.constant 1.000000e-07 : f32
        %parallel_loop3A_741 = vector.broadcast %parallel_loop3A_740 : f32 to vector<16xf32>
        %parallel_loop3A_742 = arith.addf %parallel_loop3A_739, %parallel_loop3A_741 : vector<16xf32>
        %parallel_loop3A_743 = math.absf %parallel_loop3A_732 : vector<16xf32>
        %parallel_loop3A_744 = arith.constant 1.000000e-07 : f32
        %parallel_loop3A_745 = vector.broadcast %parallel_loop3A_744 : f32 to vector<16xf32>
        %parallel_loop3A_746 = arith.addf %parallel_loop3A_743, %parallel_loop3A_745 : vector<16xf32>
        %parallel_loop3A_747 = math.absf %parallel_loop3A_734 : vector<16xf32>
        %parallel_loop3A_748 = arith.constant 1.000000e-07 : f32
        %parallel_loop3A_749 = vector.broadcast %parallel_loop3A_748 : f32 to vector<16xf32>
        %parallel_loop3A_750 = arith.addf %parallel_loop3A_747, %parallel_loop3A_749 : vector<16xf32>
        %parallel_loop3A_751 = arith.cmpf oge, %parallel_loop3A_738, %parallel_loop3A_742 : vector<16xf32>
        %parallel_loop3A_752 = arith.cmpf oge, %parallel_loop3A_738, %parallel_loop3A_746 : vector<16xf32>
        %parallel_loop3A_753 = arith.cmpf oge, %parallel_loop3A_738, %parallel_loop3A_750 : vector<16xf32>
        %parallel_loop3A_754 = arith.cmpf oge, %parallel_loop3A_742, %parallel_loop3A_746 : vector<16xf32>
        %parallel_loop3A_755 = arith.cmpf oge, %parallel_loop3A_742, %parallel_loop3A_750 : vector<16xf32>
        %parallel_loop3A_756 = arith.cmpf oge, %parallel_loop3A_746, %parallel_loop3A_750 : vector<16xf32>
        %parallel_loop3A_757 = arith.select %parallel_loop3A_751, %broadcast_in_dim3A_6, %broadcast_in_dim3A_8 : vector<16xi1>, vector<16xi32>
        %parallel_loop3A_758 = arith.select %parallel_loop3A_752, %broadcast_in_dim3A_6, %broadcast_in_dim3A_8 : vector<16xi1>, vector<16xi32>
        %parallel_loop3A_759 = arith.select %parallel_loop3A_753, %broadcast_in_dim3A_6, %broadcast_in_dim3A_8 : vector<16xi1>, vector<16xi32>
        %parallel_loop3A_760 = arith.select %parallel_loop3A_754, %broadcast_in_dim3A_6, %broadcast_in_dim3A_8 : vector<16xi1>, vector<16xi32>
        %parallel_loop3A_761 = arith.select %parallel_loop3A_755, %broadcast_in_dim3A_6, %broadcast_in_dim3A_8 : vector<16xi1>, vector<16xi32>
        %parallel_loop3A_762 = arith.select %parallel_loop3A_756, %broadcast_in_dim3A_6, %broadcast_in_dim3A_8 : vector<16xi1>, vector<16xi32>
        %parallel_loop3A_763 = arith.addi %parallel_loop3A_757, %parallel_loop3A_758 : vector<16xi32>
        %parallel_loop3A_764 = arith.addi %parallel_loop3A_763, %parallel_loop3A_759 : vector<16xi32>
        %parallel_loop3A_765 = arith.constant 2 : i32
        %parallel_loop3A_766 = vector.broadcast %parallel_loop3A_765 : i32 to vector<16xi32>
        %parallel_loop3A_767 = arith.cmpi sge, %parallel_loop3A_764, %parallel_loop3A_766 : vector<16xi32>
        %parallel_loop3A_768 = arith.addi %parallel_loop3A_760, %parallel_loop3A_761 : vector<16xi32>
        %parallel_loop3A_769 = arith.subi %parallel_loop3A_768, %parallel_loop3A_757 : vector<16xi32>
        %parallel_loop3A_770 = arith.constant 1 : i32
        %parallel_loop3A_771 = vector.broadcast %parallel_loop3A_770 : i32 to vector<16xi32>
        %parallel_loop3A_772 = arith.cmpi sge, %parallel_loop3A_769, %parallel_loop3A_771 : vector<16xi32>
        %parallel_loop3A_773 = arith.addi %parallel_loop3A_758, %parallel_loop3A_760 : vector<16xi32>
        %parallel_loop3A_774 = arith.cmpi sge, %parallel_loop3A_762, %parallel_loop3A_773 : vector<16xi32>
        %parallel_loop3A_775 = arith.xori %parallel_loop3A_767, %parallel_loop3A_772 : vector<16xi1>
        %parallel_loop3A_776 = arith.xori %parallel_loop3A_775, %parallel_loop3A_774 : vector<16xi1>
        %parallel_loop3A_777 = arith.constant 0.000000e+00 : f32
        %parallel_loop3A_778 = vector.broadcast %parallel_loop3A_777 : f32 to vector<16xf32>
        %parallel_loop3A_779 = arith.select %parallel_loop3A_767, %parallel_loop3A_728, %parallel_loop3A_778 : vector<16xi1>, vector<16xf32>
        %parallel_loop3A_780 = tpu.memref_slice %arg7[%parallel_loop3A_714] : memref<20736xf32, #tpu.memory_space<vmem>> -> memref<64xf32, #tpu.memory_space<vmem>>
        tpu.vector_store_idx %parallel_loop3A_780[%parallel_loop3A_717], %parallel_loop3A_779 : memref<64xf32, #tpu.memory_space<vmem>>[vector<16xi32>], vector<16xf32>,
        %parallel_loop3A_781 = arith.select %parallel_loop3A_772, %parallel_loop3A_730, %parallel_loop3A_778 : vector<16xi1>, vector<16xf32>
        %parallel_loop3A_782 = tpu.memref_slice %arg7[%parallel_loop3A_714] : memref<20736xf32, #tpu.memory_space<vmem>> -> memref<64xf32, #tpu.memory_space<vmem>>
        tpu.vector_store_idx %parallel_loop3A_782[%parallel_loop3A_720], %parallel_loop3A_781 : memref<64xf32, #tpu.memory_space<vmem>>[vector<16xi32>], vector<16xf32>,
        %parallel_loop3A_783 = arith.select %parallel_loop3A_774, %parallel_loop3A_732, %parallel_loop3A_778 : vector<16xi1>, vector<16xf32>
        %parallel_loop3A_784 = tpu.memref_slice %arg7[%parallel_loop3A_714] : memref<20736xf32, #tpu.memory_space<vmem>> -> memref<64xf32, #tpu.memory_space<vmem>>
        tpu.vector_store_idx %parallel_loop3A_784[%parallel_loop3A_723], %parallel_loop3A_783 : memref<64xf32, #tpu.memory_space<vmem>>[vector<16xi32>], vector<16xf32>,
        %parallel_loop3A_785 = arith.select %parallel_loop3A_776, %parallel_loop3A_734, %parallel_loop3A_778 : vector<16xi1>, vector<16xf32>
        %parallel_loop3A_786 = tpu.memref_slice %arg7[%parallel_loop3A_714] : memref<20736xf32, #tpu.memory_space<vmem>> -> memref<64xf32, #tpu.memory_space<vmem>>
        tpu.vector_store_idx %parallel_loop3A_786[%parallel_loop3A_726], %parallel_loop3A_785 : memref<64xf32, #tpu.memory_space<vmem>>[vector<16xi32>], vector<16xf32>,
      } {sc.loop_unroll_factor = 1 : i64, sc.parallel_access}
      %dma_start3A_59 = tpu.memref_slice %arg3[%add3A_48] : memref<5308416xf32, #tpu.memory_space<hbm>> -> memref<20736xf32, #tpu.memory_space<hbm>>
      %dma_start3A_60 = tpu.memref_slice %arg3[%add3A_48] : memref<5308416xf32, #tpu.memory_space<hbm>> -> memref<20736xf32, #tpu.memory_space<hbm>>
      tpu.enqueue_dma source(%arg7 : memref<20736xf32, #tpu.memory_space<vmem>>) target(%dma_start3A_60 : memref<20736xf32, #tpu.memory_space<hbm>>) target_semaphore(%arg11 : memref<!tpu.dma_semaphore, #tpu.memory_space<semaphore_mem>>)
      %lt3A_61 = arith.constant 3 : i32
      %lt3A_62 = arith.cmpi slt, %scan3A_22, %lt3A_61 : i32
      %convert_element_type3A_63 = arith.extui %lt3A_62 : i1 to i32
      %cond3A_64 = arith.constant 0 : i32
      %cond3A_65 = arith.cmpi ne, %convert_element_type3A_63, %cond3A_64 : i32
      scf.if %cond3A_65 {
        %add3A_66 = arith.constant 41472 : i32
        %add3A_67 = arith.addi %add3A_48, %add3A_66 : i32
        %dma_start3A_68 = tpu.memref_slice %arg2[%add3A_67] : memref<5308416xf32, #tpu.memory_space<hbm>> -> memref<20736xf32, #tpu.memory_space<hbm>>
        %dma_start3A_69 = tpu.memref_slice %arg2[%add3A_67] : memref<5308416xf32, #tpu.memory_space<hbm>> -> memref<20736xf32, #tpu.memory_space<hbm>>
        tpu.enqueue_dma source(%dma_start3A_69 : memref<20736xf32, #tpu.memory_space<hbm>>) target(%arg5 : memref<20736xf32, #tpu.memory_space<vmem>>) target_semaphore(%arg9 : memref<!tpu.dma_semaphore, #tpu.memory_space<semaphore_mem>>)
      } else {
      }
    }
    %scan3A_18 = arith.constant 4 : i32
    %dma_wait3A = tpu.memref_slice %arg3[%mul3A_2] : memref<5308416xf32, #tpu.memory_space<hbm>> -> memref<20736xf32, #tpu.memory_space<hbm>>
    %dma_wait3A_19 = tpu.memref_slice %arg3[%mul3A_2] : memref<5308416xf32, #tpu.memory_space<hbm>> -> memref<20736xf32, #tpu.memory_space<hbm>>
    tpu.wait_dma2 semaphore(%arg10 : memref<!tpu.dma_semaphore, #tpu.memory_space<semaphore_mem>>) src(%arg6 : memref<20736xf32, #tpu.memory_space<vmem>>) dst(%dma_wait3A_19 : memref<20736xf32, #tpu.memory_space<hbm>>)
    %dma_wait3A_20 = tpu.memref_slice %arg3[%mul3A_2] : memref<5308416xf32, #tpu.memory_space<hbm>> -> memref<20736xf32, #tpu.memory_space<hbm>>
    %dma_wait3A_21 = tpu.memref_slice %arg3[%mul3A_2] : memref<5308416xf32, #tpu.memory_space<hbm>> -> memref<20736xf32, #tpu.memory_space<hbm>>
    tpu.wait_dma2 semaphore(%arg11 : memref<!tpu.dma_semaphore, #tpu.memory_space<semaphore_mem>>) src(%arg7 : memref<20736xf32, #tpu.memory_space<vmem>>) dst(%dma_wait3A_21 : memref<20736xf32, #tpu.memory_space<hbm>>)
    return
  }
}

</mosaic_0001>

<sc_bundles>
// kernel: kernel.3.cloned.1.call-start
scs
__scs_entry_jumppad:
0x0: {  	(pc) =	sbr.rel $0x88, $3  }
0x1: {  	(tag) =	ssettag $0x0;
	lr =	simm.s32 $0x1  }
0x2: {  	[smem:$0x3FA0] =	sst lr;
	_ =	strace $0xD0000000  }
0x3: {  	_ = 	snop  }
0x4: {  	_ = 	snop  }
0x5: {  	_ = 	snop  }
0x6: {  	_ = 	snop  }
0x7: {  	_ = 	snop  }
__scs_overlays_trampoline_lowered:
0x8: {  	[smem:$0x3FAF] =	sst s0  }
0x9: {  	[smem:$0x3FB0] =	sst s1  }
0xa: {  	[smem:$0x3FB1] =	sst s2  }
0xb: {  	[smem:$0x3FB2] =	sst s3  }
0xc: {  	[smem:$0x3FB3] =	sst s4  }
0xd: {  	[smem:$0x3FB4] =	sst s5  }
0xe: {  	[smem:$0x3FB5] =	sst s6  }
0xf: {  	[smem:$0x3FB6] =	sst s7  }
0x10: {  	[smem:$0x3FB7] =	sst s8  }
0x11: {  	[smem:$0x3FB8] =	sst s9;
	s0 =	simm.s32 @!p0 $0x0  }
0x12: {  	s1 =	sld [smem:$0x3F9E];
	s0 =	simm.s32 @p0 $0x1  }
0x13: {  	[smem:$0x3FB9] =	sst s0;
	s0 =	simm.s32 @!p1 $0x0  }
0x14: {  	s2 =	sld [smem:$0x3F9D];
	s0 =	simm.s32 @p1 $0x1  }
0x15: {  	[smem:$0x3FBA] =	sst s0;
	s0 =	simm.s32 @!p2 $0x0  }
0x16: {  	s3 =	sld [smem:$0x3FDB];
	s0 =	simm.s32 @p2 $0x1  }
0x17: {  	s4 =	simm.s32 $0x1BF5;
	[smem:$0x3FBC] =	sst s0  }
0x18: {  	s0 =	sld [smem:$0x3F9F];
	_ =	swait.ge [sflag:s4], $0x0  }
0x19: {  	s7 =	sld [smem:$0x3FA0]  }
0x1a: {  	s8 =	sadd.s32 $0xFFFFE003, lr  }
0x1b: {  	s9 =	sadd.s32 $0xFFFFFEF7, lr;
	s5 =	simm.s32 $0xFFFFFFFF;
	p2 =	slt.u32 s8, $0xFFFFF086  }
0x1c: {  	p1 =	slt.u32 s9, $0xF7A;
	s5 =	simm.s32 @!p2 $0x0  }
0x1d: {  	s5 =	simm.s32 @p1 $0x1;
	p0 =	seq.s32 s7, s2  }
0x1e: {  	s7 =	smul.u32 @!p0 $0xF7A, s2;
	p2 =	seq.s32 @!p0 s5, $0x0  }
0x1f: {  	s9 =	smul.u32 $0xF7A, s1;
	s8 =	simm.s32 @!p0 $0x1BF5;
	p2 =	por !p2, p0  }
0x20: {  	[sflag:s8] =	ssyncset.s32 @!p0 $0xFFFFF086;
	s6 =	sadd.s32 @!p0 s3, s7;
	s7 =	simm.s32 @!p0 $0x108  }
0x21: {  	s3 =	sadd.s32 s3, s9;
	s6 =	sadd.s32 @!p0 $0x88, s6;
	s7 =	simm.s32 @p2 $0x1082  }
0x22: {  	[simem:s7], [sflag:s8] =	dma.local @!p0 [hbm:s6], $0xF7A  }
0x23: {  	s9 =	sor.u32 $0xD0000000, s2;
	s6 =	simm.s32 $0x108;
	_ =	swait.ge @!p0 [sflag:s8], $0x0  }
0x24: {  	s3 =	sadd.s32 $0x88, s3;
	s6 =	simm.s32 @!p1 $0x1082;
	[sflag:s4] =	ssyncset.s32 $0xFFFFF086  }
0x25: {  	[simem:s6], [sflag:s4] =	dma.local [hbm:s3], $0xF7A  }
0x26: {  	[smem:$0x3FA0] =	sst s1;
	(tag) =	ssettag s2;
	_ =	strace s9  }
0x27: {  	s1 =	sld [smem:$0x3FB0]  }
0x28: {  	s2 =	sld [smem:$0x3FB1]  }
0x29: {  	s4 =	sld [smem:$0x3FB3]  }
0x2a: {  	p0 =	seq.s32 s5, $0x0;
	s5 =	sld [smem:$0x3FB4]  }
0x2b: {  	s6 =	sld [smem:$0x3FB5]  }
0x2c: {  	s7 =	sld [smem:$0x3FB6]  }
0x2d: {  	s3 =	simm.s32 $0x108;
	s8 =	sld [smem:$0x3FB7]  }
0x2e: {  	s3 =	simm.s32 @!p0 $0x1082;
	s9 =	sld [smem:$0x3FB8]  }
0x2f: {  	lr =	sadd.s32 s0, s3;
	s0 =	sld [smem:$0x3FAF]  }
0x30: {  	s3 =	sld [smem:$0x3FB2]  }
0x31: {  	[smem:$0x3FBB] =	sst s10  }
0x32: {  	s10 =	sld [smem:$0x3FB9];
	_ =	sdelay $0x3  }
0x33: {  	p0 =	seq.s32 s10, $0x1;
	s10 =	sld [smem:$0x3FBB];
	_ =	sdelay $0x3  }
0x34: {  	[smem:$0x3FBB] =	sst s10  }
0x35: {  	s10 =	sld [smem:$0x3FBA];
	_ =	sdelay $0x3  }
0x36: {  	p1 =	seq.s32 s10, $0x1;
	s10 =	sld [smem:$0x3FBB];
	_ =	sdelay $0x3  }
0x37: {  	[smem:$0x3FBB] =	sst s10  }
0x38: {  	s10 =	sld [smem:$0x3FBC]  }
0x39: {  	_ = 	snop;
	(pc) =	sbr.ind lr, $3  }
0x3a: {  	_ = 	snop  }
0x3b: {  	_ = 	snop  }
0x3c: {  	p2 =	seq.s32 s10, $0x1;
	s10 =	sld [smem:$0x3FBB]  }
0x3d: {  	_ =	shalt  }
0x3e: {  	_ =	shalt  }
0x3f: {  	_ =	shalt  }
0x40: {  	_ =	shalt  }
0x41: {  	_ =	shalt  }
0x42: {  	_ =	shalt  }
0x43: {  	_ =	shalt  }
0x44: {  	_ =	shalt  }
0x45: {  	_ =	shalt  }
0x46: {  	_ =	shalt  }
0x47: {  	_ =	shalt  }
0x48: {  	_ =	shalt  }
0x49: {  	_ =	shalt  }
0x4a: {  	_ =	shalt  }
0x4b: {  	_ =	shalt  }
0x4c: {  	_ =	shalt  }
0x4d: {  	_ =	shalt  }
0x4e: {  	_ =	shalt  }
0x4f: {  	_ =	shalt  }
0x50: {  	_ =	shalt  }
0x51: {  	_ =	shalt  }
0x52: {  	_ =	shalt  }
0x53: {  	_ =	shalt  }
0x54: {  	_ =	shalt  }
0x55: {  	_ =	shalt  }
0x56: {  	_ =	shalt  }
0x57: {  	_ =	shalt  }
0x58: {  	_ =	shalt  }
0x59: {  	_ =	shalt  }
0x5a: {  	_ =	shalt  }
0x5b: {  	_ =	shalt  }
0x5c: {  	_ =	shalt  }
0x5d: {  	_ =	shalt  }
0x5e: {  	_ =	shalt  }
0x5f: {  	_ =	shalt  }
0x60: {  	_ =	shalt  }
0x61: {  	_ =	shalt  }
0x62: {  	_ =	shalt  }
0x63: {  	_ =	shalt  }
0x64: {  	_ =	shalt  }
0x65: {  	_ =	shalt  }
0x66: {  	_ =	shalt  }
0x67: {  	_ =	shalt  }
0x68: {  	_ =	shalt  }
0x69: {  	_ =	shalt  }
0x6a: {  	_ =	shalt  }
0x6b: {  	_ =	shalt  }
0x6c: {  	_ =	shalt  }
0x6d: {  	_ =	shalt  }
0x6e: {  	_ =	shalt  }
0x6f: {  	_ =	shalt  }
0x70: {  	_ =	shalt  }
0x71: {  	_ =	shalt  }
0x72: {  	_ =	shalt  }
0x73: {  	_ =	shalt  }
0x74: {  	_ =	shalt  }
0x75: {  	_ =	shalt  }
0x76: {  	_ =	shalt  }
0x77: {  	_ =	shalt  }
0x78: {  	_ =	shalt  }
0x79: {  	_ =	shalt  }
0x7a: {  	_ =	shalt  }
0x7b: {  	_ =	shalt  }
0x7c: {  	_ =	shalt  }
0x7d: {  	_ =	shalt  }
0x7e: {  	_ =	shalt  }
0x7f: {  	_ =	shalt  }
0x80: {  	_ =	shalt  }
0x81: {  	_ =	shalt  }
0x82: {  	_ =	shalt  }
0x83: {  	_ =	shalt  }
0x84: {  	_ =	shalt  }
0x85: {  	_ =	shalt  }
0x86: {  	_ =	shalt  }
0x87: {  	_ =	shalt  }
.Lfunc_end0:
.L_simem_size_0:
called_computation_lowered:
.L_overlay_start_0:
0x88: {  	s2 =	sld [smem:$0x3FD9]  }
0x89: {  	s3 =	sld [smem:$0x3FFE];
	_ =	sdelay $0x1  }
0x8a: {  	s1 =	srdreg.scid  }
0x8b: {  	s0 =	sand.u32 $0x1, s1  }
0x8c: {  	s18 =	sshll.u32 s0, $0xA;
	s2 =	sadd.s32 s3, s2  }
0x8d: {  	s2 =	sadd.s32 s2, s18  }
0x8e: {  	[smem:$0x3FC7] =	sst s2  }
0x8f: {  	_ = 	snop  }
0x90: {  	s2 =	sld [smem:$0x3FC9]  }
0x91: {  	s19 =	sld [smem:$0x3FD0];
	(tm) =	ssettm $0x1  }
0x92: {  	s4 =	sld [smem:$0x3FFB];
	_ =	sdelay $0x3  }
0x93: {  	_ =	strace s4  }
0x94: {  	s4 =	sld [smem:$0x3FFC];
	_ =	sdelay $0x3  }
0x95: {  	_ =	strace s4  }
0x96: {  	s4 =	sld [smem:$0x3FFD];
	_ =	sdelay $0x3  }
0x97: {  	_ =	strace s4  }
0x98: {  	_ =	strace $0x8FFFFFFF  }
0x99: {  	s20 =	sld [smem:$0x3FDB];
	_ =	sdelay $0x1  }
0x9a: {  	s5 =	simm.s32 $_scs_section_size  }
0x9b: {  	s6 =	simm.s32 $_size__tile_overlayer_lowered;
	s7 =	simm.s32 $_tile_overlayer_lowered  }
0x9c: {  	s23 =	simm.s32 $0x1BFF;
	s22 =	sshll.u32 s7, $0x1;
	s4 =	sadd.s32 s5, s20  }
0x9d: {  	s8 =	simm.s32 $0x0;
	s21 =	sshll.u32 s6, $0x1;
	s6 =	sadd.s32 s22, s4  }
0x9e: {  	[timem:s8], [sflag:s23] =	dma.local [hbm:s6], s21  }
0x9f: {  	_ =	swait.ge [sflag:s23], s21  }
0xa0: {  	s5 =	ssub.s32 $0x0, s21;
	[sflag:s23] =	ssyncset.done $0x0  }
0xa1: {  	[sflag:s23] =	ssyncadd.s32 s5;
	_ =	sdelay $0x1  }
0xa2: {  	s24 =	simm.s32 $0x1B8B  }
0xa3: {  	_ =	swait.ge [sflag:s24], $0x1  }
0xa4: {  	[sflag:s24] =	ssyncset.done $0x0  }
0xa5: {  	s25 =	simm.s32 $0x1B8E;
	[sflag:s24] =	ssyncadd.s32 $0xFFFFFFFF  }
0xa6: {  	s26 =	simm.s32 $execute0_lowered;
	[smem:$0x3FD2] =	sst s25  }
0xa7: {  	s5 =	sshll.u32 s26, $0x1;
	_ =	strace $0x80000046;
	[dreg:$0x1] =	wrdreg $0xFFFFFFFF  }
0xa8: {  	s28 =	simm.s32 $_size_execute0_lowered;
	s4 =	sadd.s32 s4, s5;
	[dreg:$0x0] =	wrdreg $0x0  }
0xa9: {  	s5 =	sshll.u32 s28, $0x1;
	[dreg:$0x2] =	wrdreg s4  }
0xaa: {  	[dreg:$0x3] =	wrdreg s5  }
0xab: {  	[dreg:$0x4] =	wrdreg $0xC0  }
0xac: {  	_ =	task [dreg:s8], $0x5FFFF  }
0xad: {  	[dreg:$0x1] =	wrdreg $0xFFFFFFFF  }
0xae: {  	[dreg:$0x0] =	wrdreg $0x60  }
0xaf: {  	[dreg:$0x2] =	wrdreg s2  }
0xb0: {  	[dreg:$0x3] =	wrdreg s19  }
0xb1: {  	[dreg:$0x4] =	wrdreg $0x9  }
0xb2: {  	_ =	task.clear_ibuf [dreg:s8], $0x5FFFF;
	_ =	strace $0x90000046  }
0xb3: {  	s29 =	simm.s32 $0x9;
	_ =	strace $0x80000048  }
0xb4: {  	_ =	swait.ge [sflag:s29], $0x1  }
0xb5: {  	[sflag:s29] =	ssyncadd.s32 $0xFFFFFFFF  }
0xb6: {  	_ =	strace $0x90000048  }
0xb7: {  	_ =	sfence  }
0xb8: {  	s30 =	sld [smem:$0x0];
	_ =	sdelay $0x2  }
0xb9: {  	s31 =	sshll.u32 s1, $0xD;
	s1 =	sshrl.u32 s1, $0x2  }
0xba: {  	s3 =	sand.u32 $0x4000, s31;
	s1 =	sadd.s32 s1, s30  }
0xbb: {  	s0 =	sor.u32 s3, s0;
	s1 =	sshll.u32 s1, $0x11  }
0xbc: {  	s0 =	sor.u32 s1, s0  }
0xbd: {  	s0 =	sadd.s32 $0x8F2B, s0  }
0xbe: {  	[sflag:s0] =	ssyncadd.remote.s32 $0x1  }
0xbf: {  	_ =	sfence.sel $0xFFFF  }
0xc0: {  	[dreg:$0x0] =	wrdreg $0xFFFFFFFF;
	(pc) =	sbr.abs _section_cstart, $3  }
0xc1: {  	[dreg:$0x1] =	wrdreg $0xFFFFFFFF  }
0xc2: {  	_ =	task.clear_ibuf [dreg:s8], $0x2FFFF;
	_ =	strace $0x9FFFFFFF  }
0xc3: {  	(tm) =	ssettm $0x7FFFFFFF  }
tec
execute0_lowered:
.L_overlay_start_1:
0x0: {  	(tag) =	ssettag $0x1  }
0x1: {  	s1 =	srdreg.scid  }
0x2: {  	s0 =	stileid.u32;
	s2 =	rddreg [dreg:$0x0]  }
0x3: {  	s3 =	rddreg [dreg:$0x1];
	s4 =	simm.s32 $0x0;
	s12 =	simm.s32 $0xA200  }
0x4: {  	v0 =	vlaneseq.u32;
	s13 =	simm.s32 $0x2;
	s6 =	sand.u32 $0x1, s1;
	s31 =	sshll.u32 s0, $0x1  }
0x5: {  	s14 =	simm.s32 $0xF300;
	s15 =	simm.s32 $0x3;
	v0 =	vmul.u32 $0x4, v0;
	s5 =	sor.u32 s6, s31  }
0x6: {  	s16 =	simm.s32 $0x4;
	s17 =	simm.s32 $0x0;
	s5 =	smul.u32 $0x28800, s5  }
.Ltmp0:
0x7: {  	[smem:$0x7FF] =	sst s4;
	s7 =	ssub.s32 $0x2, s6;
	v1 =	vor.u32 $0x1, v0;
	(pc) =	sbr.rel .LBB2_1-.Ltmp0, $4  }
0x8: {  	s1 =	rddreg [dreg:$0x2];
	_ =	strace $0x80000047;
	s8 =	sshrl.u32 s7, $0x1;
	v2 =	vor.u32 $0x2, v0  }
0x9: {  	s11 =	ssub.s32 s7, s8;
	s6 =	sadd.s32 $0x5100, s5;
	s9 =	sshrl.u32 s5, $0x3  }
0xa: {  	s10 =	sshrl.u32 s6, $0x3;
	s7 =	sadd.s32 s2, s9;
	s9 =	smax.u32 s11, $0x1  }
0xb: {  	v4 =	vimm.s32 $0x0;
	v3 =	vor.u32 $0x3, v0;
	s11 =	simm.s32 $0x1;
	s8 =	sadd.s32 s2, s10;
	s10 =	simm.s32 $0x5100  }
.LBB2_8:
0xc: {  	s17 =	sadd.s32 $0x1, s17  }
0xd: {  	_ =	swait.ge [sflag:s15], $0x5100;
	p0 =	sne.s32 s17, s9  }
.Ltmp1:
0xe: {  	[sflag:s15] =	ssyncset.done $0x0;
	(pc) =	sbr.rel @!p0 .LBB2_9-.Ltmp1, $4  }
0xf: {  	[sflag:s15] =	ssyncadd.s32 $0xFFFFAF00  }
0x10: {  	_ =	swait.ge [sflag:s16], $0x5100  }
0x11: {  	[sflag:s16] =	ssyncset.done $0x0  }
0x12: {  	[sflag:s16] =	ssyncadd.s32 $0xFFFFAF00  }
.LBB2_1:
0x13: {  	[tilespmem:s4], [sflag:$0x1] =	stream.linear.gather [hbm4b:s7+s4], $0x5100, $0x38;
	[tilespmem:$0x14400] =	vst v63  }
0x14: {  	s18 =	simm.s32 $0x0  }
0x15: {  	[tilespmem:s10], [sflag:$0x2] =	stream.linear.gather [hbm4b:s8+s4], $0x5100, $0x38;
	[tilespmem:$0x14400] =	vst v63  }
.LBB2_2:
0x16: {  	_ =	swait.ge [sflag:s11], $0x5100  }
0x17: {  	p0 =	seq.s32 s18, $0x0;
	[sflag:s11] =	ssyncset.done $0x0  }
0x18: {  	s19 =	simm.s32 @!p0 $0x3;
	[sflag:s11] =	ssyncadd.s32 $0xFFFFAF00  }
0x19: {  	_ =	swait.ge @!p0 [sflag:s19], $0x5100  }
0x1a: {  	[sflag:s19] =	ssyncset.done @!p0 $0x0  }
0x1b: {  	s20 =	simm.s32 $0x0;
	[sflag:s19] =	ssyncadd.s32 @!p0 $0xFFFFAF00  }
0x1c: {  	v5 =	vld.idx.msk [tilespmem:v3+s20+$0x0], $0xffff  }
0x1d: {  	v6 =	vld.idx.msk [tilespmem:v0+s20+$0x0], $0xffff  }
0x1e: {  	v7 =	vld.idx.msk [tilespmem:v2+s20+$0x0], $0xffff  }
0x1f: {  	v8 =	vld.idx.msk [tilespmem:v1+s20+$0x0], $0xffff;
	_ =	sdelay $0x3  }
0x20: {  	v9 =	vand.u32 $0x7FFFFFFF, v5;
	v10 =	vand.u32 $0x7FFFFFFF, v6;
	v11 =	vand.u32 $0x7FFFFFFF, v7  }
0x21: {  	v12 =	vand.u32 $0x7FFFFFFF, v8;
	v11 =	vadd.f32 $1.000000010e-07, v11;
	v9 =	vadd.f32 $1.000000010e-07, v9  }
0x22: {  	v10 =	vadd.f32 $1.000000010e-07, v10;
	v12 =	vadd.f32 $1.000000010e-07, v12  }
0x23: {  	vm0 =	vge.f32 v11, v9  }
0x24: {  	vm1 =	vge.f32 v10, v9;
	vm2 =	vge.f32 v10, v12;
	vm3 =	vge.f32 v10, v11  }
0x25: {  	vm4 =	vge.f32 v12, v11;
	v10 =	vsel vm2, $0x1, v4;
	v11 =	vsel vm3, $0x1, v4  }
0x26: {  	vm7 =	vge.f32 v12, v9;
	v9 =	vsel vm1, $0x1, v4;
	v45 =	vadd.s32 v10, v11  }
0x27: {  	v13 =	vsel vm4, $0x1, v4;
	v14 =	vsel vm7, $0x1, v4;
	v9 =	vadd.s32 v9, v45  }
0x28: {  	v46 =	vsel vm0, $0x1, v4;
	v14 =	vadd.s32 v13, v14;
	vm8 =	vgt.u32 v9, $0x1  }
0x29: {  	vm9 =	vgt.u32 v14, v10;
	v9 =	vadd.s32 v13, v11;
	v6 =	vnsel vm8, $0x0, v6  }
0x2a: {  	v8 =	vnsel vm9, $0x0, v8;
	vm10 =	vle.u32 v9, v46;
	vm0 =	vmxor vm8, vm9;
	[tilespmem:v0+s20+$0xA200] =	vst.idx.msk $0xffff, v6  }
0x2b: {  	v6 =	vnsel vm10, $0x0, v7;
	vm0 =	vmxor vm10, vm0;
	[tilespmem:v1+s20+$0xA200] =	vst.idx.msk $0xffff, v8  }
0x2c: {  	v5 =	vnsel vm0, $0x0, v5;
	[tilespmem:v2+s20+$0xA200] =	vst.idx.msk $0xffff, v6  }
0x2d: {  	[tilespmem:v3+s20+$0xA200] =	vst.idx.msk $0xffff, v5  }
0x2e: {  	v5 =	vld.idx.msk [tilespmem:v3+s20+$0x40], $0xffff  }
0x2f: {  	v6 =	vld.idx.msk [tilespmem:v0+s20+$0x40], $0xffff  }
0x30: {  	v7 =	vld.idx.msk [tilespmem:v2+s20+$0x40], $0xffff  }
0x31: {  	v8 =	vld.idx.msk [tilespmem:v1+s20+$0x40], $0xffff;
	_ =	sdelay $0x3  }
0x32: {  	v9 =	vand.u32 $0x7FFFFFFF, v5;
	v10 =	vand.u32 $0x7FFFFFFF, v6;
	v11 =	vand.u32 $0x7FFFFFFF, v7  }
0x33: {  	v47 =	vand.u32 $0x7FFFFFFF, v8;
	v11 =	vadd.f32 $1.000000010e-07, v11;
	v9 =	vadd.f32 $1.000000010e-07, v9  }
0x34: {  	v10 =	vadd.f32 $1.000000010e-07, v10;
	v12 =	vadd.f32 $1.000000010e-07, v47  }
0x35: {  	vm11 =	vge.f32 v11, v9  }
0x36: {  	vm12 =	vge.f32 v10, v9;
	vm13 =	vge.f32 v10, v12;
	vm14 =	vge.f32 v10, v11  }
0x37: {  	vm15 =	vge.f32 v12, v11;
	v10 =	vsel vm13, $0x1, v4;
	v11 =	vsel vm14, $0x1, v4  }
0x38: {  	vm7 =	vge.f32 v12, v9;
	v9 =	vsel vm12, $0x1, v4;
	v48 =	vadd.s32 v10, v11  }
0x39: {  	v49 =	vsel vm15, $0x1, v4;
	v50 =	vsel vm7, $0x1, v4;
	v9 =	vadd.s32 v9, v48  }
0x3a: {  	v51 =	vsel vm11, $0x1, v4;
	v14 =	vadd.s32 v49, v50;
	vm8 =	vgt.u32 v9, $0x1  }
0x3b: {  	vm9 =	vgt.u32 v14, v10;
	v9 =	vadd.s32 v49, v11;
	v6 =	vnsel vm8, $0x0, v6  }
0x3c: {  	v8 =	vnsel vm9, $0x0, v8;
	vm10 =	vle.u32 v9, v51;
	vm0 =	vmxor vm8, vm9;
	[tilespmem:v0+s20+$0xA240] =	vst.idx.msk $0xffff, v6  }
0x3d: {  	v6 =	vnsel vm10, $0x0, v7;
	vm0 =	vmxor vm10, vm0;
	[tilespmem:v1+s20+$0xA240] =	vst.idx.msk $0xffff, v8  }
0x3e: {  	v5 =	vnsel vm0, $0x0, v5;
	[tilespmem:v2+s20+$0xA240] =	vst.idx.msk $0xffff, v6  }
0x3f: {  	[tilespmem:v3+s20+$0xA240] =	vst.idx.msk $0xffff, v5  }
0x40: {  	v5 =	vld.idx.msk [tilespmem:v3+s20+$0x80], $0xffff  }
0x41: {  	v6 =	vld.idx.msk [tilespmem:v0+s20+$0x80], $0xffff  }
0x42: {  	v7 =	vld.idx.msk [tilespmem:v1+s20+$0x80], $0xffff  }
0x43: {  	v8 =	vld.idx.msk [tilespmem:v2+s20+$0x80], $0xffff;
	_ =	sdelay $0x3  }
0x44: {  	v9 =	vand.u32 $0x7FFFFFFF, v6;
	v10 =	vand.u32 $0x7FFFFFFF, v5;
	v11 =	vand.u32 $0x7FFFFFFF, v7  }
0x45: {  	v52 =	vand.u32 $0x7FFFFFFF, v8;
	v10 =	vadd.f32 $1.000000010e-07, v10;
	v9 =	vadd.f32 $1.000000010e-07, v9  }
0x46: {  	v11 =	vadd.f32 $1.000000010e-07, v11;
	v12 =	vadd.f32 $1.000000010e-07, v52  }
0x47: {  	vm11 =	vge.f32 v9, v10  }
0x48: {  	vm12 =	vge.f32 v11, v12;
	vm13 =	vge.f32 v9, v11;
	vm14 =	vge.f32 v9, v12  }
0x49: {  	vm15 =	vge.f32 v12, v10;
	v9 =	vsel vm13, $0x1, v4;
	v53 =	vsel vm14, $0x1, v4  }
0x4a: {  	vm7 =	vge.f32 v11, v10;
	v10 =	vsel vm11, $0x1, v4;
	v11 =	vadd.s32 v9, v53  }
0x4b: {  	v54 =	vsel vm12, $0x1, v4;
	v55 =	vsel vm7, $0x1, v4;
	v10 =	vadd.s32 v10, v11  }
0x4c: {  	v14 =	vadd.s32 v54, v55;
	v11 =	vsel vm15, $0x1, v4;
	vm8 =	vgt.u32 v10, $0x1  }
0x4d: {  	vm9 =	vgt.u32 v14, v9;
	v9 =	vadd.s32 v54, v53;
	v6 =	vnsel vm8, $0x0, v6  }
0x4e: {  	vm10 =	vle.u32 v9, v11;
	v7 =	vnsel vm9, $0x0, v7;
	vm0 =	vmxor vm8, vm9;
	[tilespmem:v0+s20+$0xA280] =	vst.idx.msk $0xffff, v6  }
0x4f: {  	vm0 =	vmxor vm10, vm0;
	v6 =	vnsel vm10, $0x0, v8;
	[tilespmem:v1+s20+$0xA280] =	vst.idx.msk $0xffff, v7  }
0x50: {  	s21 =	simm.s32 $0x240;
	v5 =	vnsel vm0, $0x0, v5;
	[tilespmem:v2+s20+$0xA280] =	vst.idx.msk $0xffff, v6  }
0x51: {  	v10 =	vld.idx.msk [tilespmem:v0+s21+$0x0], $0xffff;
	[tilespmem:v3+s20+$0xA280] =	vst.idx.msk $0xffff, v5  }
0x52: {  	v5 =	vld.idx.msk [tilespmem:v3+s20+$0xC0], $0xffff  }
0x53: {  	v7 =	vld.idx.msk [tilespmem:v0+s20+$0xC0], $0xffff  }
0x54: {  	v8 =	vld.idx.msk [tilespmem:v2+s20+$0xC0], $0xffff  }
0x55: {  	v9 =	vld.idx.msk [tilespmem:v1+s20+$0xC0], $0xffff  }
0x56: {  	v11 =	vld.idx.msk [tilespmem:v1+s21+$0x0], $0xffff  }
0x57: {  	v6 =	vld.idx.msk [tilespmem:v3+s21+$0x0], $0xffff;
	_ =	sdelay $0x1  }
0x58: {  	v56 =	vand.u32 $0x7FFFFFFF, v5;
	v57 =	vand.u32 $0x7FFFFFFF, v7;
	v58 =	vand.u32 $0x7FFFFFFF, v8  }
0x59: {  	v15 =	vand.u32 $0x7FFFFFFF, v9;
	v14 =	vadd.f32 $1.000000010e-07, v58;
	v12 =	vadd.f32 $1.000000010e-07, v56  }
0x5a: {  	v13 =	vadd.f32 $1.000000010e-07, v57;
	v15 =	vadd.f32 $1.000000010e-07, v15  }
0x5b: {  	v17 =	vand.u32 $0x7FFFFFFF, v10;
	v18 =	vand.u32 $0x7FFFFFFF, v11;
	v16 =	vand.u32 $0x7FFFFFFF, v6  }
0x5c: {  	vm11 =	vge.f32 v14, v12;
	vm12 =	vge.f32 v13, v15;
	vm13 =	vge.f32 v13, v14  }
0x5d: {  	vm14 =	vge.f32 v13, v12;
	vm15 =	vge.f32 v15, v14;
	vm7 =	vge.f32 v15, v12  }
0x5e: {  	v60 =	vld.idx.msk [tilespmem:v2+s21+$0x0], $0xffff;
	v59 =	vsel vm12, $0x1, v4;
	v19 =	vsel vm13, $0x1, v4;
	v61 =	vsel vm14, $0x1, v4  }
0x5f: {  	v20 =	vsel vm15, $0x1, v4;
	v21 =	vsel vm7, $0x1, v4;
	v62 =	vadd.s32 v59, v19  }
0x60: {  	v63 =	vsel vm11, $0x1, v4;
	v21 =	vadd.s32 v20, v21;
	v12 =	vadd.s32 v61, v62  }
0x61: {  	v19 =	vadd.s32 v20, v19;
	vm9 =	vgt.u32 v21, v59;
	vm8 =	vgt.u32 v12, $0x1  }
0x62: {  	vm10 =	vle.u32 v19, v63;
	v7 =	vnsel vm8, $0x0, v7;
	vm0 =	vmxor vm8, vm9  }
0x63: {  	[tilespmem:v0+s20+$0xA2C0] =	vst.idx.msk $0xffff, v7;
	v7 =	vnsel vm9, $0x0, v9;
	v9 =	vand.u32 $0x7FFFFFFF, v60;
	vm0 =	vmxor vm10, vm0  }
0x64: {  	[tilespmem:v1+s20+$0xA2C0] =	vst.idx.msk $0xffff, v7;
	v7 =	vnsel vm10, $0x0, v8;
	v8 =	vadd.f32 $1.000000010e-07, v9;
	v9 =	vadd.f32 $1.000000010e-07, v16  }
0x65: {  	v20 =	vadd.f32 $1.000000010e-07, v18;
	v5 =	vnsel vm0, $0x0, v5;
	[tilespmem:v2+s20+$0xA2C0] =	vst.idx.msk $0xffff, v7;
	v7 =	vadd.f32 $1.000000010e-07, v17  }
0x66: {  	[tilespmem:v3+s20+$0xA2C0] =	vst.idx.msk $0xffff, v5;
	vm11 =	vge.f32 v8, v9  }
0x67: {  	vm13 =	vge.f32 v20, v8;
	vm14 =	vge.f32 v20, v9;
	v5 =	vld.idx.msk [tilespmem:v3+s20+$0x100], $0xffff;
	vm12 =	vge.f32 v7, v9  }
0x68: {  	v9 =	vld.idx.msk [tilespmem:v0+s20+$0x100], $0xffff;
	vm15 =	vge.f32 v7, v20;
	vm5 =	vge.f32 v7, v8;
	v7 =	vsel vm11, $0x1, v4  }
0x69: {  	v8 =	vld.idx.msk [tilespmem:v2+s20+$0x100], $0xffff;
	v24 =	vsel vm13, $0x1, v4;
	v12 =	vsel vm15, $0x1, v4;
	v21 =	vsel vm5, $0x1, v4  }
0x6a: {  	v23 =	vld.idx.msk [tilespmem:v1+s20+$0x100], $0xffff;
	v25 =	vsel vm14, $0x1, v4;
	v22 =	vsel vm12, $0x1, v4;
	v26 =	vadd.s32 v12, v21  }
0x6b: {  	v18 =	vadd.s32 v24, v25;
	v13 =	vadd.s32 v24, v21;
	v15 =	vadd.s32 v22, v26  }
0x6c: {  	vm7 =	vgt.u32 v18, v12;
	vm8 =	vle.u32 v13, v7;
	vm6 =	vgt.u32 v15, $0x1  }
0x6d: {  	v7 =	vnsel vm7, $0x0, v11;
	v11 =	vnsel vm8, $0x0, v60;
	vm9 =	vmxor vm6, vm7  }
0x6e: {  	v27 =	vand.u32 $0x7FFFFFFF, v9;
	v28 =	vand.u32 $0x7FFFFFFF, v8;
	v29 =	vand.u32 $0x7FFFFFFF, v5  }
0x6f: {  	v30 =	vand.u32 $0x7FFFFFFF, v23;
	v13 =	vadd.f32 $1.000000010e-07, v28;
	v14 =	vadd.f32 $1.000000010e-07, v29  }
0x70: {  	vm10 =	vmxor vm8, vm9;
	v12 =	vadd.f32 $1.000000010e-07, v27;
	v15 =	vadd.f32 $1.000000010e-07, v30  }
0x71: {  	v10 =	vnsel vm6, $0x0, v10;
	v6 =	vnsel vm10, $0x0, v6;
	vm11 =	vge.f32 v13, v14  }
0x72: {  	vm12 =	vge.f32 v12, v15;
	vm13 =	vge.f32 v12, v13;
	vm14 =	vge.f32 v12, v14  }
0x73: {  	vm15 =	vge.f32 v15, v13;
	v31 =	vsel vm12, $0x1, v4;
	v32 =	vsel vm13, $0x1, v4  }
0x74: {  	[tilespmem:v0+s21+$0xA200] =	vst.idx.msk $0xffff, v10;
	vm7 =	vge.f32 v15, v14;
	v10 =	vsel vm14, $0x1, v4;
	v33 =	vadd.s32 v31, v32  }
0x75: {  	[tilespmem:v1+s21+$0xA200] =	vst.idx.msk $0xffff, v7;
	v7 =	vsel vm15, $0x1, v4;
	v15 =	vsel vm7, $0x1, v4;
	v10 =	vadd.s32 v10, v33  }
0x76: {  	[tilespmem:v2+s21+$0xA200] =	vst.idx.msk $0xffff, v11;
	v11 =	vsel vm11, $0x1, v4;
	vm8 =	vgt.u32 v10, $0x1;
	v10 =	vadd.s32 v7, v15  }
0x77: {  	[tilespmem:v3+s21+$0xA200] =	vst.idx.msk $0xffff, v6;
	v6 =	vadd.s32 v7, v32;
	vm9 =	vgt.u32 v10, v31;
	v7 =	vnsel vm8, $0x0, v9  }
0x78: {  	vm10 =	vle.u32 v6, v11;
	vm0 =	vmxor vm8, vm9;
	[tilespmem:v0+s20+$0xA300] =	vst.idx.msk $0xffff, v7;
	v6 =	vnsel vm9, $0x0, v23  }
0x79: {  	vm0 =	vmxor vm10, vm0;
	[tilespmem:v1+s20+$0xA300] =	vst.idx.msk $0xffff, v6;
	v6 =	vnsel vm10, $0x0, v8  }
0x7a: {  	[tilespmem:v2+s20+$0xA300] =	vst.idx.msk $0xffff, v6;
	v5 =	vnsel vm0, $0x0, v5  }
0x7b: {  	v11 =	vld.idx.msk [tilespmem:v1+s21+$0x40], $0xffff;
	[tilespmem:v3+s20+$0xA300] =	vst.idx.msk $0xffff, v5  }
0x7c: {  	v5 =	vld.idx.msk [tilespmem:v3+s20+$0x140], $0xffff  }
0x7d: {  	v7 =	vld.idx.msk [tilespmem:v0+s20+$0x140], $0xffff  }
0x7e: {  	v8 =	vld.idx.msk [tilespmem:v2+s20+$0x140], $0xffff  }
0x7f: {  	v9 =	vld.idx.msk [tilespmem:v1+s20+$0x140], $0xffff  }
0x80: {  	v10 =	vld.idx.msk [tilespmem:v0+s21+$0x40], $0xffff  }
0x81: {  	v6 =	vld.idx.msk [tilespmem:v3+s21+$0x40], $0xffff;
	_ =	sdelay $0x1  }
0x82: {  	v34 =	vand.u32 $0x7FFFFFFF, v7;
	v35 =	vand.u32 $0x7FFFFFFF, v8;
	v36 =	vand.u32 $0x7FFFFFFF, v5  }
0x83: {  	v37 =	vand.u32 $0x7FFFFFFF, v9;
	v13 =	vadd.f32 $1.000000010e-07, v35;
	v14 =	vadd.f32 $1.000000010e-07, v36  }
0x84: {  	v12 =	vadd.f32 $1.000000010e-07, v34;
	v15 =	vadd.f32 $1.000000010e-07, v37  }
0x85: {  	v40 =	vand.u32 $0x7FFFFFFF, v11;
	v39 =	vand.u32 $0x7FFFFFFF, v10;
	v38 =	vand.u32 $0x7FFFFFFF, v6  }
0x86: {  	vm11 =	vge.f32 v13, v14;
	vm12 =	vge.f32 v12, v15;
	vm13 =	vge.f32 v12, v13  }
0x87: {  	vm14 =	vge.f32 v12, v14;
	vm15 =	vge.f32 v15, v13;
	vm8 =	vge.f32 v15, v14  }
0x88: {  	v42 =	vld.idx.msk [tilespmem:v2+s21+$0x40], $0xffff;
	v41 =	vsel vm12, $0x1, v4;
	v43 =	vsel vm13, $0x1, v4;
	v44 =	vsel vm14, $0x1, v4  }
0x89: {  	v46 =	vsel vm15, $0x1, v4;
	v47 =	vsel vm8, $0x1, v4;
	v45 =	vadd.s32 v41, v43  }
0x8a: {  	v48 =	vsel vm11, $0x1, v4;
	v21 =	vadd.s32 v46, v47;
	v14 =	vadd.s32 v44, v45  }
0x8b: {  	v49 =	vadd.s32 v46, v43;
	vm10 =	vgt.u32 v21, v41;
	vm9 =	vgt.u32 v14, $0x1  }
0x8c: {  	vm11 =	vle.u32 v49, v48;
	v7 =	vnsel vm9, $0x0, v7;
	vm0 =	vmxor vm9, vm10  }
0x8d: {  	[tilespmem:v0+s20+$0xA340] =	vst.idx.msk $0xffff, v7;
	v7 =	vnsel vm10, $0x0, v9;
	v9 =	vand.u32 $0x7FFFFFFF, v42;
	vm0 =	vmxor vm11, vm0  }
0x8e: {  	[tilespmem:v1+s20+$0xA340] =	vst.idx.msk $0xffff, v7;
	v7 =	vnsel vm11, $0x0, v8;
	v8 =	vadd.f32 $1.000000010e-07, v9;
	v9 =	vadd.f32 $1.000000010e-07, v38  }
0x8f: {  	v50 =	vadd.f32 $1.000000010e-07, v40;
	v5 =	vnsel vm0, $0x0, v5;
	[tilespmem:v2+s20+$0xA340] =	vst.idx.msk $0xffff, v7;
	v7 =	vadd.f32 $1.000000010e-07, v39  }
0x90: {  	[tilespmem:v3+s20+$0xA340] =	vst.idx.msk $0xffff, v5;
	vm12 =	vge.f32 v8, v9  }
0x91: {  	vm14 =	vge.f32 v50, v8;
	vm15 =	vge.f32 v50, v9;
	v5 =	vld.idx.msk [tilespmem:v3+s20+$0x180], $0xffff;
	vm13 =	vge.f32 v7, v9  }
0x92: {  	v9 =	vld.idx.msk [tilespmem:v0+s20+$0x180], $0xffff;
	vm8 =	vge.f32 v7, v50;
	vm9 =	vge.f32 v7, v8;
	v7 =	vsel vm12, $0x1, v4  }
0x93: {  	v8 =	vld.idx.msk [tilespmem:v2+s20+$0x180], $0xffff;
	v54 =	vsel vm14, $0x1, v4;
	v12 =	vsel vm8, $0x1, v4;
	v51 =	vsel vm9, $0x1, v4  }
0x94: {  	v53 =	vld.idx.msk [tilespmem:v1+s20+$0x180], $0xffff;
	v55 =	vsel vm15, $0x1, v4;
	v52 =	vsel vm13, $0x1, v4;
	v56 =	vadd.s32 v12, v51  }
0x95: {  	v18 =	vadd.s32 v54, v55;
	v14 =	vadd.s32 v54, v51;
	v15 =	vadd.s32 v52, v56  }
0x96: {  	vm11 =	vgt.u32 v18, v12;
	vm12 =	vle.u32 v14, v7;
	vm10 =	vgt.u32 v15, $0x1  }
0x97: {  	v7 =	vnsel vm11, $0x0, v11;
	v11 =	vnsel vm12, $0x0, v42;
	vm13 =	vmxor vm10, vm11  }
0x98: {  	v57 =	vand.u32 $0x7FFFFFFF, v9;
	v58 =	vand.u32 $0x7FFFFFFF, v8;
	v59 =	vand.u32 $0x7FFFFFFF, v5  }
0x99: {  	v60 =	vand.u32 $0x7FFFFFFF, v53;
	v13 =	vadd.f32 $1.000000010e-07, v58;
	v14 =	vadd.f32 $1.000000010e-07, v59  }
0x9a: {  	vm14 =	vmxor vm12, vm13;
	v12 =	vadd.f32 $1.000000010e-07, v57;
	v15 =	vadd.f32 $1.000000010e-07, v60  }
0x9b: {  	v10 =	vnsel vm10, $0x0, v10;
	v6 =	vnsel vm14, $0x0, v6;
	vm15 =	vge.f32 v13, v14  }
0x9c: {  	vm8 =	vge.f32 v12, v15;
	vm9 =	vge.f32 v12, v13;
	vm10 =	vge.f32 v12, v14  }
0x9d: {  	vm11 =	vge.f32 v15, v13;
	v61 =	vsel vm8, $0x1, v4;
	v62 =	vsel vm9, $0x1, v4  }
0x9e: {  	[tilespmem:v0+s21+$0xA240] =	vst.idx.msk $0xffff, v10;
	vm12 =	vge.f32 v15, v14;
	v10 =	vsel vm10, $0x1, v4;
	v63 =	vadd.s32 v61, v62  }
0x9f: {  	[tilespmem:v1+s21+$0xA240] =	vst.idx.msk $0xffff, v7;
	v7 =	vsel vm11, $0x1, v4;
	v15 =	vsel vm12, $0x1, v4;
	v10 =	vadd.s32 v10, v63  }
0xa0: {  	[tilespmem:v2+s21+$0xA240] =	vst.idx.msk $0xffff, v11;
	v11 =	vsel vm15, $0x1, v4;
	vm13 =	vgt.u32 v10, $0x1;
	v10 =	vadd.s32 v7, v15  }
0xa1: {  	[tilespmem:v3+s21+$0xA240] =	vst.idx.msk $0xffff, v6;
	v6 =	vadd.s32 v7, v62;
	vm14 =	vgt.u32 v10, v61;
	v7 =	vnsel vm13, $0x0, v9  }
0xa2: {  	vm15 =	vle.u32 v6, v11;
	vm0 =	vmxor vm13, vm14;
	[tilespmem:v0+s20+$0xA380] =	vst.idx.msk $0xffff, v7;
	v6 =	vnsel vm14, $0x0, v53  }
0xa3: {  	vm0 =	vmxor vm15, vm0;
	[tilespmem:v1+s20+$0xA380] =	vst.idx.msk $0xffff, v6;
	v6 =	vnsel vm15, $0x0, v8  }
0xa4: {  	v9 =	vld.idx.msk [tilespmem:v3+s21+$0x80], $0xffff;
	[tilespmem:v2+s20+$0xA380] =	vst.idx.msk $0xffff, v6;
	v5 =	vnsel vm0, $0x0, v5  }
0xa5: {  	v10 =	vld.idx.msk [tilespmem:v0+s21+$0x80], $0xffff;
	[tilespmem:v3+s20+$0xA380] =	vst.idx.msk $0xffff, v5  }
0xa6: {  	v5 =	vld.idx.msk [tilespmem:v3+s20+$0x1C0], $0xffff  }
0xa7: {  	s19 =	smul.u32 $0xA200, s18;
	v7 =	vld.idx.msk [tilespmem:v0+s20+$0x1C0], $0xffff  }
0xa8: {  	v6 =	vld.idx.msk [tilespmem:v2+s20+$0x1C0], $0xffff  }
0xa9: {  	s23 =	simm.s32 $0x1200;
	s22 =	sadd.s32 s5, s19;
	v8 =	vld.idx.msk [tilespmem:v1+s20+$0x1C0], $0xffff  }
.LBB2_3:
0xaa: {  	p1 =	sne.s32 s23, $0x13B00;
	v11 =	vld.idx.msk [tilespmem:v1+s21+$0x80], $0xffff  }
0xab: {  	v12 =	vld.idx.msk [tilespmem:v2+s21+$0x80], $0xffff;
	_ =	sdelay $0x1  }
0xac: {  	v13 =	vand.u32 $0x7FFFFFFF, v10;
	v14 =	vand.u32 $0x7FFFFFFF, v9  }
0xad: {  	v17 =	vand.u32 $0x7FFFFFFF, v5;
	v15 =	vand.u32 $0x7FFFFFFF, v7;
	v16 =	vand.u32 $0x7FFFFFFF, v6  }
0xae: {  	v17 =	vadd.f32 $1.000000010e-07, v17;
	v18 =	vand.u32 $0x7FFFFFFF, v8;
	v16 =	vadd.f32 $1.000000010e-07, v16  }
0xaf: {  	v15 =	vadd.f32 $1.000000010e-07, v15;
	v19 =	vand.u32 $0x7FFFFFFF, v11;
	v18 =	vadd.f32 $1.000000010e-07, v18  }
0xb0: {  	v14 =	vadd.f32 $1.000000010e-07, v14;
	v20 =	vand.u32 $0x7FFFFFFF, v12;
	vm0 =	vge.f32 v16, v17  }
0xb1: {  	vm3 =	vge.f32 v15, v17;
	vm2 =	vge.f32 v15, v16;
	vm1 =	vge.f32 v15, v18  }
0xb2: {  	vm4 =	vge.f32 v18, v16;
	v16 =	vsel vm2, $0x1, v4;
	v15 =	vsel vm1, $0x1, v4  }
0xb3: {  	vm1 =	vge.f32 v18, v17;
	v17 =	vsel vm3, $0x1, v4;
	v18 =	vadd.s32 v15, v16  }
0xb4: {  	v21 =	vsel vm4, $0x1, v4;
	v22 =	vsel vm1, $0x1, v4;
	v17 =	vadd.s32 v17, v18  }
0xb5: {  	v18 =	vsel vm0, $0x1, v4;
	vm0 =	vgt.u32 v17, $0x1;
	v17 =	vadd.s32 v21, v22  }
0xb6: {  	vm1 =	vgt.u32 v17, v15;
	v15 =	vadd.s32 v21, v16;
	v7 =	vnsel vm0, $0x0, v7  }
0xb7: {  	vm2 =	vle.u32 v15, v18;
	vm0 =	vmxor vm0, vm1;
	[tilespmem:v0+s20+$0xA3C0] =	vst.idx.msk $0xffff, v7;
	v7 =	vnsel vm1, $0x0, v8  }
0xb8: {  	v8 =	vadd.f32 $1.000000010e-07, v13;
	vm0 =	vmxor vm2, vm0;
	v6 =	vnsel vm2, $0x0, v6;
	[tilespmem:v1+s20+$0xA3C0] =	vst.idx.msk $0xffff, v7  }
0xb9: {  	v13 =	vadd.f32 $1.000000010e-07, v20;
	v7 =	vadd.f32 $1.000000010e-07, v19;
	v5 =	vnsel vm0, $0x0, v5;
	[tilespmem:v2+s20+$0xA3C0] =	vst.idx.msk $0xffff, v6  }
0xba: {  	[tilespmem:v3+s20+$0xA3C0] =	vst.idx.msk $0xffff, v5  }
0xbb: {  	vm0 =	vge.f32 v8, v14;
	vm2 =	vge.f32 v13, v14;
	vm1 =	vge.f32 v7, v13;
	v15 =	vld.idx.msk [tilespmem:v3+s20+$0x200], $0xffff  }
0xbc: {  	vm4 =	vge.f32 v8, v13;
	vm3 =	vge.f32 v8, v7;
	vm5 =	vge.f32 v7, v14;
	v7 =	vld.idx.msk [tilespmem:v0+s20+$0x200], $0xffff  }
0xbd: {  	v6 =	vsel vm4, $0x1, v4;
	v8 =	vsel vm0, $0x1, v4;
	v5 =	vsel vm3, $0x1, v4;
	v13 =	vld.idx.msk [tilespmem:v2+s20+$0x200], $0xffff  }
0xbe: {  	v14 =	vsel vm1, $0x1, v4;
	v16 =	vsel vm5, $0x1, v4;
	v17 =	vadd.s32 v5, v6;
	v18 =	vld.idx.msk [tilespmem:v1+s20+$0x200], $0xffff  }
0xbf: {  	v19 =	vsel vm2, $0x1, v4;
	v16 =	vadd.s32 v14, v16;
	v8 =	vadd.s32 v8, v17  }
0xc0: {  	vm1 =	vgt.u32 v16, v5;
	v5 =	vadd.s32 v14, v6;
	vm0 =	vgt.u32 v8, $0x1  }
0xc1: {  	vm2 =	vle.u32 v5, v19;
	v5 =	vnsel vm1, $0x0, v11;
	vm3 =	vmxor vm0, vm1  }
0xc2: {  	v6 =	vnsel vm0, $0x0, v10;
	v8 =	vnsel vm2, $0x0, v12;
	vm1 =	vmxor vm2, vm3  }
0xc3: {  	v11 =	vand.u32 $0x7FFFFFFF, v15;
	v10 =	vand.u32 $0x7FFFFFFF, v13;
	[tilespmem:v0+s21+$0xA280] =	vst.idx.msk $0xffff, v6;
	v6 =	vand.u32 $0x7FFFFFFF, v7  }
0xc4: {  	v11 =	vadd.f32 $1.000000010e-07, v11;
	v10 =	vadd.f32 $1.000000010e-07, v10;
	[tilespmem:v1+s21+$0xA280] =	vst.idx.msk $0xffff, v5;
	v5 =	vand.u32 $0x7FFFFFFF, v18  }
0xc5: {  	s24 =	sshra.s32 s23, $0x2;
	v6 =	vadd.f32 $1.000000010e-07, v6;
	[tilespmem:v2+s21+$0xA280] =	vst.idx.msk $0xffff, v8;
	v8 =	vnsel vm1, $0x0, v9;
	v9 =	vadd.f32 $1.000000010e-07, v5  }
0xc6: {  	vm0 =	vge.f32 v10, v11;
	v5 =	vld.idx.msk [tilespmem:v3+s24+$0x0], $0xffff;
	[tilespmem:v3+s21+$0xA280] =	vst.idx.msk $0xffff, v8  }
0xc7: {  	vm2 =	vge.f32 v6, v10;
	vm3 =	vge.f32 v6, v11;
	v8 =	vld.idx.msk [tilespmem:v3+s21+$0xC0], $0xffff;
	vm1 =	vge.f32 v6, v9  }
0xc8: {  	vm4 =	vge.f32 v9, v10;
	v14 =	vsel vm2, $0x1, v4;
	v12 =	vld.idx.msk [tilespmem:v0+s21+$0xC0], $0xffff;
	v10 =	vsel vm1, $0x1, v4  }
0xc9: {  	v6 =	vsel vm3, $0x1, v4;
	vm1 =	vge.f32 v9, v11;
	v16 =	vld.idx.msk [tilespmem:v2+s21+$0xC0], $0xffff;
	v9 =	vadd.s32 v10, v14  }
0xca: {  	v17 =	vsel vm4, $0x1, v4;
	v19 =	vsel vm1, $0x1, v4;
	v11 =	vld.idx.msk [tilespmem:v1+s21+$0xC0], $0xffff;
	v9 =	vadd.s32 v6, v9  }
0xcb: {  	v20 =	vsel vm0, $0x1, v4;
	v6 =	vld.idx.msk [tilespmem:v0+s24+$0x0], $0xffff;
	vm0 =	vgt.u32 v9, $0x1;
	v9 =	vadd.s32 v17, v19  }
0xcc: {  	v19 =	vld.idx.msk [tilespmem:v1+s24+$0x0], $0xffff;
	vm1 =	vgt.u32 v9, v10;
	v9 =	vadd.s32 v17, v14;
	v7 =	vnsel vm0, $0x0, v7  }
0xcd: {  	vm2 =	vle.u32 v9, v20;
	vm0 =	vmxor vm0, vm1;
	[tilespmem:v0+s20+$0xA400] =	vst.idx.msk $0xffff, v7;
	v7 =	vnsel vm1, $0x0, v18  }
0xce: {  	v9 =	vand.u32 $0x7FFFFFFF, v8;
	vm0 =	vmxor vm2, vm0;
	[tilespmem:v1+s20+$0xA400] =	vst.idx.msk $0xffff, v7;
	v7 =	vnsel vm2, $0x0, v13  }
0xcf: {  	v10 =	vand.u32 $0x7FFFFFFF, v12;
	v13 =	vand.u32 $0x7FFFFFFF, v16;
	[tilespmem:v2+s20+$0xA400] =	vst.idx.msk $0xffff, v7;
	v7 =	vnsel vm0, $0x0, v15  }
0xd0: {  	v9 =	vadd.f32 $1.000000010e-07, v9;
	v14 =	vand.u32 $0x7FFFFFFF, v11;
	v13 =	vadd.f32 $1.000000010e-07, v13;
	[tilespmem:v3+s20+$0xA400] =	vst.idx.msk $0xffff, v7;
	s20 =	smov.u32 s21;
	s21 =	smov.u32 s24  }
0xd1: {  	v10 =	vadd.f32 $1.000000010e-07, v10;
	v7 =	vand.u32 $0x7FFFFFFF, v5;
	v14 =	vadd.f32 $1.000000010e-07, v14  }
0xd2: {  	v15 =	vand.u32 $0x7FFFFFFF, v6;
	v17 =	vand.u32 $0x7FFFFFFF, v19;
	vm0 =	vge.f32 v13, v9  }
0xd3: {  	vm3 =	vge.f32 v10, v9;
	vm2 =	vge.f32 v10, v13;
	vm1 =	vge.f32 v10, v14  }
0xd4: {  	vm4 =	vge.f32 v14, v13;
	v18 =	vsel vm2, $0x1, v4;
	v13 =	vsel vm1, $0x1, v4;
	v10 =	vld.idx.msk [tilespmem:v2+s21+$0x0], $0xffff  }
0xd5: {  	vm1 =	vge.f32 v14, v9;
	v9 =	vsel vm3, $0x1, v4;
	v14 =	vadd.s32 v13, v18  }
0xd6: {  	v20 =	vsel vm4, $0x1, v4;
	v21 =	vsel vm1, $0x1, v4;
	v9 =	vadd.s32 v9, v14  }
0xd7: {  	v14 =	vsel vm0, $0x1, v4;
	vm0 =	vgt.u32 v9, $0x1;
	v9 =	vadd.s32 v20, v21  }
0xd8: {  	vm1 =	vgt.u32 v9, v13;
	v9 =	vadd.s32 v20, v18;
	v12 =	vnsel vm0, $0x0, v12  }
0xd9: {  	vm2 =	vle.u32 v9, v14;
	vm0 =	vmxor vm0, vm1;
	v9 =	vnsel vm1, $0x0, v11;
	[tilespmem:v0+s20+$0xA2C0] =	vst.idx.msk $0xffff, v12  }
0xda: {  	v11 =	vand.u32 $0x7FFFFFFF, v10;
	vm0 =	vmxor vm2, vm0;
	[tilespmem:v1+s20+$0xA2C0] =	vst.idx.msk $0xffff, v9;
	v9 =	vnsel vm2, $0x0, v16  }
0xdb: {  	v7 =	vadd.f32 $1.000000010e-07, v7;
	v11 =	vadd.f32 $1.000000010e-07, v11;
	v8 =	vnsel vm0, $0x0, v8;
	[tilespmem:v2+s20+$0xA2C0] =	vst.idx.msk $0xffff, v9  }
0xdc: {  	v12 =	vadd.f32 $1.000000010e-07, v17;
	v9 =	vadd.f32 $1.000000010e-07, v15;
	[tilespmem:v3+s20+$0xA2C0] =	vst.idx.msk $0xffff, v8  }
0xdd: {  	vm0 =	vge.f32 v11, v7;
	v8 =	vld.idx.msk [tilespmem:v3+s20+$0x100], $0xffff  }
0xde: {  	vm3 =	vge.f32 v12, v7;
	vm2 =	vge.f32 v12, v11;
	vm1 =	vge.f32 v9, v7;
	v7 =	vld.idx.msk [tilespmem:v0+s20+$0x100], $0xffff  }
0xdf: {  	vm4 =	vge.f32 v9, v12;
	vm5 =	vge.f32 v9, v11;
	v9 =	vsel vm0, $0x1, v4;
	v11 =	vld.idx.msk [tilespmem:v2+s20+$0x100], $0xffff  }
0xe0: {  	v12 =	vsel vm4, $0x1, v4;
	v13 =	vsel vm5, $0x1, v4;
	v14 =	vsel vm1, $0x1, v4;
	v15 =	vld.idx.msk [tilespmem:v1+s20+$0x100], $0xffff  }
0xe1: {  	v17 =	vsel vm3, $0x1, v4;
	v16 =	vsel vm2, $0x1, v4;
	v18 =	vadd.s32 v12, v13  }
0xe2: {  	v17 =	vadd.s32 v16, v17;
	v13 =	vadd.s32 v16, v13;
	v14 =	vadd.s32 v14, v18  }
0xe3: {  	vm1 =	vgt.u32 v17, v12;
	vm2 =	vle.u32 v13, v9;
	vm0 =	vgt.u32 v14, $0x1  }
0xe4: {  	v9 =	vnsel vm1, $0x0, v19;
	v10 =	vnsel vm2, $0x0, v10;
	vm3 =	vmxor vm0, vm1  }
0xe5: {  	v14 =	vand.u32 $0x7FFFFFFF, v8;
	v12 =	vand.u32 $0x7FFFFFFF, v7;
	v13 =	vand.u32 $0x7FFFFFFF, v11  }
0xe6: {  	v14 =	vadd.f32 $1.000000010e-07, v14;
	v16 =	vand.u32 $0x7FFFFFFF, v15;
	v13 =	vadd.f32 $1.000000010e-07, v13  }
0xe7: {  	vm1 =	vmxor vm2, vm3;
	v12 =	vadd.f32 $1.000000010e-07, v12;
	v16 =	vadd.f32 $1.000000010e-07, v16  }
0xe8: {  	v6 =	vnsel vm0, $0x0, v6;
	v5 =	vnsel vm1, $0x0, v5;
	vm0 =	vge.f32 v13, v14  }
0xe9: {  	vm3 =	vge.f32 v12, v14;
	vm2 =	vge.f32 v12, v13;
	vm1 =	vge.f32 v12, v16  }
0xea: {  	vm4 =	vge.f32 v16, v13;
	v13 =	vsel vm2, $0x1, v4;
	v12 =	vsel vm1, $0x1, v4  }
0xeb: {  	vm1 =	vge.f32 v16, v14;
	v14 =	vadd.s32 v12, v13;
	[tilespmem:v0+s21+$0xA200] =	vst.idx.msk $0xffff, v6;
	v6 =	vsel vm3, $0x1, v4  }
0xec: {  	v16 =	vsel vm1, $0x1, v4;
	[tilespmem:v1+s21+$0xA200] =	vst.idx.msk $0xffff, v9;
	v9 =	vsel vm4, $0x1, v4;
	v6 =	vadd.s32 v6, v14  }
0xed: {  	[tilespmem:v2+s21+$0xA200] =	vst.idx.msk $0xffff, v10;
	v10 =	vsel vm0, $0x1, v4;
	vm0 =	vgt.u32 v6, $0x1;
	v6 =	vadd.s32 v9, v16  }
0xee: {  	[tilespmem:v3+s21+$0xA200] =	vst.idx.msk $0xffff, v5;
	vm1 =	vgt.u32 v6, v12;
	v5 =	vadd.s32 v9, v13;
	v6 =	vnsel vm0, $0x0, v7  }
0xef: {  	vm2 =	vle.u32 v5, v10;
	vm0 =	vmxor vm0, vm1;
	[tilespmem:v0+s20+$0xA300] =	vst.idx.msk $0xffff, v6;
	v5 =	vnsel vm1, $0x0, v15  }
0xf0: {  	vm0 =	vmxor vm2, vm0;
	[tilespmem:v1+s20+$0xA300] =	vst.idx.msk $0xffff, v5;
	v5 =	vnsel vm2, $0x0, v11  }
0xf1: {  	[tilespmem:v2+s20+$0xA300] =	vst.idx.msk $0xffff, v5;
	v5 =	vnsel vm0, $0x0, v8  }
0xf2: {  	v6 =	vld.idx.msk [tilespmem:v3+s21+$0x40], $0xffff;
	[tilespmem:v3+s20+$0xA300] =	vst.idx.msk $0xffff, v5  }
0xf3: {  	v5 =	vld.idx.msk [tilespmem:v3+s20+$0x140], $0xffff  }
0xf4: {  	v7 =	vld.idx.msk [tilespmem:v0+s20+$0x140], $0xffff  }
0xf5: {  	v8 =	vld.idx.msk [tilespmem:v2+s20+$0x140], $0xffff  }
0xf6: {  	v9 =	vld.idx.msk [tilespmem:v1+s20+$0x140], $0xffff  }
0xf7: {  	v10 =	vld.idx.msk [tilespmem:v0+s21+$0x40], $0xffff  }
0xf8: {  	v11 =	vld.idx.msk [tilespmem:v1+s21+$0x40], $0xffff;
	_ =	sdelay $0x2  }
0xf9: {  	v14 =	vand.u32 $0x7FFFFFFF, v5;
	v12 =	vand.u32 $0x7FFFFFFF, v7;
	v13 =	vand.u32 $0x7FFFFFFF, v8  }
0xfa: {  	v14 =	vadd.f32 $1.000000010e-07, v14;
	v15 =	vand.u32 $0x7FFFFFFF, v9;
	v13 =	vadd.f32 $1.000000010e-07, v13  }
0xfb: {  	v16 =	vand.u32 $0x7FFFFFFF, v6;
	v12 =	vadd.f32 $1.000000010e-07, v12;
	v15 =	vadd.f32 $1.000000010e-07, v15  }
0xfc: {  	v17 =	vand.u32 $0x7FFFFFFF, v10;
	v18 =	vand.u32 $0x7FFFFFFF, v11;
	vm0 =	vge.f32 v13, v14  }
0xfd: {  	vm3 =	vge.f32 v12, v14;
	vm2 =	vge.f32 v12, v13;
	vm1 =	vge.f32 v12, v15  }
0xfe: {  	vm4 =	vge.f32 v15, v13;
	v19 =	vsel vm2, $0x1, v4;
	v13 =	vsel vm1, $0x1, v4;
	v12 =	vld.idx.msk [tilespmem:v2+s21+$0x40], $0xffff  }
0xff: {  	vm1 =	vge.f32 v15, v14;
	v14 =	vsel vm3, $0x1, v4;
	v15 =	vadd.s32 v13, v19  }
0x100: {  	v20 =	vsel vm4, $0x1, v4;
	v21 =	vsel vm1, $0x1, v4;
	v14 =	vadd.s32 v14, v15  }
0x101: {  	v15 =	vsel vm0, $0x1, v4;
	vm0 =	vgt.u32 v14, $0x1;
	v14 =	vadd.s32 v20, v21  }
0x102: {  	vm1 =	vgt.u32 v14, v13;
	v13 =	vadd.s32 v20, v19;
	v7 =	vnsel vm0, $0x0, v7  }
0x103: {  	vm2 =	vle.u32 v13, v15;
	vm0 =	vmxor vm0, vm1;
	[tilespmem:v0+s20+$0xA340] =	vst.idx.msk $0xffff, v7;
	v7 =	vnsel vm1, $0x0, v9  }
0x104: {  	v9 =	vand.u32 $0x7FFFFFFF, v12;
	vm0 =	vmxor vm2, vm0;
	[tilespmem:v1+s20+$0xA340] =	vst.idx.msk $0xffff, v7;
	v7 =	vnsel vm2, $0x0, v8  }
0x105: {  	v8 =	vadd.f32 $1.000000010e-07, v9;
	v9 =	vadd.f32 $1.000000010e-07, v16;
	v5 =	vnsel vm0, $0x0, v5;
	[tilespmem:v2+s20+$0xA340] =	vst.idx.msk $0xffff, v7  }
0x106: {  	v13 =	vadd.f32 $1.000000010e-07, v18;
	v7 =	vadd.f32 $1.000000010e-07, v17;
	[tilespmem:v3+s20+$0xA340] =	vst.idx.msk $0xffff, v5  }
0x107: {  	vm0 =	vge.f32 v8, v9;
	v5 =	vld.idx.msk [tilespmem:v3+s20+$0x180], $0xffff  }
0x108: {  	vm2 =	vge.f32 v13, v8;
	vm3 =	vge.f32 v13, v9;
	vm1 =	vge.f32 v7, v9;
	v9 =	vld.idx.msk [tilespmem:v0+s20+$0x180], $0xffff  }
0x109: {  	vm4 =	vge.f32 v7, v13;
	vm5 =	vge.f32 v7, v8;
	v7 =	vsel vm0, $0x1, v4;
	v8 =	vld.idx.msk [tilespmem:v2+s20+$0x180], $0xffff  }
0x10a: {  	v13 =	vsel vm4, $0x1, v4;
	v14 =	vsel vm5, $0x1, v4;
	v15 =	vsel vm1, $0x1, v4;
	v16 =	vld.idx.msk [tilespmem:v1+s20+$0x180], $0xffff  }
0x10b: {  	v17 =	vsel vm2, $0x1, v4;
	v18 =	vsel vm3, $0x1, v4;
	v19 =	vadd.s32 v13, v14  }
0x10c: {  	v18 =	vadd.s32 v17, v18;
	v14 =	vadd.s32 v17, v14;
	v15 =	vadd.s32 v15, v19  }
0x10d: {  	vm1 =	vgt.u32 v18, v13;
	vm2 =	vle.u32 v14, v7;
	vm0 =	vgt.u32 v15, $0x1  }
0x10e: {  	v7 =	vnsel vm1, $0x0, v11;
	v11 =	vnsel vm2, $0x0, v12;
	vm3 =	vmxor vm0, vm1  }
0x10f: {  	v14 =	vand.u32 $0x7FFFFFFF, v5;
	v12 =	vand.u32 $0x7FFFFFFF, v9;
	v13 =	vand.u32 $0x7FFFFFFF, v8  }
0x110: {  	v14 =	vadd.f32 $1.000000010e-07, v14;
	v15 =	vand.u32 $0x7FFFFFFF, v16;
	v13 =	vadd.f32 $1.000000010e-07, v13  }
0x111: {  	vm1 =	vmxor vm2, vm3;
	v12 =	vadd.f32 $1.000000010e-07, v12;
	v15 =	vadd.f32 $1.000000010e-07, v15  }
0x112: {  	v10 =	vnsel vm0, $0x0, v10;
	v6 =	vnsel vm1, $0x0, v6;
	vm0 =	vge.f32 v13, v14  }
0x113: {  	vm3 =	vge.f32 v12, v14;
	vm2 =	vge.f32 v12, v13;
	vm1 =	vge.f32 v12, v15  }
0x114: {  	vm4 =	vge.f32 v15, v13;
	v13 =	vsel vm2, $0x1, v4;
	v12 =	vsel vm1, $0x1, v4  }
0x115: {  	vm1 =	vge.f32 v15, v14;
	v14 =	vadd.s32 v12, v13;
	[tilespmem:v0+s21+$0xA240] =	vst.idx.msk $0xffff, v10;
	v10 =	vsel vm3, $0x1, v4  }
0x116: {  	v15 =	vsel vm1, $0x1, v4;
	[tilespmem:v1+s21+$0xA240] =	vst.idx.msk $0xffff, v7;
	v7 =	vsel vm4, $0x1, v4;
	v10 =	vadd.s32 v10, v14  }
0x117: {  	[tilespmem:v2+s21+$0xA240] =	vst.idx.msk $0xffff, v11;
	v11 =	vsel vm0, $0x1, v4;
	vm0 =	vgt.u32 v10, $0x1;
	v10 =	vadd.s32 v7, v15  }
0x118: {  	[tilespmem:v3+s21+$0xA240] =	vst.idx.msk $0xffff, v6;
	vm1 =	vgt.u32 v10, v12;
	v6 =	vadd.s32 v7, v13;
	v7 =	vnsel vm0, $0x0, v9  }
0x119: {  	vm2 =	vle.u32 v6, v11;
	vm0 =	vmxor vm0, vm1;
	[tilespmem:v0+s20+$0xA380] =	vst.idx.msk $0xffff, v7;
	v6 =	vnsel vm1, $0x0, v16  }
0x11a: {  	vm0 =	vmxor vm2, vm0;
	[tilespmem:v1+s20+$0xA380] =	vst.idx.msk $0xffff, v6;
	v6 =	vnsel vm2, $0x0, v8  }
0x11b: {  	v9 =	vld.idx.msk [tilespmem:v3+s21+$0x80], $0xffff;
	[tilespmem:v2+s20+$0xA380] =	vst.idx.msk $0xffff, v6;
	v5 =	vnsel vm0, $0x0, v5  }
.Ltmp2:
0x11c: {  	v10 =	vld.idx.msk [tilespmem:v0+s21+$0x80], $0xffff;
	[tilespmem:v3+s20+$0xA380] =	vst.idx.msk $0xffff, v5;
	(pc) =	sbr.rel @p1 .LBB2_3-.Ltmp2, $4  }
0x11d: {  	v5 =	vld.idx.msk [tilespmem:v3+s20+$0x1C0], $0xffff  }
0x11e: {  	v7 =	vld.idx.msk [tilespmem:v0+s20+$0x1C0], $0xffff  }
0x11f: {  	v6 =	vld.idx.msk [tilespmem:v2+s20+$0x1C0], $0xffff  }
0x120: {  	s23 =	sadd.s32 $0x900, s23;
	v8 =	vld.idx.msk [tilespmem:v1+s20+$0x1C0], $0xffff  }
0x121: {  	_ =	sdelay $0x3  }
0x122: {  	v11 =	vld.idx.msk [tilespmem:v1+s21+$0x80], $0xffff  }
0x123: {  	v12 =	vld.idx.msk [tilespmem:v2+s21+$0x80], $0xffff;
	_ =	sdelay $0x2  }
0x124: {  	v14 =	vand.u32 $0x7FFFFFFF, v9  }
0x125: {  	v13 =	vand.u32 $0x7FFFFFFF, v10;
	v14 =	vadd.f32 $1.000000010e-07, v14  }
0x126: {  	v13 =	vadd.f32 $1.000000010e-07, v13;
	v15 =	vand.u32 $0x7FFFFFFF, v11;
	v16 =	vand.u32 $0x7FFFFFFF, v12  }
0x127: {  	v15 =	vadd.f32 $1.000000010e-07, v15;
	v16 =	vadd.f32 $1.000000010e-07, v16  }
0x128: {  	vm0 =	vge.f32 v13, v14  }
0x129: {  	v29 =	vsel vm0, $0x1, v4;
	vm2 =	vge.f32 v13, v15;
	vm3 =	vge.f32 v13, v16  }
0x12a: {  	vm1 =	vge.f32 v15, v16;
	v27 =	vsel vm2, $0x1, v4;
	v28 =	vsel vm3, $0x1, v4  }
0x12b: {  	vm4 =	vge.f32 v16, v14;
	vm7 =	vge.f32 v15, v14;
	v30 =	vadd.s32 v27, v28  }
0x12c: {  	v17 =	vsel vm1, $0x1, v4;
	v18 =	vsel vm7, $0x1, v4;
	v14 =	vadd.s32 v29, v30  }
0x12d: {  	v31 =	vsel vm4, $0x1, v4;
	v18 =	vadd.s32 v17, v18;
	vm8 =	vgt.u32 v14, $0x1  }
0x12e: {  	v32 =	vadd.s32 v17, v28;
	vm9 =	vgt.u32 v18, v27;
	v10 =	vnsel vm8, $0x0, v10  }
0x12f: {  	vm10 =	vle.u32 v32, v31;
	v11 =	vnsel vm9, $0x0, v11;
	vm0 =	vmxor vm8, vm9;
	[tilespmem:v0+s21+$0xA280] =	vst.idx.msk $0xffff, v10  }
0x130: {  	vm0 =	vmxor vm10, vm0;
	v10 =	vnsel vm10, $0x0, v12;
	[tilespmem:v1+s21+$0xA280] =	vst.idx.msk $0xffff, v11  }
0x131: {  	v9 =	vnsel vm0, $0x0, v9;
	[tilespmem:v2+s21+$0xA280] =	vst.idx.msk $0xffff, v10  }
0x132: {  	[tilespmem:v3+s21+$0xA280] =	vst.idx.msk $0xffff, v9  }
0x133: {  	v9 =	vld.idx.msk [tilespmem:v3+s21+$0xC0], $0xffff  }
0x134: {  	v10 =	vld.idx.msk [tilespmem:v0+s21+$0xC0], $0xffff  }
0x135: {  	v11 =	vld.idx.msk [tilespmem:v2+s21+$0xC0], $0xffff  }
0x136: {  	v33 =	vld.idx.msk [tilespmem:v1+s21+$0xC0], $0xffff;
	_ =	sdelay $0x3  }
0x137: {  	v34 =	vand.u32 $0x7FFFFFFF, v9;
	v35 =	vand.u32 $0x7FFFFFFF, v10;
	v36 =	vand.u32 $0x7FFFFFFF, v11  }
0x138: {  	v37 =	vand.u32 $0x7FFFFFFF, v33;
	v15 =	vadd.f32 $1.000000010e-07, v36;
	v13 =	vadd.f32 $1.000000010e-07, v34  }
0x139: {  	v14 =	vadd.f32 $1.000000010e-07, v35;
	v16 =	vadd.f32 $1.000000010e-07, v37  }
0x13a: {  	vm11 =	vge.f32 v15, v13  }
0x13b: {  	vm12 =	vge.f32 v14, v16;
	vm13 =	vge.f32 v14, v15;
	vm14 =	vge.f32 v14, v13  }
0x13c: {  	vm15 =	vge.f32 v16, v15;
	v38 =	vsel vm12, $0x1, v4;
	v39 =	vsel vm13, $0x1, v4  }
0x13d: {  	vm7 =	vge.f32 v16, v13;
	v40 =	vsel vm14, $0x1, v4;
	v41 =	vadd.s32 v38, v39  }
0x13e: {  	v42 =	vsel vm15, $0x1, v4;
	v43 =	vsel vm7, $0x1, v4;
	v13 =	vadd.s32 v40, v41  }
0x13f: {  	v44 =	vsel vm11, $0x1, v4;
	v45 =	vadd.s32 v42, v43;
	vm8 =	vgt.u32 v13, $0x1  }
0x140: {  	v46 =	vadd.s32 v42, v39;
	vm9 =	vgt.u32 v45, v38;
	v10 =	vnsel vm8, $0x0, v10  }
0x141: {  	vm10 =	vle.u32 v46, v44;
	vm0 =	vmxor vm8, vm9;
	[tilespmem:v0+s21+$0xA2C0] =	vst.idx.msk $0xffff, v10;
	v10 =	vnsel vm9, $0x0, v33  }
0x142: {  	vm0 =	vmxor vm10, vm0;
	[tilespmem:v1+s21+$0xA2C0] =	vst.idx.msk $0xffff, v10;
	v10 =	vnsel vm10, $0x0, v11  }
0x143: {  	v9 =	vnsel vm0, $0x0, v9;
	[tilespmem:v2+s21+$0xA2C0] =	vst.idx.msk $0xffff, v10  }
0x144: {  	[tilespmem:v3+s21+$0xA2C0] =	vst.idx.msk $0xffff, v9  }
0x145: {  	v9 =	vld.idx.msk [tilespmem:v3+s21+$0x100], $0xffff  }
0x146: {  	v10 =	vld.idx.msk [tilespmem:v0+s21+$0x100], $0xffff  }
0x147: {  	v11 =	vld.idx.msk [tilespmem:v2+s21+$0x100], $0xffff  }
0x148: {  	v47 =	vld.idx.msk [tilespmem:v1+s21+$0x100], $0xffff;
	_ =	sdelay $0x3  }
0x149: {  	v48 =	vand.u32 $0x7FFFFFFF, v10;
	v49 =	vand.u32 $0x7FFFFFFF, v11;
	v50 =	vand.u32 $0x7FFFFFFF, v9  }
0x14a: {  	v51 =	vand.u32 $0x7FFFFFFF, v47;
	v14 =	vadd.f32 $1.000000010e-07, v49;
	v15 =	vadd.f32 $1.000000010e-07, v50  }
0x14b: {  	v13 =	vadd.f32 $1.000000010e-07, v48;
	v16 =	vadd.f32 $1.000000010e-07, v51  }
0x14c: {  	vm11 =	vge.f32 v14, v15  }
0x14d: {  	vm12 =	vge.f32 v13, v16;
	vm13 =	vge.f32 v13, v14;
	vm14 =	vge.f32 v13, v15  }
0x14e: {  	vm15 =	vge.f32 v16, v14;
	v52 =	vsel vm12, $0x1, v4;
	v53 =	vsel vm13, $0x1, v4  }
0x14f: {  	vm7 =	vge.f32 v16, v15;
	v54 =	vsel vm14, $0x1, v4;
	v55 =	vadd.s32 v52, v53  }
0x150: {  	v56 =	vsel vm15, $0x1, v4;
	v57 =	vsel vm7, $0x1, v4;
	v15 =	vadd.s32 v54, v55  }
0x151: {  	v58 =	vsel vm11, $0x1, v4;
	v59 =	vadd.s32 v56, v57;
	vm8 =	vgt.u32 v15, $0x1  }
0x152: {  	v60 =	vadd.s32 v56, v53;
	vm9 =	vgt.u32 v59, v52;
	v10 =	vnsel vm8, $0x0, v10  }
0x153: {  	vm10 =	vle.u32 v60, v58;
	vm0 =	vmxor vm8, vm9;
	[tilespmem:v0+s21+$0xA300] =	vst.idx.msk $0xffff, v10;
	v10 =	vnsel vm9, $0x0, v47  }
0x154: {  	vm0 =	vmxor vm10, vm0;
	[tilespmem:v1+s21+$0xA300] =	vst.idx.msk $0xffff, v10;
	v10 =	vnsel vm10, $0x0, v11  }
0x155: {  	v9 =	vnsel vm0, $0x0, v9;
	[tilespmem:v2+s21+$0xA300] =	vst.idx.msk $0xffff, v10  }
0x156: {  	[tilespmem:v3+s21+$0xA300] =	vst.idx.msk $0xffff, v9  }
0x157: {  	v9 =	vld.idx.msk [tilespmem:v3+s21+$0x140], $0xffff  }
0x158: {  	v10 =	vld.idx.msk [tilespmem:v0+s21+$0x140], $0xffff  }
0x159: {  	v11 =	vld.idx.msk [tilespmem:v2+s21+$0x140], $0xffff  }
0x15a: {  	v61 =	vld.idx.msk [tilespmem:v1+s21+$0x140], $0xffff;
	_ =	sdelay $0x2  }
0x15b: {  	v19 =	vand.u32 $0x7FFFFFFF, v5;
	v63 =	vand.u32 $0x7FFFFFFF, v6  }
0x15c: {  	v23 =	vand.u32 $0x7FFFFFFF, v10;
	v24 =	vand.u32 $0x7FFFFFFF, v11;
	v25 =	vand.u32 $0x7FFFFFFF, v9  }
0x15d: {  	v26 =	vand.u32 $0x7FFFFFFF, v61;
	v16 =	vadd.f32 $1.000000010e-07, v24;
	v17 =	vadd.f32 $1.000000010e-07, v25  }
0x15e: {  	v20 =	vand.u32 $0x7FFFFFFF, v8;
	v15 =	vadd.f32 $1.000000010e-07, v23;
	v18 =	vadd.f32 $1.000000010e-07, v26  }
0x15f: {  	v34 =	vadd.f32 $1.000000010e-07, v19;
	v35 =	vadd.f32 $1.000000010e-07, v20;
	vm11 =	vge.f32 v16, v17  }
0x160: {  	vm12 =	vge.f32 v15, v18;
	vm13 =	vge.f32 v15, v16;
	vm14 =	vge.f32 v15, v17  }
0x161: {  	vm15 =	vge.f32 v18, v16;
	v27 =	vsel vm12, $0x1, v4;
	v28 =	vsel vm13, $0x1, v4  }
0x162: {  	vm7 =	vge.f32 v18, v17;
	v29 =	vsel vm14, $0x1, v4;
	v30 =	vadd.s32 v27, v28  }
0x163: {  	v21 =	vsel vm15, $0x1, v4;
	v22 =	vsel vm7, $0x1, v4;
	v17 =	vadd.s32 v29, v30  }
0x164: {  	v31 =	vsel vm11, $0x1, v4;
	v32 =	vadd.s32 v21, v22;
	vm8 =	vgt.u32 v17, $0x1  }
0x165: {  	v33 =	vadd.s32 v21, v28;
	vm9 =	vgt.u32 v32, v27;
	v10 =	vnsel vm8, $0x0, v10  }
0x166: {  	vm10 =	vle.u32 v33, v31;
	vm0 =	vmxor vm8, vm9;
	[tilespmem:v0+s21+$0xA340] =	vst.idx.msk $0xffff, v10;
	v10 =	vnsel vm9, $0x0, v61  }
0x167: {  	v14 =	vadd.f32 $1.000000010e-07, v63;
	vm0 =	vmxor vm10, vm0;
	[tilespmem:v1+s21+$0xA340] =	vst.idx.msk $0xffff, v10;
	v10 =	vnsel vm10, $0x0, v11  }
0x168: {  	v62 =	vand.u32 $0x7FFFFFFF, v7;
	v9 =	vnsel vm0, $0x0, v9;
	[tilespmem:v2+s21+$0xA340] =	vst.idx.msk $0xffff, v10  }
0x169: {  	vm15 =	vge.f32 v35, v14;
	vm7 =	vge.f32 v35, v34;
	v11 =	vadd.f32 $1.000000010e-07, v62;
	[tilespmem:v3+s21+$0xA340] =	vst.idx.msk $0xffff, v9  }
0x16a: {  	vm11 =	vge.f32 v14, v34;
	v40 =	vsel vm15, $0x1, v4;
	v41 =	vsel vm7, $0x1, v4;
	v9 =	vld.idx.msk [tilespmem:v3+s21+$0x180], $0xffff  }
0x16b: {  	v43 =	vsel vm11, $0x1, v4;
	vm12 =	vge.f32 v11, v35;
	vm13 =	vge.f32 v11, v14;
	v36 =	vld.idx.msk [tilespmem:v0+s21+$0x180], $0xffff  }
0x16c: {  	vm14 =	vge.f32 v11, v34;
	v10 =	vsel vm12, $0x1, v4;
	v11 =	vsel vm13, $0x1, v4;
	v39 =	vld.idx.msk [tilespmem:v2+s21+$0x180], $0xffff  }
0x16d: {  	v44 =	vadd.s32 v40, v41;
	v37 =	vsel vm14, $0x1, v4;
	v42 =	vld.idx.msk [tilespmem:v1+s21+$0x180], $0xffff;
	v38 =	vadd.s32 v10, v11  }
0x16e: {  	vm9 =	vgt.u32 v44, v10;
	v10 =	vadd.s32 v40, v11;
	v12 =	vadd.s32 v37, v38  }
0x16f: {  	vm10 =	vle.u32 v10, v43;
	vm8 =	vgt.u32 v12, $0x1  }
0x170: {  	v8 =	vnsel vm9, $0x0, v8;
	v6 =	vnsel vm10, $0x0, v6;
	vm0 =	vmxor vm8, vm9  }
0x171: {  	v10 =	vand.u32 $0x7FFFFFFF, v36;
	v11 =	vand.u32 $0x7FFFFFFF, v39;
	v45 =	vand.u32 $0x7FFFFFFF, v9  }
0x172: {  	v46 =	vand.u32 $0x7FFFFFFF, v42;
	v11 =	vadd.f32 $1.000000010e-07, v11;
	v12 =	vadd.f32 $1.000000010e-07, v45  }
0x173: {  	vm0 =	vmxor vm10, vm0;
	v10 =	vadd.f32 $1.000000010e-07, v10;
	v16 =	vadd.f32 $1.000000010e-07, v46  }
0x174: {  	v7 =	vnsel vm8, $0x0, v7;
	v5 =	vnsel vm0, $0x0, v5;
	vm11 =	vge.f32 v11, v12  }
0x175: {  	vm12 =	vge.f32 v10, v16;
	vm13 =	vge.f32 v10, v11;
	vm14 =	vge.f32 v10, v12  }
0x176: {  	vm15 =	vge.f32 v16, v11;
	v10 =	vsel vm12, $0x1, v4;
	v11 =	vsel vm13, $0x1, v4  }
0x177: {  	[tilespmem:v0+s20+$0xA3C0] =	vst.idx.msk $0xffff, v7;
	vm7 =	vge.f32 v16, v12;
	v7 =	vsel vm14, $0x1, v4;
	v47 =	vadd.s32 v10, v11  }
0x178: {  	[tilespmem:v1+s20+$0xA3C0] =	vst.idx.msk $0xffff, v8;
	v8 =	vsel vm15, $0x1, v4;
	v16 =	vsel vm7, $0x1, v4;
	v7 =	vadd.s32 v7, v47  }
0x179: {  	[tilespmem:v2+s20+$0xA3C0] =	vst.idx.msk $0xffff, v6;
	v6 =	vsel vm11, $0x1, v4;
	vm8 =	vgt.u32 v7, $0x1;
	v7 =	vadd.s32 v8, v16  }
0x17a: {  	[tilespmem:v3+s20+$0xA3C0] =	vst.idx.msk $0xffff, v5;
	v5 =	vadd.s32 v8, v11;
	vm9 =	vgt.u32 v7, v10;
	v7 =	vnsel vm8, $0x0, v36  }
0x17b: {  	vm10 =	vle.u32 v5, v6;
	vm0 =	vmxor vm8, vm9;
	[tilespmem:v0+s21+$0xA380] =	vst.idx.msk $0xffff, v7;
	v5 =	vnsel vm9, $0x0, v42  }
0x17c: {  	vm0 =	vmxor vm10, vm0;
	[tilespmem:v1+s21+$0xA380] =	vst.idx.msk $0xffff, v5;
	v5 =	vnsel vm10, $0x0, v39  }
0x17d: {  	v48 =	vld.idx.msk [tilespmem:v1+s20+$0x200], $0xffff;
	[tilespmem:v2+s21+$0xA380] =	vst.idx.msk $0xffff, v5;
	v5 =	vnsel vm0, $0x0, v9  }
0x17e: {  	v11 =	vld.idx.msk [tilespmem:v3+s20+$0x200], $0xffff;
	[tilespmem:v3+s21+$0xA380] =	vst.idx.msk $0xffff, v5  }
0x17f: {  	v5 =	vld.idx.msk [tilespmem:v3+s21+$0x1C0], $0xffff  }
0x180: {  	v8 =	vld.idx.msk [tilespmem:v0+s21+$0x1C0], $0xffff  }
0x181: {  	v9 =	vld.idx.msk [tilespmem:v2+s21+$0x1C0], $0xffff  }
0x182: {  	v10 =	vld.idx.msk [tilespmem:v1+s21+$0x1C0], $0xffff  }
0x183: {  	v6 =	vld.idx.msk [tilespmem:v0+s20+$0x200], $0xffff  }
0x184: {  	v7 =	vld.idx.msk [tilespmem:v2+s20+$0x200], $0xffff;
	v56 =	vand.u32 $0x7FFFFFFF, v48  }
0x185: {  	v24 =	vadd.f32 $1.000000010e-07, v56  }
0x186: {  	v51 =	vand.u32 $0x7FFFFFFF, v8;
	v52 =	vand.u32 $0x7FFFFFFF, v9;
	v53 =	vand.u32 $0x7FFFFFFF, v5  }
0x187: {  	v54 =	vand.u32 $0x7FFFFFFF, v10;
	v16 =	vadd.f32 $1.000000010e-07, v52;
	v17 =	vadd.f32 $1.000000010e-07, v53  }
0x188: {  	v55 =	vand.u32 $0x7FFFFFFF, v11;
	v15 =	vadd.f32 $1.000000010e-07, v51;
	v18 =	vadd.f32 $1.000000010e-07, v54  }
0x189: {  	v49 =	vand.u32 $0x7FFFFFFF, v6;
	v50 =	vand.u32 $0x7FFFFFFF, v7;
	vm11 =	vge.f32 v16, v17  }
0x18a: {  	vm12 =	vge.f32 v15, v18;
	vm13 =	vge.f32 v15, v16;
	vm14 =	vge.f32 v15, v17  }
0x18b: {  	vm15 =	vge.f32 v18, v16;
	v57 =	vsel vm12, $0x1, v4;
	v58 =	vsel vm13, $0x1, v4  }
0x18c: {  	vm7 =	vge.f32 v18, v17;
	v59 =	vsel vm14, $0x1, v4;
	v60 =	vadd.s32 v57, v58  }
0x18d: {  	v61 =	vsel vm15, $0x1, v4;
	v62 =	vsel vm7, $0x1, v4;
	v17 =	vadd.s32 v59, v60  }
0x18e: {  	v63 =	vsel vm11, $0x1, v4;
	v22 =	vadd.s32 v61, v62;
	vm8 =	vgt.u32 v17, $0x1  }
0x18f: {  	v23 =	vadd.s32 v61, v58;
	vm9 =	vgt.u32 v22, v57;
	v8 =	vnsel vm8, $0x0, v8  }
0x190: {  	vm10 =	vle.u32 v23, v63;
	vm0 =	vmxor vm8, vm9;
	[tilespmem:v0+s21+$0xA3C0] =	vst.idx.msk $0xffff, v8;
	v8 =	vnsel vm9, $0x0, v10  }
0x191: {  	v14 =	vadd.f32 $1.000000010e-07, v50;
	vm0 =	vmxor vm10, vm0;
	[tilespmem:v1+s21+$0xA3C0] =	vst.idx.msk $0xffff, v8;
	v8 =	vnsel vm10, $0x0, v9  }
0x192: {  	v10 =	vadd.f32 $1.000000010e-07, v55;
	v9 =	vadd.f32 $1.000000010e-07, v49;
	v5 =	vnsel vm0, $0x0, v5;
	[tilespmem:v2+s21+$0xA3C0] =	vst.idx.msk $0xffff, v8  }
0x193: {  	vm15 =	vge.f32 v24, v14;
	[tilespmem:v3+s21+$0xA3C0] =	vst.idx.msk $0xffff, v5  }
0x194: {  	vm11 =	vge.f32 v14, v10;
	vm12 =	vge.f32 v9, v24;
	vm13 =	vge.f32 v9, v14;
	v5 =	vld.idx.msk [tilespmem:v3+s21+$0x200], $0xffff  }
0x195: {  	vm14 =	vge.f32 v9, v10;
	v8 =	vsel vm12, $0x1, v4;
	v9 =	vsel vm13, $0x1, v4;
	v25 =	vld.idx.msk [tilespmem:v0+s21+$0x200], $0xffff  }
0x196: {  	vm7 =	vge.f32 v24, v10;
	v10 =	vsel vm14, $0x1, v4;
	v27 =	vld.idx.msk [tilespmem:v2+s21+$0x200], $0xffff;
	v26 =	vadd.s32 v8, v9  }
0x197: {  	v28 =	vsel vm15, $0x1, v4;
	v29 =	vsel vm7, $0x1, v4;
	v30 =	vld.idx.msk [tilespmem:v1+s21+$0x200], $0xffff;
	v10 =	vadd.s32 v10, v26  }
0x198: {  	v31 =	vsel vm11, $0x1, v4;
	vm8 =	vgt.u32 v10, $0x1;
	v10 =	vadd.s32 v28, v29  }
0x199: {  	vm9 =	vgt.u32 v10, v8;
	v8 =	vadd.s32 v28, v9;
	v6 =	vnsel vm8, $0x0, v6  }
0x19a: {  	vm10 =	vle.u32 v8, v31;
	vm0 =	vmxor vm8, vm9;
	v8 =	vnsel vm9, $0x0, v48  }
0x19b: {  	v9 =	vand.u32 $0x7FFFFFFF, v25;
	v10 =	vand.u32 $0x7FFFFFFF, v27;
	v32 =	vand.u32 $0x7FFFFFFF, v5  }
0x19c: {  	v33 =	vand.u32 $0x7FFFFFFF, v30;
	v10 =	vadd.f32 $1.000000010e-07, v10;
	v12 =	vadd.f32 $1.000000010e-07, v32  }
0x19d: {  	vm0 =	vmxor vm10, vm0;
	v9 =	vadd.f32 $1.000000010e-07, v9;
	v16 =	vadd.f32 $1.000000010e-07, v33  }
0x19e: {  	v7 =	vnsel vm10, $0x0, v7;
	v11 =	vnsel vm0, $0x0, v11;
	vm11 =	vge.f32 v10, v12  }
0x19f: {  	vm12 =	vge.f32 v9, v16;
	vm13 =	vge.f32 v9, v10;
	vm14 =	vge.f32 v9, v12  }
0x1a0: {  	vm15 =	vge.f32 v16, v10;
	v9 =	vsel vm12, $0x1, v4;
	v10 =	vsel vm13, $0x1, v4  }
0x1a1: {  	[tilespmem:v0+s20+$0xA400] =	vst.idx.msk $0xffff, v6;
	vm7 =	vge.f32 v16, v12;
	v6 =	vsel vm14, $0x1, v4;
	v34 =	vadd.s32 v9, v10  }
0x1a2: {  	[tilespmem:v1+s20+$0xA400] =	vst.idx.msk $0xffff, v8;
	v8 =	vsel vm15, $0x1, v4;
	v16 =	vsel vm7, $0x1, v4;
	v6 =	vadd.s32 v6, v34  }
0x1a3: {  	[tilespmem:v2+s20+$0xA400] =	vst.idx.msk $0xffff, v7;
	v7 =	vsel vm11, $0x1, v4;
	vm8 =	vgt.u32 v6, $0x1;
	v6 =	vadd.s32 v8, v16  }
0x1a4: {  	[tilespmem:v3+s20+$0xA400] =	vst.idx.msk $0xffff, v11;
	vm9 =	vgt.u32 v6, v9;
	v6 =	vadd.s32 v8, v10;
	v8 =	vnsel vm8, $0x0, v25  }
0x1a5: {  	vm10 =	vle.u32 v6, v7;
	vm0 =	vmxor vm8, vm9;
	[tilespmem:v0+s21+$0xA400] =	vst.idx.msk $0xffff, v8;
	v6 =	vnsel vm9, $0x0, v30  }
0x1a6: {  	vm0 =	vmxor vm10, vm0;
	[tilespmem:v1+s21+$0xA400] =	vst.idx.msk $0xffff, v6;
	v6 =	vnsel vm10, $0x0, v27  }
0x1a7: {  	s31 =	sshrl.u32 s22, $0x3;
	[tilespmem:v2+s21+$0xA400] =	vst.idx.msk $0xffff, v6;
	v5 =	vnsel vm0, $0x0, v5  }
0x1a8: {  	p1 =	seq.s32 s18, $0x3;
	s20 =	sadd.s32 s3, s31;
	[tilespmem:v3+s21+$0xA400] =	vst.idx.msk $0xffff, v5  }
0x1a9: {  	[hbm4b:s20+s4] =	stream.linear.scatter [tilespmem:s12], [sflag:$0x3], $0x5100, $0x38;
	[tilespmem:$0x14400] =	vst v63  }
0x1aa: {  	s20 =	sshrl.u32 @!p1 s22, $0x3  }
0x1ab: {  	s20 =	sadd.s32 @!p1 s2, s20  }
0x1ac: {  	s21 =	simm.s32 @!p1 $0x0;
	s20 =	sadd.s32 @!p1 $0x1440, s20  }
0x1ad: {  	[tilespmem:s21], [sflag:$0x1] =	stream.linear.gather @!p1 [hbm4b:s20+s21], $0x5100, $0x38;
	[tilespmem:$0x14400] =	vst v63  }
0x1ae: {  	_ =	swait.ge [sflag:s13], $0x5100  }
0x1af: {  	[sflag:s13] =	ssyncset.done $0x0  }
0x1b0: {  	s20 =	simm.s32 @!p0 $0x4;
	[sflag:s13] =	ssyncadd.s32 $0xFFFFAF00  }
0x1b1: {  	_ =	swait.ge @!p0 [sflag:s20], $0x5100  }
0x1b2: {  	[sflag:s20] =	ssyncset.done @!p0 $0x0  }
0x1b3: {  	[sflag:s20] =	ssyncadd.s32 @!p0 $0xFFFFAF00;
	s20 =	simm.s32 $0x0  }
0x1b4: {  	v5 =	vld.idx.msk [tilespmem:v3+s20+$0x5100], $0xffff  }
0x1b5: {  	v6 =	vld.idx.msk [tilespmem:v0+s20+$0x5100], $0xffff  }
0x1b6: {  	v7 =	vld.idx.msk [tilespmem:v2+s20+$0x5100], $0xffff  }
0x1b7: {  	v8 =	vld.idx.msk [tilespmem:v1+s20+$0x5100], $0xffff;
	_ =	sdelay $0x3  }
0x1b8: {  	v9 =	vand.u32 $0x7FFFFFFF, v5;
	v10 =	vand.u32 $0x7FFFFFFF, v6;
	v11 =	vand.u32 $0x7FFFFFFF, v7  }
0x1b9: {  	v35 =	vand.u32 $0x7FFFFFFF, v8;
	v11 =	vadd.f32 $1.000000010e-07, v11;
	v9 =	vadd.f32 $1.000000010e-07, v9  }
0x1ba: {  	v10 =	vadd.f32 $1.000000010e-07, v10;
	v12 =	vadd.f32 $1.000000010e-07, v35  }
0x1bb: {  	vm11 =	vge.f32 v11, v9  }
0x1bc: {  	vm12 =	vge.f32 v10, v9;
	vm13 =	vge.f32 v10, v12;
	vm14 =	vge.f32 v10, v11  }
0x1bd: {  	vm15 =	vge.f32 v12, v11;
	v10 =	vsel vm13, $0x1, v4;
	v11 =	vsel vm14, $0x1, v4  }
0x1be: {  	vm7 =	vge.f32 v12, v9;
	v9 =	vsel vm12, $0x1, v4;
	v36 =	vadd.s32 v10, v11  }
0x1bf: {  	v37 =	vsel vm15, $0x1, v4;
	v38 =	vsel vm7, $0x1, v4;
	v9 =	vadd.s32 v9, v36  }
0x1c0: {  	v39 =	vsel vm11, $0x1, v4;
	v14 =	vadd.s32 v37, v38;
	vm8 =	vgt.u32 v9, $0x1  }
0x1c1: {  	vm9 =	vgt.u32 v14, v10;
	v9 =	vadd.s32 v37, v11;
	v6 =	vnsel vm8, $0x0, v6  }
0x1c2: {  	v8 =	vnsel vm9, $0x0, v8;
	vm10 =	vle.u32 v9, v39;
	vm0 =	vmxor vm8, vm9;
	[tilespmem:v0+s20+$0xF300] =	vst.idx.msk $0xffff, v6  }
0x1c3: {  	v6 =	vnsel vm10, $0x0, v7;
	vm0 =	vmxor vm10, vm0;
	[tilespmem:v1+s20+$0xF300] =	vst.idx.msk $0xffff, v8  }
0x1c4: {  	v5 =	vnsel vm0, $0x0, v5;
	[tilespmem:v2+s20+$0xF300] =	vst.idx.msk $0xffff, v6  }
0x1c5: {  	[tilespmem:v3+s20+$0xF300] =	vst.idx.msk $0xffff, v5  }
0x1c6: {  	v5 =	vld.idx.msk [tilespmem:v3+s20+$0x5140], $0xffff  }
0x1c7: {  	v6 =	vld.idx.msk [tilespmem:v0+s20+$0x5140], $0xffff  }
0x1c8: {  	v7 =	vld.idx.msk [tilespmem:v2+s20+$0x5140], $0xffff  }
0x1c9: {  	v8 =	vld.idx.msk [tilespmem:v1+s20+$0x5140], $0xffff;
	_ =	sdelay $0x3  }
0x1ca: {  	v9 =	vand.u32 $0x7FFFFFFF, v5;
	v10 =	vand.u32 $0x7FFFFFFF, v6;
	v11 =	vand.u32 $0x7FFFFFFF, v7  }
0x1cb: {  	v40 =	vand.u32 $0x7FFFFFFF, v8;
	v11 =	vadd.f32 $1.000000010e-07, v11;
	v9 =	vadd.f32 $1.000000010e-07, v9  }
0x1cc: {  	v10 =	vadd.f32 $1.000000010e-07, v10;
	v12 =	vadd.f32 $1.000000010e-07, v40  }
0x1cd: {  	vm11 =	vge.f32 v11, v9  }
0x1ce: {  	vm12 =	vge.f32 v10, v9;
	vm13 =	vge.f32 v10, v12;
	vm14 =	vge.f32 v10, v11  }
0x1cf: {  	vm15 =	vge.f32 v12, v11;
	v10 =	vsel vm13, $0x1, v4;
	v11 =	vsel vm14, $0x1, v4  }
0x1d0: {  	vm7 =	vge.f32 v12, v9;
	v9 =	vsel vm12, $0x1, v4;
	v41 =	vadd.s32 v10, v11  }
0x1d1: {  	v42 =	vsel vm15, $0x1, v4;
	v43 =	vsel vm7, $0x1, v4;
	v9 =	vadd.s32 v9, v41  }
0x1d2: {  	v44 =	vsel vm11, $0x1, v4;
	v14 =	vadd.s32 v42, v43;
	vm8 =	vgt.u32 v9, $0x1  }
0x1d3: {  	vm9 =	vgt.u32 v14, v10;
	v9 =	vadd.s32 v42, v11;
	v6 =	vnsel vm8, $0x0, v6  }
0x1d4: {  	v8 =	vnsel vm9, $0x0, v8;
	vm10 =	vle.u32 v9, v44;
	vm0 =	vmxor vm8, vm9;
	[tilespmem:v0+s20+$0xF340] =	vst.idx.msk $0xffff, v6  }
0x1d5: {  	v6 =	vnsel vm10, $0x0, v7;
	vm0 =	vmxor vm10, vm0;
	[tilespmem:v1+s20+$0xF340] =	vst.idx.msk $0xffff, v8  }
0x1d6: {  	v5 =	vnsel vm0, $0x0, v5;
	[tilespmem:v2+s20+$0xF340] =	vst.idx.msk $0xffff, v6  }
0x1d7: {  	[tilespmem:v3+s20+$0xF340] =	vst.idx.msk $0xffff, v5  }
0x1d8: {  	v5 =	vld.idx.msk [tilespmem:v3+s20+$0x5180], $0xffff  }
0x1d9: {  	v6 =	vld.idx.msk [tilespmem:v0+s20+$0x5180], $0xffff  }
0x1da: {  	v7 =	vld.idx.msk [tilespmem:v1+s20+$0x5180], $0xffff  }
0x1db: {  	v8 =	vld.idx.msk [tilespmem:v2+s20+$0x5180], $0xffff;
	_ =	sdelay $0x3  }
0x1dc: {  	v9 =	vand.u32 $0x7FFFFFFF, v6;
	v10 =	vand.u32 $0x7FFFFFFF, v5;
	v11 =	vand.u32 $0x7FFFFFFF, v7  }
0x1dd: {  	v45 =	vand.u32 $0x7FFFFFFF, v8;
	v10 =	vadd.f32 $1.000000010e-07, v10;
	v9 =	vadd.f32 $1.000000010e-07, v9  }
0x1de: {  	v11 =	vadd.f32 $1.000000010e-07, v11;
	v12 =	vadd.f32 $1.000000010e-07, v45  }
0x1df: {  	vm11 =	vge.f32 v9, v10  }
0x1e0: {  	vm12 =	vge.f32 v11, v12;
	vm13 =	vge.f32 v9, v11;
	vm14 =	vge.f32 v9, v12  }
0x1e1: {  	vm15 =	vge.f32 v12, v10;
	v9 =	vsel vm13, $0x1, v4;
	v46 =	vsel vm14, $0x1, v4  }
0x1e2: {  	vm7 =	vge.f32 v11, v10;
	v10 =	vsel vm11, $0x1, v4;
	v11 =	vadd.s32 v9, v46  }
0x1e3: {  	v47 =	vsel vm12, $0x1, v4;
	v48 =	vsel vm7, $0x1, v4;
	v10 =	vadd.s32 v10, v11  }
0x1e4: {  	v14 =	vadd.s32 v47, v48;
	v11 =	vsel vm15, $0x1, v4;
	vm8 =	vgt.u32 v10, $0x1  }
0x1e5: {  	vm9 =	vgt.u32 v14, v9;
	v9 =	vadd.s32 v47, v46;
	v6 =	vnsel vm8, $0x0, v6  }
0x1e6: {  	vm10 =	vle.u32 v9, v11;
	v7 =	vnsel vm9, $0x0, v7;
	vm0 =	vmxor vm8, vm9;
	[tilespmem:v0+s20+$0xF380] =	vst.idx.msk $0xffff, v6  }
0x1e7: {  	vm0 =	vmxor vm10, vm0;
	v6 =	vnsel vm10, $0x0, v8;
	[tilespmem:v1+s20+$0xF380] =	vst.idx.msk $0xffff, v7  }
0x1e8: {  	s21 =	simm.s32 $0x240;
	v5 =	vnsel vm0, $0x0, v5;
	[tilespmem:v2+s20+$0xF380] =	vst.idx.msk $0xffff, v6  }
0x1e9: {  	v10 =	vld.idx.msk [tilespmem:v0+s21+$0x5100], $0xffff;
	[tilespmem:v3+s20+$0xF380] =	vst.idx.msk $0xffff, v5  }
0x1ea: {  	v5 =	vld.idx.msk [tilespmem:v3+s20+$0x51C0], $0xffff  }
0x1eb: {  	v7 =	vld.idx.msk [tilespmem:v0+s20+$0x51C0], $0xffff  }
0x1ec: {  	v8 =	vld.idx.msk [tilespmem:v2+s20+$0x51C0], $0xffff  }
0x1ed: {  	v9 =	vld.idx.msk [tilespmem:v1+s20+$0x51C0], $0xffff  }
0x1ee: {  	v11 =	vld.idx.msk [tilespmem:v1+s21+$0x5100], $0xffff  }
0x1ef: {  	v6 =	vld.idx.msk [tilespmem:v3+s21+$0x5100], $0xffff;
	_ =	sdelay $0x1  }
0x1f0: {  	v49 =	vand.u32 $0x7FFFFFFF, v5;
	v50 =	vand.u32 $0x7FFFFFFF, v7;
	v51 =	vand.u32 $0x7FFFFFFF, v8  }
0x1f1: {  	v52 =	vand.u32 $0x7FFFFFFF, v9;
	v14 =	vadd.f32 $1.000000010e-07, v51;
	v12 =	vadd.f32 $1.000000010e-07, v49  }
0x1f2: {  	v13 =	vadd.f32 $1.000000010e-07, v50;
	v15 =	vadd.f32 $1.000000010e-07, v52  }
0x1f3: {  	v54 =	vand.u32 $0x7FFFFFFF, v10;
	v55 =	vand.u32 $0x7FFFFFFF, v11;
	v53 =	vand.u32 $0x7FFFFFFF, v6  }
0x1f4: {  	vm11 =	vge.f32 v14, v12;
	vm12 =	vge.f32 v13, v15;
	vm13 =	vge.f32 v13, v14  }
0x1f5: {  	vm14 =	vge.f32 v13, v12;
	vm15 =	vge.f32 v15, v14;
	vm7 =	vge.f32 v15, v12  }
0x1f6: {  	v57 =	vld.idx.msk [tilespmem:v2+s21+$0x5100], $0xffff;
	v56 =	vsel vm12, $0x1, v4;
	v58 =	vsel vm13, $0x1, v4;
	v59 =	vsel vm14, $0x1, v4  }
0x1f7: {  	v61 =	vsel vm15, $0x1, v4;
	v62 =	vsel vm7, $0x1, v4;
	v60 =	vadd.s32 v56, v58  }
0x1f8: {  	v63 =	vsel vm11, $0x1, v4;
	v21 =	vadd.s32 v61, v62;
	v12 =	vadd.s32 v59, v60  }
0x1f9: {  	v19 =	vadd.s32 v61, v58;
	vm9 =	vgt.u32 v21, v56;
	vm8 =	vgt.u32 v12, $0x1  }
0x1fa: {  	vm10 =	vle.u32 v19, v63;
	v7 =	vnsel vm8, $0x0, v7;
	vm0 =	vmxor vm8, vm9  }
0x1fb: {  	[tilespmem:v0+s20+$0xF3C0] =	vst.idx.msk $0xffff, v7;
	v7 =	vnsel vm9, $0x0, v9;
	v9 =	vand.u32 $0x7FFFFFFF, v57;
	vm0 =	vmxor vm10, vm0  }
0x1fc: {  	[tilespmem:v1+s20+$0xF3C0] =	vst.idx.msk $0xffff, v7;
	v7 =	vnsel vm10, $0x0, v8;
	v8 =	vadd.f32 $1.000000010e-07, v9;
	v9 =	vadd.f32 $1.000000010e-07, v53  }
0x1fd: {  	v20 =	vadd.f32 $1.000000010e-07, v55;
	v5 =	vnsel vm0, $0x0, v5;
	[tilespmem:v2+s20+$0xF3C0] =	vst.idx.msk $0xffff, v7;
	v7 =	vadd.f32 $1.000000010e-07, v54  }
0x1fe: {  	[tilespmem:v3+s20+$0xF3C0] =	vst.idx.msk $0xffff, v5;
	vm11 =	vge.f32 v8, v9  }
0x1ff: {  	vm13 =	vge.f32 v20, v8;
	vm14 =	vge.f32 v20, v9;
	v5 =	vld.idx.msk [tilespmem:v3+s20+$0x5200], $0xffff;
	vm12 =	vge.f32 v7, v9  }
0x200: {  	v9 =	vld.idx.msk [tilespmem:v0+s20+$0x5200], $0xffff;
	vm15 =	vge.f32 v7, v20;
	vm5 =	vge.f32 v7, v8;
	v7 =	vsel vm11, $0x1, v4  }
0x201: {  	v8 =	vld.idx.msk [tilespmem:v2+s20+$0x5200], $0xffff;
	v24 =	vsel vm13, $0x1, v4;
	v12 =	vsel vm15, $0x1, v4;
	v21 =	vsel vm5, $0x1, v4  }
0x202: {  	v23 =	vld.idx.msk [tilespmem:v1+s20+$0x5200], $0xffff;
	v25 =	vsel vm14, $0x1, v4;
	v22 =	vsel vm12, $0x1, v4;
	v26 =	vadd.s32 v12, v21  }
0x203: {  	v18 =	vadd.s32 v24, v25;
	v13 =	vadd.s32 v24, v21;
	v15 =	vadd.s32 v22, v26  }
0x204: {  	vm7 =	vgt.u32 v18, v12;
	vm8 =	vle.u32 v13, v7;
	vm6 =	vgt.u32 v15, $0x1  }
0x205: {  	v7 =	vnsel vm7, $0x0, v11;
	v11 =	vnsel vm8, $0x0, v57;
	vm9 =	vmxor vm6, vm7  }
0x206: {  	v27 =	vand.u32 $0x7FFFFFFF, v9;
	v28 =	vand.u32 $0x7FFFFFFF, v8;
	v29 =	vand.u32 $0x7FFFFFFF, v5  }
0x207: {  	v30 =	vand.u32 $0x7FFFFFFF, v23;
	v13 =	vadd.f32 $1.000000010e-07, v28;
	v14 =	vadd.f32 $1.000000010e-07, v29  }
0x208: {  	vm10 =	vmxor vm8, vm9;
	v12 =	vadd.f32 $1.000000010e-07, v27;
	v15 =	vadd.f32 $1.000000010e-07, v30  }
0x209: {  	v10 =	vnsel vm6, $0x0, v10;
	v6 =	vnsel vm10, $0x0, v6;
	vm11 =	vge.f32 v13, v14  }
0x20a: {  	vm12 =	vge.f32 v12, v15;
	vm13 =	vge.f32 v12, v13;
	vm14 =	vge.f32 v12, v14  }
0x20b: {  	vm15 =	vge.f32 v15, v13;
	v31 =	vsel vm12, $0x1, v4;
	v32 =	vsel vm13, $0x1, v4  }
0x20c: {  	[tilespmem:v0+s21+$0xF300] =	vst.idx.msk $0xffff, v10;
	vm7 =	vge.f32 v15, v14;
	v10 =	vsel vm14, $0x1, v4;
	v33 =	vadd.s32 v31, v32  }
0x20d: {  	[tilespmem:v1+s21+$0xF300] =	vst.idx.msk $0xffff, v7;
	v7 =	vsel vm15, $0x1, v4;
	v15 =	vsel vm7, $0x1, v4;
	v10 =	vadd.s32 v10, v33  }
0x20e: {  	[tilespmem:v2+s21+$0xF300] =	vst.idx.msk $0xffff, v11;
	v11 =	vsel vm11, $0x1, v4;
	vm8 =	vgt.u32 v10, $0x1;
	v10 =	vadd.s32 v7, v15  }
0x20f: {  	[tilespmem:v3+s21+$0xF300] =	vst.idx.msk $0xffff, v6;
	v6 =	vadd.s32 v7, v32;
	vm9 =	vgt.u32 v10, v31;
	v7 =	vnsel vm8, $0x0, v9  }
0x210: {  	vm10 =	vle.u32 v6, v11;
	vm0 =	vmxor vm8, vm9;
	[tilespmem:v0+s20+$0xF400] =	vst.idx.msk $0xffff, v7;
	v6 =	vnsel vm9, $0x0, v23  }
0x211: {  	vm0 =	vmxor vm10, vm0;
	[tilespmem:v1+s20+$0xF400] =	vst.idx.msk $0xffff, v6;
	v6 =	vnsel vm10, $0x0, v8  }
0x212: {  	[tilespmem:v2+s20+$0xF400] =	vst.idx.msk $0xffff, v6;
	v5 =	vnsel vm0, $0x0, v5  }
0x213: {  	v11 =	vld.idx.msk [tilespmem:v1+s21+$0x5140], $0xffff;
	[tilespmem:v3+s20+$0xF400] =	vst.idx.msk $0xffff, v5  }
0x214: {  	v5 =	vld.idx.msk [tilespmem:v3+s20+$0x5240], $0xffff  }
0x215: {  	v7 =	vld.idx.msk [tilespmem:v0+s20+$0x5240], $0xffff  }
0x216: {  	v8 =	vld.idx.msk [tilespmem:v2+s20+$0x5240], $0xffff  }
0x217: {  	v9 =	vld.idx.msk [tilespmem:v1+s20+$0x5240], $0xffff  }
0x218: {  	v10 =	vld.idx.msk [tilespmem:v0+s21+$0x5140], $0xffff  }
0x219: {  	v6 =	vld.idx.msk [tilespmem:v3+s21+$0x5140], $0xffff;
	_ =	sdelay $0x1  }
0x21a: {  	v34 =	vand.u32 $0x7FFFFFFF, v7;
	v35 =	vand.u32 $0x7FFFFFFF, v8;
	v36 =	vand.u32 $0x7FFFFFFF, v5  }
0x21b: {  	v37 =	vand.u32 $0x7FFFFFFF, v9;
	v13 =	vadd.f32 $1.000000010e-07, v35;
	v14 =	vadd.f32 $1.000000010e-07, v36  }
0x21c: {  	v12 =	vadd.f32 $1.000000010e-07, v34;
	v15 =	vadd.f32 $1.000000010e-07, v37  }
0x21d: {  	v40 =	vand.u32 $0x7FFFFFFF, v11;
	v39 =	vand.u32 $0x7FFFFFFF, v10;
	v38 =	vand.u32 $0x7FFFFFFF, v6  }
0x21e: {  	vm11 =	vge.f32 v13, v14;
	vm12 =	vge.f32 v12, v15;
	vm13 =	vge.f32 v12, v13  }
0x21f: {  	vm14 =	vge.f32 v12, v14;
	vm15 =	vge.f32 v15, v13;
	vm8 =	vge.f32 v15, v14  }
0x220: {  	v42 =	vld.idx.msk [tilespmem:v2+s21+$0x5140], $0xffff;
	v41 =	vsel vm12, $0x1, v4;
	v43 =	vsel vm13, $0x1, v4;
	v44 =	vsel vm14, $0x1, v4  }
0x221: {  	v46 =	vsel vm15, $0x1, v4;
	v47 =	vsel vm8, $0x1, v4;
	v45 =	vadd.s32 v41, v43  }
0x222: {  	v48 =	vsel vm11, $0x1, v4;
	v21 =	vadd.s32 v46, v47;
	v14 =	vadd.s32 v44, v45  }
0x223: {  	v49 =	vadd.s32 v46, v43;
	vm10 =	vgt.u32 v21, v41;
	vm9 =	vgt.u32 v14, $0x1  }
0x224: {  	vm11 =	vle.u32 v49, v48;
	v7 =	vnsel vm9, $0x0, v7;
	vm0 =	vmxor vm9, vm10  }
0x225: {  	[tilespmem:v0+s20+$0xF440] =	vst.idx.msk $0xffff, v7;
	v7 =	vnsel vm10, $0x0, v9;
	v9 =	vand.u32 $0x7FFFFFFF, v42;
	vm0 =	vmxor vm11, vm0  }
0x226: {  	[tilespmem:v1+s20+$0xF440] =	vst.idx.msk $0xffff, v7;
	v7 =	vnsel vm11, $0x0, v8;
	v8 =	vadd.f32 $1.000000010e-07, v9;
	v9 =	vadd.f32 $1.000000010e-07, v38  }
0x227: {  	v50 =	vadd.f32 $1.000000010e-07, v40;
	v5 =	vnsel vm0, $0x0, v5;
	[tilespmem:v2+s20+$0xF440] =	vst.idx.msk $0xffff, v7;
	v7 =	vadd.f32 $1.000000010e-07, v39  }
0x228: {  	[tilespmem:v3+s20+$0xF440] =	vst.idx.msk $0xffff, v5;
	vm12 =	vge.f32 v8, v9  }
0x229: {  	vm14 =	vge.f32 v50, v8;
	vm15 =	vge.f32 v50, v9;
	v5 =	vld.idx.msk [tilespmem:v3+s20+$0x5280], $0xffff;
	vm13 =	vge.f32 v7, v9  }
0x22a: {  	v9 =	vld.idx.msk [tilespmem:v0+s20+$0x5280], $0xffff;
	vm8 =	vge.f32 v7, v50;
	vm9 =	vge.f32 v7, v8;
	v7 =	vsel vm12, $0x1, v4  }
0x22b: {  	v8 =	vld.idx.msk [tilespmem:v2+s20+$0x5280], $0xffff;
	v54 =	vsel vm14, $0x1, v4;
	v12 =	vsel vm8, $0x1, v4;
	v51 =	vsel vm9, $0x1, v4  }
0x22c: {  	v53 =	vld.idx.msk [tilespmem:v1+s20+$0x5280], $0xffff;
	v55 =	vsel vm15, $0x1, v4;
	v52 =	vsel vm13, $0x1, v4;
	v56 =	vadd.s32 v12, v51  }
0x22d: {  	v18 =	vadd.s32 v54, v55;
	v14 =	vadd.s32 v54, v51;
	v15 =	vadd.s32 v52, v56  }
0x22e: {  	vm11 =	vgt.u32 v18, v12;
	vm12 =	vle.u32 v14, v7;
	vm10 =	vgt.u32 v15, $0x1  }
0x22f: {  	v7 =	vnsel vm11, $0x0, v11;
	v11 =	vnsel vm12, $0x0, v42;
	vm13 =	vmxor vm10, vm11  }
0x230: {  	v57 =	vand.u32 $0x7FFFFFFF, v9;
	v58 =	vand.u32 $0x7FFFFFFF, v8;
	v59 =	vand.u32 $0x7FFFFFFF, v5  }
0x231: {  	v60 =	vand.u32 $0x7FFFFFFF, v53;
	v13 =	vadd.f32 $1.000000010e-07, v58;
	v14 =	vadd.f32 $1.000000010e-07, v59  }
0x232: {  	vm14 =	vmxor vm12, vm13;
	v12 =	vadd.f32 $1.000000010e-07, v57;
	v15 =	vadd.f32 $1.000000010e-07, v60  }
0x233: {  	v10 =	vnsel vm10, $0x0, v10;
	v6 =	vnsel vm14, $0x0, v6;
	vm15 =	vge.f32 v13, v14  }
0x234: {  	vm8 =	vge.f32 v12, v15;
	vm9 =	vge.f32 v12, v13;
	vm10 =	vge.f32 v12, v14  }
0x235: {  	vm11 =	vge.f32 v15, v13;
	v61 =	vsel vm8, $0x1, v4;
	v62 =	vsel vm9, $0x1, v4  }
0x236: {  	[tilespmem:v0+s21+$0xF340] =	vst.idx.msk $0xffff, v10;
	vm12 =	vge.f32 v15, v14;
	v10 =	vsel vm10, $0x1, v4;
	v63 =	vadd.s32 v61, v62  }
0x237: {  	[tilespmem:v1+s21+$0xF340] =	vst.idx.msk $0xffff, v7;
	v7 =	vsel vm11, $0x1, v4;
	v15 =	vsel vm12, $0x1, v4;
	v10 =	vadd.s32 v10, v63  }
0x238: {  	[tilespmem:v2+s21+$0xF340] =	vst.idx.msk $0xffff, v11;
	v11 =	vsel vm15, $0x1, v4;
	vm13 =	vgt.u32 v10, $0x1;
	v10 =	vadd.s32 v7, v15  }
0x239: {  	[tilespmem:v3+s21+$0xF340] =	vst.idx.msk $0xffff, v6;
	v6 =	vadd.s32 v7, v62;
	vm14 =	vgt.u32 v10, v61;
	v7 =	vnsel vm13, $0x0, v9  }
0x23a: {  	vm15 =	vle.u32 v6, v11;
	vm0 =	vmxor vm13, vm14;
	[tilespmem:v0+s20+$0xF480] =	vst.idx.msk $0xffff, v7;
	v6 =	vnsel vm14, $0x0, v53  }
0x23b: {  	vm0 =	vmxor vm15, vm0;
	[tilespmem:v1+s20+$0xF480] =	vst.idx.msk $0xffff, v6;
	v6 =	vnsel vm15, $0x0, v8  }
0x23c: {  	v9 =	vld.idx.msk [tilespmem:v3+s21+$0x5180], $0xffff;
	[tilespmem:v2+s20+$0xF480] =	vst.idx.msk $0xffff, v6;
	v5 =	vnsel vm0, $0x0, v5  }
0x23d: {  	v10 =	vld.idx.msk [tilespmem:v0+s21+$0x5180], $0xffff;
	[tilespmem:v3+s20+$0xF480] =	vst.idx.msk $0xffff, v5  }
0x23e: {  	v5 =	vld.idx.msk [tilespmem:v3+s20+$0x52C0], $0xffff  }
0x23f: {  	v7 =	vld.idx.msk [tilespmem:v0+s20+$0x52C0], $0xffff  }
0x240: {  	v6 =	vld.idx.msk [tilespmem:v2+s20+$0x52C0], $0xffff  }
0x241: {  	s19 =	sadd.s32 s19, s6;
	s22 =	simm.s32 $0x1200;
	v8 =	vld.idx.msk [tilespmem:v1+s20+$0x52C0], $0xffff  }
.LBB2_5:
0x242: {  	p0 =	sne.s32 s22, $0x13B00;
	v11 =	vld.idx.msk [tilespmem:v1+s21+$0x5180], $0xffff  }
0x243: {  	v12 =	vld.idx.msk [tilespmem:v2+s21+$0x5180], $0xffff;
	_ =	sdelay $0x1  }
0x244: {  	v13 =	vand.u32 $0x7FFFFFFF, v10;
	v14 =	vand.u32 $0x7FFFFFFF, v9  }
0x245: {  	v17 =	vand.u32 $0x7FFFFFFF, v5;
	v15 =	vand.u32 $0x7FFFFFFF, v7;
	v16 =	vand.u32 $0x7FFFFFFF, v6  }
0x246: {  	v17 =	vadd.f32 $1.000000010e-07, v17;
	v18 =	vand.u32 $0x7FFFFFFF, v8;
	v16 =	vadd.f32 $1.000000010e-07, v16  }
0x247: {  	v15 =	vadd.f32 $1.000000010e-07, v15;
	v19 =	vand.u32 $0x7FFFFFFF, v11;
	v18 =	vadd.f32 $1.000000010e-07, v18  }
0x248: {  	v14 =	vadd.f32 $1.000000010e-07, v14;
	v20 =	vand.u32 $0x7FFFFFFF, v12;
	vm0 =	vge.f32 v16, v17  }
0x249: {  	vm3 =	vge.f32 v15, v17;
	vm2 =	vge.f32 v15, v16;
	vm1 =	vge.f32 v15, v18  }
0x24a: {  	vm4 =	vge.f32 v18, v16;
	v16 =	vsel vm2, $0x1, v4;
	v15 =	vsel vm1, $0x1, v4  }
0x24b: {  	vm1 =	vge.f32 v18, v17;
	v17 =	vsel vm3, $0x1, v4;
	v18 =	vadd.s32 v15, v16  }
0x24c: {  	v21 =	vsel vm4, $0x1, v4;
	v22 =	vsel vm1, $0x1, v4;
	v17 =	vadd.s32 v17, v18  }
0x24d: {  	v18 =	vsel vm0, $0x1, v4;
	vm0 =	vgt.u32 v17, $0x1;
	v17 =	vadd.s32 v21, v22  }
0x24e: {  	vm1 =	vgt.u32 v17, v15;
	v15 =	vadd.s32 v21, v16;
	v7 =	vnsel vm0, $0x0, v7  }
0x24f: {  	vm2 =	vle.u32 v15, v18;
	vm0 =	vmxor vm0, vm1;
	[tilespmem:v0+s20+$0xF4C0] =	vst.idx.msk $0xffff, v7;
	v7 =	vnsel vm1, $0x0, v8  }
0x250: {  	v8 =	vadd.f32 $1.000000010e-07, v13;
	vm0 =	vmxor vm2, vm0;
	v6 =	vnsel vm2, $0x0, v6;
	[tilespmem:v1+s20+$0xF4C0] =	vst.idx.msk $0xffff, v7  }
0x251: {  	v13 =	vadd.f32 $1.000000010e-07, v20;
	v7 =	vadd.f32 $1.000000010e-07, v19;
	v5 =	vnsel vm0, $0x0, v5;
	[tilespmem:v2+s20+$0xF4C0] =	vst.idx.msk $0xffff, v6  }
0x252: {  	[tilespmem:v3+s20+$0xF4C0] =	vst.idx.msk $0xffff, v5  }
0x253: {  	vm0 =	vge.f32 v8, v14;
	vm2 =	vge.f32 v13, v14;
	vm1 =	vge.f32 v7, v13;
	v15 =	vld.idx.msk [tilespmem:v3+s20+$0x5300], $0xffff  }
0x254: {  	vm4 =	vge.f32 v8, v13;
	vm3 =	vge.f32 v8, v7;
	vm5 =	vge.f32 v7, v14;
	v7 =	vld.idx.msk [tilespmem:v0+s20+$0x5300], $0xffff  }
0x255: {  	v6 =	vsel vm4, $0x1, v4;
	v8 =	vsel vm0, $0x1, v4;
	v5 =	vsel vm3, $0x1, v4;
	v13 =	vld.idx.msk [tilespmem:v2+s20+$0x5300], $0xffff  }
0x256: {  	v14 =	vsel vm1, $0x1, v4;
	v16 =	vsel vm5, $0x1, v4;
	v17 =	vadd.s32 v5, v6;
	v18 =	vld.idx.msk [tilespmem:v1+s20+$0x5300], $0xffff  }
0x257: {  	v19 =	vsel vm2, $0x1, v4;
	v16 =	vadd.s32 v14, v16;
	v8 =	vadd.s32 v8, v17  }
0x258: {  	vm1 =	vgt.u32 v16, v5;
	v5 =	vadd.s32 v14, v6;
	vm0 =	vgt.u32 v8, $0x1  }
0x259: {  	vm2 =	vle.u32 v5, v19;
	v5 =	vnsel vm1, $0x0, v11;
	vm3 =	vmxor vm0, vm1  }
0x25a: {  	v6 =	vnsel vm0, $0x0, v10;
	v8 =	vnsel vm2, $0x0, v12;
	vm1 =	vmxor vm2, vm3  }
0x25b: {  	v11 =	vand.u32 $0x7FFFFFFF, v15;
	v10 =	vand.u32 $0x7FFFFFFF, v13;
	[tilespmem:v0+s21+$0xF380] =	vst.idx.msk $0xffff, v6;
	v6 =	vand.u32 $0x7FFFFFFF, v7  }
0x25c: {  	v11 =	vadd.f32 $1.000000010e-07, v11;
	v10 =	vadd.f32 $1.000000010e-07, v10;
	[tilespmem:v1+s21+$0xF380] =	vst.idx.msk $0xffff, v5;
	v5 =	vand.u32 $0x7FFFFFFF, v18  }
0x25d: {  	s23 =	sshra.s32 s22, $0x2;
	v6 =	vadd.f32 $1.000000010e-07, v6;
	[tilespmem:v2+s21+$0xF380] =	vst.idx.msk $0xffff, v8;
	v8 =	vnsel vm1, $0x0, v9;
	v9 =	vadd.f32 $1.000000010e-07, v5  }
0x25e: {  	vm0 =	vge.f32 v10, v11;
	v5 =	vld.idx.msk [tilespmem:v3+s23+$0x5100], $0xffff;
	[tilespmem:v3+s21+$0xF380] =	vst.idx.msk $0xffff, v8  }
0x25f: {  	vm2 =	vge.f32 v6, v10;
	vm3 =	vge.f32 v6, v11;
	v8 =	vld.idx.msk [tilespmem:v3+s21+$0x51C0], $0xffff;
	vm1 =	vge.f32 v6, v9  }
0x260: {  	vm4 =	vge.f32 v9, v10;
	v14 =	vsel vm2, $0x1, v4;
	v12 =	vld.idx.msk [tilespmem:v0+s21+$0x51C0], $0xffff;
	v10 =	vsel vm1, $0x1, v4  }
0x261: {  	v6 =	vsel vm3, $0x1, v4;
	vm1 =	vge.f32 v9, v11;
	v16 =	vld.idx.msk [tilespmem:v2+s21+$0x51C0], $0xffff;
	v9 =	vadd.s32 v10, v14  }
0x262: {  	v17 =	vsel vm4, $0x1, v4;
	v19 =	vsel vm1, $0x1, v4;
	v11 =	vld.idx.msk [tilespmem:v1+s21+$0x51C0], $0xffff;
	v9 =	vadd.s32 v6, v9  }
0x263: {  	v20 =	vsel vm0, $0x1, v4;
	v6 =	vld.idx.msk [tilespmem:v0+s23+$0x5100], $0xffff;
	vm0 =	vgt.u32 v9, $0x1;
	v9 =	vadd.s32 v17, v19  }
0x264: {  	v19 =	vld.idx.msk [tilespmem:v1+s23+$0x5100], $0xffff;
	vm1 =	vgt.u32 v9, v10;
	v9 =	vadd.s32 v17, v14;
	v7 =	vnsel vm0, $0x0, v7  }
0x265: {  	vm2 =	vle.u32 v9, v20;
	vm0 =	vmxor vm0, vm1;
	[tilespmem:v0+s20+$0xF500] =	vst.idx.msk $0xffff, v7;
	v7 =	vnsel vm1, $0x0, v18  }
0x266: {  	v9 =	vand.u32 $0x7FFFFFFF, v8;
	vm0 =	vmxor vm2, vm0;
	[tilespmem:v1+s20+$0xF500] =	vst.idx.msk $0xffff, v7;
	v7 =	vnsel vm2, $0x0, v13  }
0x267: {  	v10 =	vand.u32 $0x7FFFFFFF, v12;
	v13 =	vand.u32 $0x7FFFFFFF, v16;
	[tilespmem:v2+s20+$0xF500] =	vst.idx.msk $0xffff, v7;
	v7 =	vnsel vm0, $0x0, v15  }
0x268: {  	v9 =	vadd.f32 $1.000000010e-07, v9;
	v14 =	vand.u32 $0x7FFFFFFF, v11;
	v13 =	vadd.f32 $1.000000010e-07, v13;
	[tilespmem:v3+s20+$0xF500] =	vst.idx.msk $0xffff, v7;
	s20 =	smov.u32 s21;
	s21 =	smov.u32 s23  }
0x269: {  	v10 =	vadd.f32 $1.000000010e-07, v10;
	v7 =	vand.u32 $0x7FFFFFFF, v5;
	v14 =	vadd.f32 $1.000000010e-07, v14  }
0x26a: {  	v15 =	vand.u32 $0x7FFFFFFF, v6;
	v17 =	vand.u32 $0x7FFFFFFF, v19;
	vm0 =	vge.f32 v13, v9  }
0x26b: {  	vm3 =	vge.f32 v10, v9;
	vm2 =	vge.f32 v10, v13;
	vm1 =	vge.f32 v10, v14  }
0x26c: {  	vm4 =	vge.f32 v14, v13;
	v18 =	vsel vm2, $0x1, v4;
	v13 =	vsel vm1, $0x1, v4;
	v10 =	vld.idx.msk [tilespmem:v2+s21+$0x5100], $0xffff  }
0x26d: {  	vm1 =	vge.f32 v14, v9;
	v9 =	vsel vm3, $0x1, v4;
	v14 =	vadd.s32 v13, v18  }
0x26e: {  	v20 =	vsel vm4, $0x1, v4;
	v21 =	vsel vm1, $0x1, v4;
	v9 =	vadd.s32 v9, v14  }
0x26f: {  	v14 =	vsel vm0, $0x1, v4;
	vm0 =	vgt.u32 v9, $0x1;
	v9 =	vadd.s32 v20, v21  }
0x270: {  	vm1 =	vgt.u32 v9, v13;
	v9 =	vadd.s32 v20, v18;
	v12 =	vnsel vm0, $0x0, v12  }
0x271: {  	vm2 =	vle.u32 v9, v14;
	vm0 =	vmxor vm0, vm1;
	v9 =	vnsel vm1, $0x0, v11;
	[tilespmem:v0+s20+$0xF3C0] =	vst.idx.msk $0xffff, v12  }
0x272: {  	v11 =	vand.u32 $0x7FFFFFFF, v10;
	vm0 =	vmxor vm2, vm0;
	[tilespmem:v1+s20+$0xF3C0] =	vst.idx.msk $0xffff, v9;
	v9 =	vnsel vm2, $0x0, v16  }
0x273: {  	v7 =	vadd.f32 $1.000000010e-07, v7;
	v11 =	vadd.f32 $1.000000010e-07, v11;
	v8 =	vnsel vm0, $0x0, v8;
	[tilespmem:v2+s20+$0xF3C0] =	vst.idx.msk $0xffff, v9  }
0x274: {  	v12 =	vadd.f32 $1.000000010e-07, v17;
	v9 =	vadd.f32 $1.000000010e-07, v15;
	[tilespmem:v3+s20+$0xF3C0] =	vst.idx.msk $0xffff, v8  }
0x275: {  	vm0 =	vge.f32 v11, v7;
	v8 =	vld.idx.msk [tilespmem:v3+s20+$0x5200], $0xffff  }
0x276: {  	vm3 =	vge.f32 v12, v7;
	vm2 =	vge.f32 v12, v11;
	vm1 =	vge.f32 v9, v7;
	v7 =	vld.idx.msk [tilespmem:v0+s20+$0x5200], $0xffff  }
0x277: {  	vm4 =	vge.f32 v9, v12;
	vm5 =	vge.f32 v9, v11;
	v9 =	vsel vm0, $0x1, v4;
	v11 =	vld.idx.msk [tilespmem:v2+s20+$0x5200], $0xffff  }
0x278: {  	v12 =	vsel vm4, $0x1, v4;
	v13 =	vsel vm5, $0x1, v4;
	v14 =	vsel vm1, $0x1, v4;
	v15 =	vld.idx.msk [tilespmem:v1+s20+$0x5200], $0xffff  }
0x279: {  	v17 =	vsel vm3, $0x1, v4;
	v16 =	vsel vm2, $0x1, v4;
	v18 =	vadd.s32 v12, v13  }
0x27a: {  	v17 =	vadd.s32 v16, v17;
	v13 =	vadd.s32 v16, v13;
	v14 =	vadd.s32 v14, v18  }
0x27b: {  	vm1 =	vgt.u32 v17, v12;
	vm2 =	vle.u32 v13, v9;
	vm0 =	vgt.u32 v14, $0x1  }
0x27c: {  	v9 =	vnsel vm1, $0x0, v19;
	v10 =	vnsel vm2, $0x0, v10;
	vm3 =	vmxor vm0, vm1  }
0x27d: {  	v14 =	vand.u32 $0x7FFFFFFF, v8;
	v12 =	vand.u32 $0x7FFFFFFF, v7;
	v13 =	vand.u32 $0x7FFFFFFF, v11  }
0x27e: {  	v14 =	vadd.f32 $1.000000010e-07, v14;
	v16 =	vand.u32 $0x7FFFFFFF, v15;
	v13 =	vadd.f32 $1.000000010e-07, v13  }
0x27f: {  	vm1 =	vmxor vm2, vm3;
	v12 =	vadd.f32 $1.000000010e-07, v12;
	v16 =	vadd.f32 $1.000000010e-07, v16  }
0x280: {  	v6 =	vnsel vm0, $0x0, v6;
	v5 =	vnsel vm1, $0x0, v5;
	vm0 =	vge.f32 v13, v14  }
0x281: {  	vm3 =	vge.f32 v12, v14;
	vm2 =	vge.f32 v12, v13;
	vm1 =	vge.f32 v12, v16  }
0x282: {  	vm4 =	vge.f32 v16, v13;
	v13 =	vsel vm2, $0x1, v4;
	v12 =	vsel vm1, $0x1, v4  }
0x283: {  	vm1 =	vge.f32 v16, v14;
	v14 =	vadd.s32 v12, v13;
	[tilespmem:v0+s21+$0xF300] =	vst.idx.msk $0xffff, v6;
	v6 =	vsel vm3, $0x1, v4  }
0x284: {  	v16 =	vsel vm1, $0x1, v4;
	[tilespmem:v1+s21+$0xF300] =	vst.idx.msk $0xffff, v9;
	v9 =	vsel vm4, $0x1, v4;
	v6 =	vadd.s32 v6, v14  }
0x285: {  	[tilespmem:v2+s21+$0xF300] =	vst.idx.msk $0xffff, v10;
	v10 =	vsel vm0, $0x1, v4;
	vm0 =	vgt.u32 v6, $0x1;
	v6 =	vadd.s32 v9, v16  }
0x286: {  	[tilespmem:v3+s21+$0xF300] =	vst.idx.msk $0xffff, v5;
	vm1 =	vgt.u32 v6, v12;
	v5 =	vadd.s32 v9, v13;
	v6 =	vnsel vm0, $0x0, v7  }
0x287: {  	vm2 =	vle.u32 v5, v10;
	vm0 =	vmxor vm0, vm1;
	[tilespmem:v0+s20+$0xF400] =	vst.idx.msk $0xffff, v6;
	v5 =	vnsel vm1, $0x0, v15  }
0x288: {  	vm0 =	vmxor vm2, vm0;
	[tilespmem:v1+s20+$0xF400] =	vst.idx.msk $0xffff, v5;
	v5 =	vnsel vm2, $0x0, v11  }
0x289: {  	[tilespmem:v2+s20+$0xF400] =	vst.idx.msk $0xffff, v5;
	v5 =	vnsel vm0, $0x0, v8  }
0x28a: {  	v6 =	vld.idx.msk [tilespmem:v3+s21+$0x5140], $0xffff;
	[tilespmem:v3+s20+$0xF400] =	vst.idx.msk $0xffff, v5  }
0x28b: {  	v5 =	vld.idx.msk [tilespmem:v3+s20+$0x5240], $0xffff  }
0x28c: {  	v7 =	vld.idx.msk [tilespmem:v0+s20+$0x5240], $0xffff  }
0x28d: {  	v8 =	vld.idx.msk [tilespmem:v2+s20+$0x5240], $0xffff  }
0x28e: {  	v9 =	vld.idx.msk [tilespmem:v1+s20+$0x5240], $0xffff  }
0x28f: {  	v10 =	vld.idx.msk [tilespmem:v0+s21+$0x5140], $0xffff  }
0x290: {  	v11 =	vld.idx.msk [tilespmem:v1+s21+$0x5140], $0xffff;
	_ =	sdelay $0x2  }
0x291: {  	v14 =	vand.u32 $0x7FFFFFFF, v5;
	v12 =	vand.u32 $0x7FFFFFFF, v7;
	v13 =	vand.u32 $0x7FFFFFFF, v8  }
0x292: {  	v14 =	vadd.f32 $1.000000010e-07, v14;
	v15 =	vand.u32 $0x7FFFFFFF, v9;
	v13 =	vadd.f32 $1.000000010e-07, v13  }
0x293: {  	v16 =	vand.u32 $0x7FFFFFFF, v6;
	v12 =	vadd.f32 $1.000000010e-07, v12;
	v15 =	vadd.f32 $1.000000010e-07, v15  }
0x294: {  	v17 =	vand.u32 $0x7FFFFFFF, v10;
	v18 =	vand.u32 $0x7FFFFFFF, v11;
	vm0 =	vge.f32 v13, v14  }
0x295: {  	vm3 =	vge.f32 v12, v14;
	vm2 =	vge.f32 v12, v13;
	vm1 =	vge.f32 v12, v15  }
0x296: {  	vm4 =	vge.f32 v15, v13;
	v19 =	vsel vm2, $0x1, v4;
	v13 =	vsel vm1, $0x1, v4;
	v12 =	vld.idx.msk [tilespmem:v2+s21+$0x5140], $0xffff  }
0x297: {  	vm1 =	vge.f32 v15, v14;
	v14 =	vsel vm3, $0x1, v4;
	v15 =	vadd.s32 v13, v19  }
0x298: {  	v20 =	vsel vm4, $0x1, v4;
	v21 =	vsel vm1, $0x1, v4;
	v14 =	vadd.s32 v14, v15  }
0x299: {  	v15 =	vsel vm0, $0x1, v4;
	vm0 =	vgt.u32 v14, $0x1;
	v14 =	vadd.s32 v20, v21  }
0x29a: {  	vm1 =	vgt.u32 v14, v13;
	v13 =	vadd.s32 v20, v19;
	v7 =	vnsel vm0, $0x0, v7  }
0x29b: {  	vm2 =	vle.u32 v13, v15;
	vm0 =	vmxor vm0, vm1;
	[tilespmem:v0+s20+$0xF440] =	vst.idx.msk $0xffff, v7;
	v7 =	vnsel vm1, $0x0, v9  }
0x29c: {  	v9 =	vand.u32 $0x7FFFFFFF, v12;
	vm0 =	vmxor vm2, vm0;
	[tilespmem:v1+s20+$0xF440] =	vst.idx.msk $0xffff, v7;
	v7 =	vnsel vm2, $0x0, v8  }
0x29d: {  	v8 =	vadd.f32 $1.000000010e-07, v9;
	v9 =	vadd.f32 $1.000000010e-07, v16;
	v5 =	vnsel vm0, $0x0, v5;
	[tilespmem:v2+s20+$0xF440] =	vst.idx.msk $0xffff, v7  }
0x29e: {  	v13 =	vadd.f32 $1.000000010e-07, v18;
	v7 =	vadd.f32 $1.000000010e-07, v17;
	[tilespmem:v3+s20+$0xF440] =	vst.idx.msk $0xffff, v5  }
0x29f: {  	vm0 =	vge.f32 v8, v9;
	v5 =	vld.idx.msk [tilespmem:v3+s20+$0x5280], $0xffff  }
0x2a0: {  	vm2 =	vge.f32 v13, v8;
	vm3 =	vge.f32 v13, v9;
	vm1 =	vge.f32 v7, v9;
	v9 =	vld.idx.msk [tilespmem:v0+s20+$0x5280], $0xffff  }
0x2a1: {  	vm4 =	vge.f32 v7, v13;
	vm5 =	vge.f32 v7, v8;
	v7 =	vsel vm0, $0x1, v4;
	v8 =	vld.idx.msk [tilespmem:v2+s20+$0x5280], $0xffff  }
0x2a2: {  	v13 =	vsel vm4, $0x1, v4;
	v14 =	vsel vm5, $0x1, v4;
	v15 =	vsel vm1, $0x1, v4;
	v16 =	vld.idx.msk [tilespmem:v1+s20+$0x5280], $0xffff  }
0x2a3: {  	v17 =	vsel vm2, $0x1, v4;
	v18 =	vsel vm3, $0x1, v4;
	v19 =	vadd.s32 v13, v14  }
0x2a4: {  	v18 =	vadd.s32 v17, v18;
	v14 =	vadd.s32 v17, v14;
	v15 =	vadd.s32 v15, v19  }
0x2a5: {  	vm1 =	vgt.u32 v18, v13;
	vm2 =	vle.u32 v14, v7;
	vm0 =	vgt.u32 v15, $0x1  }
0x2a6: {  	v7 =	vnsel vm1, $0x0, v11;
	v11 =	vnsel vm2, $0x0, v12;
	vm3 =	vmxor vm0, vm1  }
0x2a7: {  	v14 =	vand.u32 $0x7FFFFFFF, v5;
	v12 =	vand.u32 $0x7FFFFFFF, v9;
	v13 =	vand.u32 $0x7FFFFFFF, v8  }
0x2a8: {  	v14 =	vadd.f32 $1.000000010e-07, v14;
	v15 =	vand.u32 $0x7FFFFFFF, v16;
	v13 =	vadd.f32 $1.000000010e-07, v13  }
0x2a9: {  	vm1 =	vmxor vm2, vm3;
	v12 =	vadd.f32 $1.000000010e-07, v12;
	v15 =	vadd.f32 $1.000000010e-07, v15  }
0x2aa: {  	v10 =	vnsel vm0, $0x0, v10;
	v6 =	vnsel vm1, $0x0, v6;
	vm0 =	vge.f32 v13, v14  }
0x2ab: {  	vm3 =	vge.f32 v12, v14;
	vm2 =	vge.f32 v12, v13;
	vm1 =	vge.f32 v12, v15  }
0x2ac: {  	vm4 =	vge.f32 v15, v13;
	v13 =	vsel vm2, $0x1, v4;
	v12 =	vsel vm1, $0x1, v4  }
0x2ad: {  	vm1 =	vge.f32 v15, v14;
	v14 =	vadd.s32 v12, v13;
	[tilespmem:v0+s21+$0xF340] =	vst.idx.msk $0xffff, v10;
	v10 =	vsel vm3, $0x1, v4  }
0x2ae: {  	v15 =	vsel vm1, $0x1, v4;
	[tilespmem:v1+s21+$0xF340] =	vst.idx.msk $0xffff, v7;
	v7 =	vsel vm4, $0x1, v4;
	v10 =	vadd.s32 v10, v14  }
0x2af: {  	[tilespmem:v2+s21+$0xF340] =	vst.idx.msk $0xffff, v11;
	v11 =	vsel vm0, $0x1, v4;
	vm0 =	vgt.u32 v10, $0x1;
	v10 =	vadd.s32 v7, v15  }
0x2b0: {  	[tilespmem:v3+s21+$0xF340] =	vst.idx.msk $0xffff, v6;
	vm1 =	vgt.u32 v10, v12;
	v6 =	vadd.s32 v7, v13;
	v7 =	vnsel vm0, $0x0, v9  }
0x2b1: {  	vm2 =	vle.u32 v6, v11;
	vm0 =	vmxor vm0, vm1;
	[tilespmem:v0+s20+$0xF480] =	vst.idx.msk $0xffff, v7;
	v6 =	vnsel vm1, $0x0, v16  }
0x2b2: {  	vm0 =	vmxor vm2, vm0;
	[tilespmem:v1+s20+$0xF480] =	vst.idx.msk $0xffff, v6;
	v6 =	vnsel vm2, $0x0, v8  }
0x2b3: {  	v9 =	vld.idx.msk [tilespmem:v3+s21+$0x5180], $0xffff;
	[tilespmem:v2+s20+$0xF480] =	vst.idx.msk $0xffff, v6;
	v5 =	vnsel vm0, $0x0, v5  }
.Ltmp3:
0x2b4: {  	v10 =	vld.idx.msk [tilespmem:v0+s21+$0x5180], $0xffff;
	[tilespmem:v3+s20+$0xF480] =	vst.idx.msk $0xffff, v5;
	(pc) =	sbr.rel @p0 .LBB2_5-.Ltmp3, $4  }
0x2b5: {  	v5 =	vld.idx.msk [tilespmem:v3+s20+$0x52C0], $0xffff  }
0x2b6: {  	v7 =	vld.idx.msk [tilespmem:v0+s20+$0x52C0], $0xffff  }
0x2b7: {  	v6 =	vld.idx.msk [tilespmem:v2+s20+$0x52C0], $0xffff  }
0x2b8: {  	s22 =	sadd.s32 $0x900, s22;
	v8 =	vld.idx.msk [tilespmem:v1+s20+$0x52C0], $0xffff  }
0x2b9: {  	_ =	sdelay $0x3  }
0x2ba: {  	v11 =	vld.idx.msk [tilespmem:v1+s21+$0x5180], $0xffff  }
0x2bb: {  	v12 =	vld.idx.msk [tilespmem:v2+s21+$0x5180], $0xffff;
	_ =	sdelay $0x2  }
0x2bc: {  	v14 =	vand.u32 $0x7FFFFFFF, v9  }
0x2bd: {  	v13 =	vand.u32 $0x7FFFFFFF, v10;
	v14 =	vadd.f32 $1.000000010e-07, v14  }
0x2be: {  	v13 =	vadd.f32 $1.000000010e-07, v13;
	v15 =	vand.u32 $0x7FFFFFFF, v11;
	v16 =	vand.u32 $0x7FFFFFFF, v12  }
0x2bf: {  	v15 =	vadd.f32 $1.000000010e-07, v15;
	v16 =	vadd.f32 $1.000000010e-07, v16  }
0x2c0: {  	vm0 =	vge.f32 v13, v14  }
0x2c1: {  	v62 =	vsel vm0, $0x1, v4;
	vm2 =	vge.f32 v13, v15;
	vm3 =	vge.f32 v13, v16  }
0x2c2: {  	vm1 =	vge.f32 v15, v16;
	v60 =	vsel vm2, $0x1, v4;
	v61 =	vsel vm3, $0x1, v4  }
0x2c3: {  	vm4 =	vge.f32 v16, v14;
	vm7 =	vge.f32 v15, v14;
	v63 =	vadd.s32 v60, v61  }
0x2c4: {  	v17 =	vsel vm1, $0x1, v4;
	v18 =	vsel vm7, $0x1, v4;
	v14 =	vadd.s32 v62, v63  }
0x2c5: {  	v21 =	vsel vm4, $0x1, v4;
	v18 =	vadd.s32 v17, v18;
	vm8 =	vgt.u32 v14, $0x1  }
0x2c6: {  	v22 =	vadd.s32 v17, v61;
	vm9 =	vgt.u32 v18, v60;
	v23 =	vnsel vm8, $0x0, v10  }
0x2c7: {  	vm10 =	vle.u32 v22, v21;
	v11 =	vnsel vm9, $0x0, v11;
	vm0 =	vmxor vm8, vm9;
	[tilespmem:v0+s21+$0xF380] =	vst.idx.msk $0xffff, v23  }
0x2c8: {  	v24 =	vnsel vm10, $0x0, v12;
	vm0 =	vmxor vm10, vm0;
	[tilespmem:v1+s21+$0xF380] =	vst.idx.msk $0xffff, v11  }
0x2c9: {  	v25 =	vnsel vm0, $0x0, v9;
	[tilespmem:v2+s21+$0xF380] =	vst.idx.msk $0xffff, v24  }
0x2ca: {  	[tilespmem:v3+s21+$0xF380] =	vst.idx.msk $0xffff, v25  }
0x2cb: {  	v9 =	vld.idx.msk [tilespmem:v3+s21+$0x51C0], $0xffff  }
0x2cc: {  	v10 =	vld.idx.msk [tilespmem:v0+s21+$0x51C0], $0xffff  }
0x2cd: {  	v11 =	vld.idx.msk [tilespmem:v2+s21+$0x51C0], $0xffff  }
0x2ce: {  	v26 =	vld.idx.msk [tilespmem:v1+s21+$0x51C0], $0xffff;
	_ =	sdelay $0x3  }
0x2cf: {  	v27 =	vand.u32 $0x7FFFFFFF, v9;
	v28 =	vand.u32 $0x7FFFFFFF, v10;
	v29 =	vand.u32 $0x7FFFFFFF, v11  }
0x2d0: {  	v30 =	vand.u32 $0x7FFFFFFF, v26;
	v15 =	vadd.f32 $1.000000010e-07, v29;
	v13 =	vadd.f32 $1.000000010e-07, v27  }
0x2d1: {  	v14 =	vadd.f32 $1.000000010e-07, v28;
	v16 =	vadd.f32 $1.000000010e-07, v30  }
0x2d2: {  	vm11 =	vge.f32 v15, v13  }
0x2d3: {  	vm12 =	vge.f32 v14, v16;
	vm13 =	vge.f32 v14, v15;
	vm14 =	vge.f32 v14, v13  }
0x2d4: {  	vm15 =	vge.f32 v16, v15;
	v31 =	vsel vm12, $0x1, v4;
	v32 =	vsel vm13, $0x1, v4  }
0x2d5: {  	vm7 =	vge.f32 v16, v13;
	v33 =	vsel vm14, $0x1, v4;
	v34 =	vadd.s32 v31, v32  }
0x2d6: {  	v35 =	vsel vm15, $0x1, v4;
	v36 =	vsel vm7, $0x1, v4;
	v13 =	vadd.s32 v33, v34  }
0x2d7: {  	v37 =	vsel vm11, $0x1, v4;
	v38 =	vadd.s32 v35, v36;
	vm8 =	vgt.u32 v13, $0x1  }
0x2d8: {  	v39 =	vadd.s32 v35, v32;
	vm9 =	vgt.u32 v38, v31;
	v10 =	vnsel vm8, $0x0, v10  }
0x2d9: {  	vm10 =	vle.u32 v39, v37;
	v40 =	vnsel vm9, $0x0, v26;
	vm0 =	vmxor vm8, vm9;
	[tilespmem:v0+s21+$0xF3C0] =	vst.idx.msk $0xffff, v10  }
0x2da: {  	v41 =	vnsel vm10, $0x0, v11;
	vm0 =	vmxor vm10, vm0;
	[tilespmem:v1+s21+$0xF3C0] =	vst.idx.msk $0xffff, v40  }
0x2db: {  	v9 =	vnsel vm0, $0x0, v9;
	[tilespmem:v2+s21+$0xF3C0] =	vst.idx.msk $0xffff, v41  }
0x2dc: {  	[tilespmem:v3+s21+$0xF3C0] =	vst.idx.msk $0xffff, v9  }
0x2dd: {  	v9 =	vld.idx.msk [tilespmem:v3+s21+$0x5200], $0xffff  }
0x2de: {  	v10 =	vld.idx.msk [tilespmem:v0+s21+$0x5200], $0xffff  }
0x2df: {  	v42 =	vld.idx.msk [tilespmem:v2+s21+$0x5200], $0xffff  }
0x2e0: {  	v43 =	vld.idx.msk [tilespmem:v1+s21+$0x5200], $0xffff;
	_ =	sdelay $0x3  }
0x2e1: {  	v44 =	vand.u32 $0x7FFFFFFF, v10;
	v45 =	vand.u32 $0x7FFFFFFF, v42;
	v46 =	vand.u32 $0x7FFFFFFF, v9  }
0x2e2: {  	v47 =	vand.u32 $0x7FFFFFFF, v43;
	v14 =	vadd.f32 $1.000000010e-07, v45;
	v15 =	vadd.f32 $1.000000010e-07, v46  }
0x2e3: {  	v13 =	vadd.f32 $1.000000010e-07, v44;
	v16 =	vadd.f32 $1.000000010e-07, v47  }
0x2e4: {  	vm11 =	vge.f32 v14, v15  }
0x2e5: {  	vm12 =	vge.f32 v13, v16;
	vm13 =	vge.f32 v13, v14;
	vm14 =	vge.f32 v13, v15  }
0x2e6: {  	vm15 =	vge.f32 v16, v14;
	v48 =	vsel vm12, $0x1, v4;
	v49 =	vsel vm13, $0x1, v4  }
0x2e7: {  	vm7 =	vge.f32 v16, v15;
	v50 =	vsel vm14, $0x1, v4;
	v51 =	vadd.s32 v48, v49  }
0x2e8: {  	v52 =	vsel vm15, $0x1, v4;
	v53 =	vsel vm7, $0x1, v4;
	v15 =	vadd.s32 v50, v51  }
0x2e9: {  	v54 =	vsel vm11, $0x1, v4;
	v55 =	vadd.s32 v52, v53;
	vm8 =	vgt.u32 v15, $0x1  }
0x2ea: {  	v56 =	vadd.s32 v52, v49;
	vm9 =	vgt.u32 v55, v48;
	v10 =	vnsel vm8, $0x0, v10  }
0x2eb: {  	vm10 =	vle.u32 v56, v54;
	v57 =	vnsel vm9, $0x0, v43;
	vm0 =	vmxor vm8, vm9;
	[tilespmem:v0+s21+$0xF400] =	vst.idx.msk $0xffff, v10  }
0x2ec: {  	v58 =	vnsel vm10, $0x0, v42;
	vm0 =	vmxor vm10, vm0;
	[tilespmem:v1+s21+$0xF400] =	vst.idx.msk $0xffff, v57  }
0x2ed: {  	v9 =	vnsel vm0, $0x0, v9;
	[tilespmem:v2+s21+$0xF400] =	vst.idx.msk $0xffff, v58  }
0x2ee: {  	[tilespmem:v3+s21+$0xF400] =	vst.idx.msk $0xffff, v9  }
0x2ef: {  	v9 =	vld.idx.msk [tilespmem:v3+s21+$0x5240], $0xffff  }
0x2f0: {  	v10 =	vld.idx.msk [tilespmem:v0+s21+$0x5240], $0xffff  }
0x2f1: {  	v59 =	vld.idx.msk [tilespmem:v2+s21+$0x5240], $0xffff  }
0x2f2: {  	v60 =	vld.idx.msk [tilespmem:v1+s21+$0x5240], $0xffff;
	_ =	sdelay $0x2  }
0x2f3: {  	v19 =	vand.u32 $0x7FFFFFFF, v5;
	v20 =	vand.u32 $0x7FFFFFFF, v8  }
0x2f4: {  	v63 =	vand.u32 $0x7FFFFFFF, v10;
	v21 =	vand.u32 $0x7FFFFFFF, v59;
	v22 =	vand.u32 $0x7FFFFFFF, v9  }
0x2f5: {  	v23 =	vand.u32 $0x7FFFFFFF, v60;
	v16 =	vadd.f32 $1.000000010e-07, v21;
	v17 =	vadd.f32 $1.000000010e-07, v22  }
0x2f6: {  	v61 =	vand.u32 $0x7FFFFFFF, v7;
	v15 =	vadd.f32 $1.000000010e-07, v63;
	v18 =	vadd.f32 $1.000000010e-07, v23  }
0x2f7: {  	v62 =	vand.u32 $0x7FFFFFFF, v6;
	v32 =	vadd.f32 $1.000000010e-07, v19;
	vm11 =	vge.f32 v16, v17  }
0x2f8: {  	vm12 =	vge.f32 v15, v18;
	vm13 =	vge.f32 v15, v16;
	vm14 =	vge.f32 v15, v17  }
0x2f9: {  	vm15 =	vge.f32 v18, v16;
	v24 =	vsel vm12, $0x1, v4;
	v25 =	vsel vm13, $0x1, v4  }
0x2fa: {  	vm7 =	vge.f32 v18, v17;
	v26 =	vsel vm14, $0x1, v4;
	v27 =	vadd.s32 v24, v25  }
0x2fb: {  	v21 =	vsel vm15, $0x1, v4;
	v22 =	vsel vm7, $0x1, v4;
	v17 =	vadd.s32 v26, v27  }
0x2fc: {  	v28 =	vsel vm11, $0x1, v4;
	v29 =	vadd.s32 v21, v22;
	vm8 =	vgt.u32 v17, $0x1  }
0x2fd: {  	v30 =	vadd.s32 v21, v25;
	vm9 =	vgt.u32 v29, v24;
	v10 =	vnsel vm8, $0x0, v10  }
0x2fe: {  	vm10 =	vle.u32 v30, v28;
	v31 =	vnsel vm9, $0x0, v60;
	vm0 =	vmxor vm8, vm9;
	[tilespmem:v0+s21+$0xF440] =	vst.idx.msk $0xffff, v10  }
0x2ff: {  	v14 =	vadd.f32 $1.000000010e-07, v62;
	v33 =	vnsel vm10, $0x0, v59;
	vm0 =	vmxor vm10, vm0;
	[tilespmem:v1+s21+$0xF440] =	vst.idx.msk $0xffff, v31  }
0x300: {  	v35 =	vadd.f32 $1.000000010e-07, v20;
	v34 =	vadd.f32 $1.000000010e-07, v61;
	v9 =	vnsel vm0, $0x0, v9;
	[tilespmem:v2+s21+$0xF440] =	vst.idx.msk $0xffff, v33  }
0x301: {  	vm11 =	vge.f32 v14, v32;
	[tilespmem:v3+s21+$0xF440] =	vst.idx.msk $0xffff, v9  }
0x302: {  	vm12 =	vge.f32 v34, v35;
	vm13 =	vge.f32 v34, v14;
	vm14 =	vge.f32 v34, v32;
	v9 =	vld.idx.msk [tilespmem:v3+s21+$0x5280], $0xffff  }
0x303: {  	vm15 =	vge.f32 v35, v14;
	v36 =	vsel vm12, $0x1, v4;
	v37 =	vsel vm13, $0x1, v4;
	v38 =	vld.idx.msk [tilespmem:v0+s21+$0x5280], $0xffff  }
0x304: {  	v39 =	vsel vm14, $0x1, v4;
	v42 =	vsel vm15, $0x1, v4;
	vm8 =	vge.f32 v35, v32;
	v41 =	vld.idx.msk [tilespmem:v2+s21+$0x5280], $0xffff  }
0x305: {  	v45 =	vsel vm11, $0x1, v4;
	v40 =	vadd.s32 v36, v37;
	v43 =	vsel vm8, $0x1, v4;
	v44 =	vld.idx.msk [tilespmem:v1+s21+$0x5280], $0xffff  }
0x306: {  	v47 =	vadd.s32 v42, v37;
	v12 =	vadd.s32 v39, v40;
	v46 =	vadd.s32 v42, v43  }
0x307: {  	vm11 =	vle.u32 v47, v45;
	vm9 =	vgt.u32 v12, $0x1;
	vm10 =	vgt.u32 v46, v36  }
0x308: {  	v6 =	vnsel vm11, $0x0, v6;
	v7 =	vnsel vm9, $0x0, v7;
	vm0 =	vmxor vm9, vm10  }
0x309: {  	v49 =	vand.u32 $0x7FFFFFFF, v38;
	v50 =	vand.u32 $0x7FFFFFFF, v41;
	v51 =	vand.u32 $0x7FFFFFFF, v9  }
0x30a: {  	v52 =	vand.u32 $0x7FFFFFFF, v44;
	v11 =	vadd.f32 $1.000000010e-07, v50;
	v12 =	vadd.f32 $1.000000010e-07, v51  }
0x30b: {  	vm0 =	vmxor vm11, vm0;
	v10 =	vadd.f32 $1.000000010e-07, v49;
	v16 =	vadd.f32 $1.000000010e-07, v52  }
0x30c: {  	v48 =	vnsel vm10, $0x0, v8;
	v5 =	vnsel vm0, $0x0, v5;
	vm12 =	vge.f32 v11, v12  }
0x30d: {  	vm13 =	vge.f32 v10, v16;
	vm14 =	vge.f32 v10, v11;
	vm15 =	vge.f32 v10, v12  }
0x30e: {  	vm8 =	vge.f32 v16, v11;
	v53 =	vsel vm13, $0x1, v4;
	v54 =	vsel vm14, $0x1, v4  }
0x30f: {  	[tilespmem:v0+s20+$0xF4C0] =	vst.idx.msk $0xffff, v7;
	vm9 =	vge.f32 v16, v12;
	v7 =	vsel vm15, $0x1, v4;
	v55 =	vadd.s32 v53, v54  }
0x310: {  	[tilespmem:v1+s20+$0xF4C0] =	vst.idx.msk $0xffff, v48;
	v56 =	vsel vm8, $0x1, v4;
	v16 =	vsel vm9, $0x1, v4;
	v7 =	vadd.s32 v7, v55  }
0x311: {  	[tilespmem:v2+s20+$0xF4C0] =	vst.idx.msk $0xffff, v6;
	v6 =	vsel vm12, $0x1, v4;
	vm10 =	vgt.u32 v7, $0x1;
	v7 =	vadd.s32 v56, v16  }
0x312: {  	[tilespmem:v3+s20+$0xF4C0] =	vst.idx.msk $0xffff, v5;
	v5 =	vadd.s32 v56, v54;
	vm11 =	vgt.u32 v7, v53;
	v7 =	vnsel vm10, $0x0, v38  }
0x313: {  	vm12 =	vle.u32 v5, v6;
	vm0 =	vmxor vm10, vm11;
	[tilespmem:v0+s21+$0xF480] =	vst.idx.msk $0xffff, v7;
	v5 =	vnsel vm11, $0x0, v44  }
0x314: {  	vm0 =	vmxor vm12, vm0;
	[tilespmem:v1+s21+$0xF480] =	vst.idx.msk $0xffff, v5;
	v5 =	vnsel vm12, $0x0, v41  }
0x315: {  	v60 =	vld.idx.msk [tilespmem:v3+s20+$0x5300], $0xffff;
	[tilespmem:v2+s21+$0xF480] =	vst.idx.msk $0xffff, v5;
	v5 =	vnsel vm0, $0x0, v9  }
0x316: {  	v61 =	vld.idx.msk [tilespmem:v1+s20+$0x5300], $0xffff;
	[tilespmem:v3+s21+$0xF480] =	vst.idx.msk $0xffff, v5  }
0x317: {  	v5 =	vld.idx.msk [tilespmem:v3+s21+$0x52C0], $0xffff  }
0x318: {  	v57 =	vld.idx.msk [tilespmem:v0+s21+$0x52C0], $0xffff  }
0x319: {  	v58 =	vld.idx.msk [tilespmem:v2+s21+$0x52C0], $0xffff  }
0x31a: {  	v59 =	vld.idx.msk [tilespmem:v1+s21+$0x52C0], $0xffff  }
0x31b: {  	v6 =	vld.idx.msk [tilespmem:v0+s20+$0x5300], $0xffff  }
0x31c: {  	v26 =	vand.u32 $0x7FFFFFFF, v60;
	v7 =	vld.idx.msk [tilespmem:v2+s20+$0x5300], $0xffff  }
0x31d: {  	v38 =	vadd.f32 $1.000000010e-07, v26  }
0x31e: {  	v22 =	vand.u32 $0x7FFFFFFF, v57;
	v23 =	vand.u32 $0x7FFFFFFF, v58;
	v24 =	vand.u32 $0x7FFFFFFF, v5  }
0x31f: {  	v25 =	vand.u32 $0x7FFFFFFF, v59;
	v16 =	vadd.f32 $1.000000010e-07, v23;
	v17 =	vadd.f32 $1.000000010e-07, v24  }
0x320: {  	v27 =	vand.u32 $0x7FFFFFFF, v61;
	v15 =	vadd.f32 $1.000000010e-07, v22;
	v18 =	vadd.f32 $1.000000010e-07, v25  }
0x321: {  	v62 =	vand.u32 $0x7FFFFFFF, v6;
	v63 =	vand.u32 $0x7FFFFFFF, v7;
	vm13 =	vge.f32 v16, v17  }
0x322: {  	vm14 =	vge.f32 v15, v18;
	vm15 =	vge.f32 v15, v16;
	vm8 =	vge.f32 v15, v17  }
0x323: {  	vm9 =	vge.f32 v18, v16;
	v28 =	vsel vm14, $0x1, v4;
	v29 =	vsel vm15, $0x1, v4  }
0x324: {  	vm10 =	vge.f32 v18, v17;
	v30 =	vsel vm8, $0x1, v4;
	v31 =	vadd.s32 v28, v29  }
0x325: {  	v32 =	vsel vm9, $0x1, v4;
	v33 =	vsel vm10, $0x1, v4;
	v17 =	vadd.s32 v30, v31  }
0x326: {  	v34 =	vsel vm13, $0x1, v4;
	v35 =	vadd.s32 v32, v33;
	vm11 =	vgt.u32 v17, $0x1  }
0x327: {  	v36 =	vadd.s32 v32, v29;
	vm12 =	vgt.u32 v35, v28;
	v8 =	vnsel vm11, $0x0, v57  }
0x328: {  	vm13 =	vle.u32 v36, v34;
	v37 =	vnsel vm12, $0x0, v59;
	vm0 =	vmxor vm11, vm12;
	[tilespmem:v0+s21+$0xF4C0] =	vst.idx.msk $0xffff, v8  }
0x329: {  	v14 =	vadd.f32 $1.000000010e-07, v63;
	v39 =	vnsel vm13, $0x0, v58;
	vm0 =	vmxor vm13, vm0;
	[tilespmem:v1+s21+$0xF4C0] =	vst.idx.msk $0xffff, v37  }
0x32a: {  	v41 =	vadd.f32 $1.000000010e-07, v27;
	v40 =	vadd.f32 $1.000000010e-07, v62;
	v5 =	vnsel vm0, $0x0, v5;
	[tilespmem:v2+s21+$0xF4C0] =	vst.idx.msk $0xffff, v39  }
0x32b: {  	vm14 =	vge.f32 v14, v38;
	[tilespmem:v3+s21+$0xF4C0] =	vst.idx.msk $0xffff, v5  }
0x32c: {  	vm15 =	vge.f32 v40, v41;
	vm8 =	vge.f32 v40, v14;
	vm9 =	vge.f32 v40, v38;
	v5 =	vld.idx.msk [tilespmem:v3+s21+$0x5300], $0xffff  }
0x32d: {  	vm10 =	vge.f32 v41, v14;
	v42 =	vsel vm15, $0x1, v4;
	v43 =	vsel vm8, $0x1, v4;
	v44 =	vld.idx.msk [tilespmem:v0+s21+$0x5300], $0xffff  }
0x32e: {  	v45 =	vsel vm9, $0x1, v4;
	v48 =	vsel vm10, $0x1, v4;
	vm11 =	vge.f32 v41, v38;
	v47 =	vld.idx.msk [tilespmem:v2+s21+$0x5300], $0xffff  }
0x32f: {  	v51 =	vsel vm14, $0x1, v4;
	v46 =	vadd.s32 v42, v43;
	v49 =	vsel vm11, $0x1, v4;
	v50 =	vld.idx.msk [tilespmem:v1+s21+$0x5300], $0xffff  }
0x330: {  	v53 =	vadd.s32 v48, v43;
	v10 =	vadd.s32 v45, v46;
	v52 =	vadd.s32 v48, v49  }
0x331: {  	vm14 =	vle.u32 v53, v51;
	vm12 =	vgt.u32 v10, $0x1;
	vm13 =	vgt.u32 v52, v42  }
0x332: {  	v7 =	vnsel vm14, $0x0, v7;
	v6 =	vnsel vm12, $0x0, v6;
	vm0 =	vmxor vm12, vm13  }
0x333: {  	v55 =	vand.u32 $0x7FFFFFFF, v44;
	v56 =	vand.u32 $0x7FFFFFFF, v47;
	v57 =	vand.u32 $0x7FFFFFFF, v5  }
0x334: {  	v58 =	vand.u32 $0x7FFFFFFF, v50;
	v10 =	vadd.f32 $1.000000010e-07, v56;
	v12 =	vadd.f32 $1.000000010e-07, v57  }
0x335: {  	vm0 =	vmxor vm14, vm0;
	v9 =	vadd.f32 $1.000000010e-07, v55;
	v16 =	vadd.f32 $1.000000010e-07, v58  }
0x336: {  	v54 =	vnsel vm13, $0x0, v61;
	v11 =	vnsel vm0, $0x0, v60;
	vm15 =	vge.f32 v10, v12  }
0x337: {  	vm8 =	vge.f32 v9, v16;
	vm9 =	vge.f32 v9, v10;
	vm10 =	vge.f32 v9, v12  }
0x338: {  	vm11 =	vge.f32 v16, v10;
	v59 =	vsel vm8, $0x1, v4;
	v60 =	vsel vm9, $0x1, v4  }
0x339: {  	[tilespmem:v0+s20+$0xF500] =	vst.idx.msk $0xffff, v6;
	vm12 =	vge.f32 v16, v12;
	v6 =	vsel vm10, $0x1, v4;
	v61 =	vadd.s32 v59, v60  }
0x33a: {  	[tilespmem:v1+s20+$0xF500] =	vst.idx.msk $0xffff, v54;
	v62 =	vsel vm11, $0x1, v4;
	v16 =	vsel vm12, $0x1, v4;
	v6 =	vadd.s32 v6, v61  }
0x33b: {  	[tilespmem:v2+s20+$0xF500] =	vst.idx.msk $0xffff, v7;
	v7 =	vsel vm15, $0x1, v4;
	vm13 =	vgt.u32 v6, $0x1;
	v6 =	vadd.s32 v62, v16  }
0x33c: {  	[tilespmem:v3+s20+$0xF500] =	vst.idx.msk $0xffff, v11;
	vm14 =	vgt.u32 v6, v59;
	v6 =	vadd.s32 v62, v60;
	v63 =	vnsel vm13, $0x0, v44  }
.Ltmp4:
0x33d: {  	vm15 =	vle.u32 v6, v7;
	vm0 =	vmxor vm13, vm14;
	[tilespmem:v0+s21+$0xF500] =	vst.idx.msk $0xffff, v63;
	v6 =	vnsel vm14, $0x0, v50;
	(pc) =	sbr.rel @p1 .LBB2_8-.Ltmp4, $4  }
0x33e: {  	vm0 =	vmxor vm15, vm0;
	[tilespmem:v1+s21+$0xF500] =	vst.idx.msk $0xffff, v6;
	v6 =	vnsel vm15, $0x0, v47  }
0x33f: {  	s19 =	sshrl.u32 s19, $0x3;
	[tilespmem:v2+s21+$0xF500] =	vst.idx.msk $0xffff, v6;
	v5 =	vnsel vm0, $0x0, v5  }
0x340: {  	s31 =	sadd.s32 s3, s19;
	[tilespmem:v3+s21+$0xF500] =	vst.idx.msk $0xffff, v5  }
0x341: {  	[hbm4b:s31+s4] =	stream.linear.scatter [tilespmem:s14], [sflag:$0x4], $0x5100, $0x38;
	[tilespmem:$0x14400] =	vst v63  }
.Ltmp5:
0x342: {  	(pc) =	sbr.rel .LBB2_2-.Ltmp5, $4  }
0x343: {  	_ = 	snop  }
0x344: {  	s19 =	sadd.s32 s2, s19  }
0x345: {  	s18 =	sadd.s32 $0x1, s18;
	s19 =	sadd.s32 $0x1440, s19  }
0x346: {  	[tilespmem:s10], [sflag:$0x2] =	stream.linear.gather [hbm4b:s19+s4], $0x5100, $0x38;
	[tilespmem:$0x14400] =	vst v63  }
.LBB2_9:
0x347: {  	_ =	sfence.sel $0x180000  }
0x348: {  	[bflag:$0x0] =	sbarrier.arrive $0xFFFF  }
0x349: {  	p0 =	sne.s32 s0, $0x0;
	_ =	strace $0x90000047  }
0x34a: {  	s0 =	sadd.s32 @!p0 $0x100000, s1;
	[bflag:$0x2] =	sbarrier.arrive $0xFFFF  }
0x34b: {  	[sflag:s0] =	ssyncadd.tile.s32 @!p0 $0x1;
	_ =	shalt  }
.Lfunc_end2:
_tile_overlayer_lowered:
.L_overlay_start_2:
0x34c: {  	(tag) =	ssettag $0x2  }
0x34d: {  	s0 =	rddreg [dreg:$0x0];
	s2 =	stileid.u32  }
0x34e: {  	s1 =	rddreg [dreg:$0x1];
	p0 =	sne.s32 s2, $0x0  }
0x34f: {  	s3 =	rddreg [dreg:$0x2];
	[bflag:$0x3] =	sbarrier.arrive $0xFFFF;
	s2 =	simm.s32 @!p0 $0x1C05  }
0x350: {  	[timem:s3], [sflag:s2] =	dma.local @!p0 [hbm:s0], s1  }
0x351: {  	s0 =	simm.s32 @!p0 $0x5  }
0x352: {  	_ =	swait.ge @!p0 [sflag:s0], s1  }
0x353: {  	s1 =	ssub.s32 @!p0 $0x0, s1;
	[sflag:s0] =	ssyncset.done @!p0 $0x0  }
0x354: {  	[sflag:s0] =	ssyncadd.s32 @!p0 s1  }
0x355: {  	[bflag:$0x3] =	sbarrier.arrive $0xFFFF  }
0x356: {  	_ =	shalt  }

</sc_bundles>
